<compile_context>
chip_gen: v7x
topology: tpu7x:2x2x1
jax: 0.10.2.dev20260603
libtpu: 0.0.44.dev20260713+nightly
codegen_flags: <defaults>
</compile_context>

<pallas_src>
import functools

import numpy as np

import jax
import jax.numpy as jnp
from jax import lax
from jax.experimental import pallas as pl
from jax.experimental.pallas import tpu as pltpu
from jax.experimental.pallas import tpu_sc as plsc

_NC = 2
_NS = 16
_NW = _NC * _NS



def _pack_bf16(lo, hi):
    def rtn(v):
        u = lax.bitcast_convert_type(v, jnp.int32)
        rounded = (u + jnp.int32(0x7FFF)
                   + lax.bitwise_and(lax.shift_right_logical(u, 16),
                                     jnp.int32(1)))
        return lax.shift_right_logical(rounded, 16)

    return lax.bitwise_or(rtn(lo), lax.shift_left(rtn(hi), 16))


def _node_mm_body(x_ref, w_ref, b_ref, xab_ref, xc_ref, xr_ref):
    y = jnp.dot(x_ref[...], w_ref[...], preferred_element_type=jnp.float32)
    y = y + b_ref[...]
    xab_ref[...] = _pack_bf16(y[:, :128], y[:, 128:256])
    xc_ref[...] = y[:, 256:384]
    xr_ref[...] = y[:, 384:512]


def _edge_mm_body(ea_ref, w_ref, b_ref, out_ref):
    y = (jnp.dot(ea_ref[...], w_ref[...], preferred_element_type=jnp.float32)
         + b_ref[...])
    out_ref[...] = _pack_bf16(y[:, :64], y[:, 64:])


def _final_body(a0_ref, a1_ref, xr_ref, out_ref):
    out_ref[...] = jnp.maximum(a0_ref[...] + a1_ref[...] + xr_ref[...], 0.0)



def _make_sc_agg(n_nodes, n_edges, d):
    ept = n_edges // _NW
    ch = 40
    n_chunks = ept // ch
    assert ept * _NW == n_edges and n_chunks * ch == ept
    assert n_chunks % 2 == 0
    slab = 80
    n_slabs = n_nodes // slab
    assert n_slabs * slab == n_nodes
    slab_iters = (n_slabs + _NS - 1) // _NS

    mesh = plsc.VectorSubcoreMesh(core_axis_name="c", subcore_axis_name="s")

    @functools.partial(
        pl.kernel,
        mesh=mesh,
        out_type=jax.ShapeDtypeStruct((_NC, n_nodes, d), jnp.float32),
        scratch_types=[
            pltpu.VMEM((ch, d), jnp.int32),
            pltpu.VMEM((ch, d), jnp.int32),
            pltpu.VMEM((ch, d), jnp.float32),
            pltpu.VMEM((ch, d), jnp.float32),
            pltpu.VMEM((ch, d // 2), jnp.int32),
            pltpu.VMEM((ch, d // 2), jnp.int32),
            pltpu.VMEM((ch, d), jnp.float32),
            pltpu.VMEM((ch, d), jnp.float32),
            pltpu.VMEM((4, ch), jnp.int32),
            pltpu.VMEM((4, ch), jnp.int32),
            pltpu.VMEM_SHARED((n_nodes, d), jnp.float32),
            pltpu.SemaphoreType.DMA,
            pltpu.SemaphoreType.DMA,
            pltpu.SemaphoreType.DMA,
            pltpu.SemaphoreType.DMA,
            pltpu.SemaphoreType.DMA,
            pltpu.SemaphoreType.DMA,
            pltpu.SemaphoreType.DMA,
            pltpu.SemaphoreType.DMA,
            pltpu.SemaphoreType.DMA,
            pltpu.SemaphoreType.DMA,
        ],
    )
    def sc_agg(xab_hbm, xc_hbm, ee_hbm, row_hbm, col_hbm, zero_hbm, out_hbm,
               xab_v0, xab_v1, xc_v0, xc_v1, ee_v0, ee_v1, m_v0, m_v1,
               ir_v, ic_v, agg_sh, sem_ab0, sem_ab1, sem_c0, sem_c1,
               sem_e0, sem_e1, sem_s0, sem_s1, sem_i0, sem_i1):
        c = lax.axis_index("c")
        s = lax.axis_index("s")
        tid = c * _NS + s
        ebase = tid * ept
        xab_bufs = (xab_v0, xab_v1)
        xc_bufs = (xc_v0, xc_v1)
        ee_bufs = (ee_v0, ee_v1)
        m_bufs = (m_v0, m_v1)
        sem_ab = (sem_ab0, sem_ab1)
        sem_c = (sem_c0, sem_c1)
        sem_e = (sem_e0, sem_e1)
        sem_s = (sem_s0, sem_s1)
        sem_i = (sem_i0, sem_i1)

        def zero_body(k, carry):
            g = k * _NS + s

            @pl.when(g < n_slabs)
            def _():
                pltpu.sync_copy(zero_hbm.at[pl.ds(g * slab, slab)],
                                agg_sh.at[pl.ds(g * slab, slab)])
            return carry

        lax.fori_loop(0, slab_iters, zero_body, 0)
        plsc.subcore_barrier()

        def ring(j):
            return lax.rem(j, 4)

        def issue_gathers(j, b):
            r = ring(j)
            pltpu.async_copy(xab_hbm.at[ir_v.at[r]], xab_bufs[b], sem_ab[b])
            pltpu.async_copy(xc_hbm.at[ic_v.at[r]], xc_bufs[b], sem_c[b])
            pltpu.async_copy(ee_hbm.at[pl.ds(ebase + j * ch, ch)], ee_bufs[b],
                             sem_e[b])

        def wait_gathers(j, b):
            r = ring(j)
            pltpu.make_async_copy(xab_hbm.at[ir_v.at[r]],
                                  xab_bufs[b], sem_ab[b]).wait()
            pltpu.make_async_copy(xc_hbm.at[ic_v.at[r]],
                                  xc_bufs[b], sem_c[b]).wait()
            pltpu.make_async_copy(ee_hbm.at[pl.ds(ebase + j * ch, ch)],
                                  ee_bufs[b], sem_e[b]).wait()

        def wait_scatter(b_prev):
            pltpu.make_async_copy(m_bufs[b_prev], agg_sh.at[ic_v.at[0]],
                                  sem_s[b_prev]).wait()

        def issue_idx(j, p):
            r = ring(j)
            pltpu.async_copy(row_hbm.at[pl.ds(ebase + j * ch, ch)],
                             ir_v.at[r], sem_i[p])
            pltpu.async_copy(col_hbm.at[pl.ds(ebase + j * ch, ch)],
                             ic_v.at[r], sem_i[p])

        def wait_idx(j, p):
            r = ring(j)
            pltpu.make_async_copy(row_hbm.at[pl.ds(ebase + j * ch, ch)],
                                  ir_v.at[r], sem_i[p]).wait()
            pltpu.make_async_copy(col_hbm.at[pl.ds(ebase + j * ch, ch)],
                                  ic_v.at[r], sem_i[p]).wait()

        def compute_chunk(b):
            xab_b, xc_b, ee_b, m_b = (xab_bufs[b], xc_bufs[b], ee_bufs[b],
                                      m_bufs[b])
            hmask = jnp.full((16,), -65536, jnp.int32)

            def unpack(w):
                lo = lax.bitcast_convert_type(
                    lax.shift_left(w, 16), jnp.float32)
                hi = lax.bitcast_convert_type(
                    lax.bitwise_and(w, hmask), jnp.float32)
                return lo, hi

            def gate(a, z):
                t = 1.0 + jnp.exp(-z)
                ti = lax.bitcast_convert_type(t, jnp.int32)
                r = lax.bitcast_convert_type(
                    jnp.int32(0x7EF311C3) - ti, jnp.float32)
                r = r * (2.0 - t * r)
                r = r * (2.0 - t * r)
                return a * r

            @plsc.parallel_loop(0, ch, 1, unroll=2)
            def _edge(e):
                for jj in range(d // 32):
                    slo = pl.ds(jj * 16, 16)
                    shi = pl.ds(d // 2 + jj * 16, 16)
                    a0, b0 = unpack(xab_b[e, slo])
                    a1, b1 = unpack(xab_b[e, shi])
                    t0, t1 = unpack(ee_b[e, slo])
                    c0 = xc_b[e, slo]
                    c1 = xc_b[e, shi]
                    m_b[e, slo] = gate(a0, b0 + c0 + t0)
                    m_b[e, shi] = gate(a1, b1 + c1 + t1)

        pltpu.sync_copy(row_hbm.at[pl.ds(ebase, ch)], ir_v.at[0])
        pltpu.sync_copy(col_hbm.at[pl.ds(ebase, ch)], ic_v.at[0])
        issue_idx(1, 1)
        issue_gathers(0, 0)

        @pl.loop(0, n_chunks // 2)
        def _pair(g):
            for b in (0, 1):
                j = g * 2 + b

                if b == 0:
                    wait_idx(j + 1, 1 - b)
                    issue_gathers(j + 1, 1)
                else:
                    @pl.when(g < n_chunks // 2 - 1)
                    def _():
                        wait_idx(j + 1, 1 - b)
                        issue_gathers(j + 1, 0)

                wait_gathers(j, b)

                @pl.when(g >= 1)
                def _():
                    wait_scatter(b)

                @pl.when(g < n_chunks // 2 - 1)
                def _():
                    issue_idx(j + 2, b)

                compute_chunk(b)

                cps = pltpu.async_copy(
                    m_bufs[b], agg_sh.at[ic_v.at[ring(j)]], sem_s[b],
                    add=True)
                if b == 1:
                    @pl.when(g == n_chunks // 2 - 1)
                    def _():
                        wait_scatter(0)
                        cps.wait()

        plsc.subcore_barrier()

        def out_body(k, carry):
            g = k * _NS + s

            @pl.when(g < n_slabs)
            def _():
                pltpu.sync_copy(agg_sh.at[pl.ds(g * slab, slab)],
                                out_hbm.at[c, pl.ds(g * slab, slab)])
            return carry

        lax.fori_loop(0, slab_iters, out_body, 0)

    return sc_agg



def kernel(x, edge_index, edge_attr, A_w, A_b, B_w, B_b, C_w, C_b,
           E_w, E_b, R_w, R_b):
    n_nodes, d = x.shape
    n_edges = edge_attr.shape[0]

    w_cat = jnp.concatenate([A_w, B_w, C_w, R_w], axis=1)
    b_cat = jnp.concatenate([A_b, B_b, C_b, R_b])[None, :]
    nblk = 1000
    xab_i, xc, xr = pl.pallas_call(
        _node_mm_body,
        grid=(n_nodes // nblk,),
        in_specs=[
            pl.BlockSpec((nblk, d), lambda i: (i, 0)),
            pl.BlockSpec((d, 4 * d), lambda i: (0, 0)),
            pl.BlockSpec((1, 4 * d), lambda i: (0, 0)),
        ],
        out_specs=[
            pl.BlockSpec((nblk, d), lambda i: (i, 0)),
            pl.BlockSpec((nblk, d), lambda i: (i, 0)),
            pl.BlockSpec((nblk, d), lambda i: (i, 0)),
        ],
        out_shape=[
            jax.ShapeDtypeStruct((n_nodes, d), jnp.int32),
            jax.ShapeDtypeStruct((n_nodes, d), jnp.float32),
            jax.ShapeDtypeStruct((n_nodes, d), jnp.float32),
        ],
    )(x, w_cat, b_cat)

    eblk = 16000
    ee_i = pl.pallas_call(
        _edge_mm_body,
        grid=(n_edges // eblk,),
        in_specs=[
            pl.BlockSpec((eblk, d), lambda i: (i, 0)),
            pl.BlockSpec((d, d), lambda i: (0, 0)),
            pl.BlockSpec((1, d), lambda i: (0, 0)),
        ],
        out_specs=pl.BlockSpec((eblk, d // 2), lambda i: (i, 0)),
        out_shape=jax.ShapeDtypeStruct((n_edges, d // 2), jnp.int32),
    )(edge_attr, E_w, E_b[None, :])

    row = edge_index[0].astype(jnp.int32)
    col = edge_index[1].astype(jnp.int32)
    zeros = jnp.zeros((n_nodes, d), jnp.float32)
    agg2 = _make_sc_agg(n_nodes, n_edges, d)(xab_i, xc, ee_i, row, col, zeros)

    fblk = 5000
    out = pl.pallas_call(
        _final_body,
        grid=(n_nodes // fblk,),
        in_specs=[
            pl.BlockSpec((fblk, d), lambda i: (i, 0)),
            pl.BlockSpec((fblk, d), lambda i: (i, 0)),
            pl.BlockSpec((fblk, d), lambda i: (i, 0)),
        ],
        out_specs=pl.BlockSpec((fblk, d), lambda i: (i, 0)),
        out_shape=jax.ShapeDtypeStruct((n_nodes, d), jnp.float32),
    )(agg2[0], agg2[1], xr)
    return out

# --- scband reference (transcript-rebuilt; emitter-appended) ---
"""Pipeline reference for scband-gated-gcnlayer-16724602650928 (READ-ONLY COPY).

The authoritative reference and input builder live on the scoring server;
editing this copy changes nothing except your own understanding.
"""

import jax, jax.numpy as jnp
import numpy as np

N_NODES = 10000
N_EDGES = 320000
D = 128

def setup_inputs(seed: int = 0) -> dict:
    key = jax.random.key(seed)
    ks = jax.random.split(key, 16)
    x = jax.random.normal(ks[0], (N_NODES, D), dtype=jnp.float32)
    edge_index = jax.random.randint(ks[1], (2, N_EDGES), 0, N_NODES, dtype=jnp.int64)
    edge_attr = jax.random.normal(ks[2], (N_EDGES, D), dtype=jnp.float32)
    s = 1.0 / np.sqrt(D)
    A_w = jax.random.uniform(ks[3], (D, D), jnp.float32, -s, s)
    A_b = jax.random.uniform(ks[4], (D,), jnp.float32, -s, s)
    B_w = jax.random.uniform(ks[5], (D, D), jnp.float32, -s, s)
    B_b = jax.random.uniform(ks[6], (D,), jnp.float32, -s, s)
    C_w = jax.random.uniform(ks[7], (D, D), jnp.float32, -s, s)
    C_b = jax.random.uniform(ks[8], (D,), jnp.float32, -s, s)
    E_w = jax.random.uniform(ks[9], (D, D), jnp.float32, -s, s)
    E_b = jax.random.uniform(ks[10], (D,), jnp.float32, -s, s)
    R_w = jax.random.uniform(ks[11], (D, D), jnp.float32, -s, s)
    R_b = jax.random.uniform(ks[12], (D,), jnp.float32, -s, s)
    return {"x": x, "edge_index": edge_index, "edge_attr": edge_attr,
            "A_w": A_w, "A_b": A_b, "B_w": B_w, "B_b": B_b,
            "C_w": C_w, "C_b": C_b, "E_w": E_w, "E_b": E_b,
            "R_w": R_w, "R_b": R_b}

def reference(x, edge_index, edge_attr, A_w, A_b, B_w, B_b, C_w, C_b, E_w, E_b, R_w, R_b):
    row = edge_index[0]
    col = edge_index[1]
    x_row = jnp.take(x, row, axis=0)
    x_col = jnp.take(x, col, axis=0)
    m = (x_row @ B_w + B_b) + (x_col @ C_w + C_b) + (edge_attr @ E_w + E_b)
    m = jax.nn.sigmoid(m) * (x_row @ A_w + A_b)
    agg = jnp.zeros_like(x).at[col].add(m)
    return jax.nn.relu(agg + (x @ R_w + R_b))

if __name__ == "__main__":
    import jax
    _d = setup_inputs()
    print(jax.jit(kernel)(*tuple(_d.values())))

</pallas_src>

<mosaic_0001>
#map = affine_map<(d0, d1) -> (0, 0)>
#map1 = affine_map<(d0, d1) -> (0)>
#map2 = affine_map<(d0, d1) -> (0, 0, 0)>
module attributes {stable_mosaic.version = 14 : i64} {
  func.func @sc_agg(%arg0: i32, %arg1: i32, %arg2: memref<10000x128xi32, #tpu.memory_space<hbm>>, %arg3: memref<10000x128xf32, #tpu.memory_space<hbm>>, %arg4: memref<320000x64xi32, #tpu.memory_space<hbm>>, %arg5: memref<320000xi32, #tpu.memory_space<hbm>>, %arg6: memref<320000xi32, #tpu.memory_space<hbm>>, %arg7: memref<10000x128xf32, #tpu.memory_space<hbm>>, %arg8: memref<2x10000x128xf32, #tpu.memory_space<hbm>>, %arg9: memref<40x128xi32, #tpu.memory_space<vmem>>, %arg10: memref<40x128xi32, #tpu.memory_space<vmem>>, %arg11: memref<40x128xf32, #tpu.memory_space<vmem>>, %arg12: memref<40x128xf32, #tpu.memory_space<vmem>>, %arg13: memref<40x64xi32, #tpu.memory_space<vmem>>, %arg14: memref<40x64xi32, #tpu.memory_space<vmem>>, %arg15: memref<40x128xf32, #tpu.memory_space<vmem>>, %arg16: memref<40x128xf32, #tpu.memory_space<vmem>>, %arg17: memref<4x40xi32, #tpu.memory_space<vmem>>, %arg18: memref<4x40xi32, #tpu.memory_space<vmem>>, %arg19: memref<10000x128xf32, #tpu.memory_space<vmem_shared>>, %arg20: memref<!tpu.dma_semaphore, #tpu.memory_space<semaphore_mem>>, %arg21: memref<!tpu.dma_semaphore, #tpu.memory_space<semaphore_mem>>, %arg22: memref<!tpu.dma_semaphore, #tpu.memory_space<semaphore_mem>>, %arg23: memref<!tpu.dma_semaphore, #tpu.memory_space<semaphore_mem>>, %arg24: memref<!tpu.dma_semaphore, #tpu.memory_space<semaphore_mem>>, %arg25: memref<!tpu.dma_semaphore, #tpu.memory_space<semaphore_mem>>, %arg26: memref<!tpu.dma_semaphore, #tpu.memory_space<semaphore_mem>>, %arg27: memref<!tpu.dma_semaphore, #tpu.memory_space<semaphore_mem>>, %arg28: memref<!tpu.dma_semaphore, #tpu.memory_space<semaphore_mem>>, %arg29: memref<!tpu.dma_semaphore, #tpu.memory_space<semaphore_mem>>) attributes {dimension_semantics = [#tpu.dimension_semantics<core_parallel>, #tpu.dimension_semantics<subcore_parallel>], iteration_bounds = array<i64: 2, 16>, scalar_prefetch = 0 : i64, scratch_operands = 21 : i64, tpu.core_type = #tpu.core_type<sc_vector_subcore>, window_params = [{transform_indices = #map}, {transform_indices = #map}, {transform_indices = #map}, {transform_indices = #map1}, {transform_indices = #map1}, {transform_indices = #map}, {transform_indices = #map2}]} {
    %mul3A = arith.constant 16 : i32
    %mul3A_0 = arith.muli %arg0, %mul3A : i32
    %add3A = arith.addi %mul3A_0, %arg1 : i32
    %mul3A_1 = arith.constant 10000 : i32
    %mul3A_2 = arith.muli %add3A, %mul3A_1 : i32
    %scan3A = arith.constant 0 : i32
    %scan3A_3 = arith.constant 0 : i32
    %scan3A_4 = arith.constant 8 : i32
    %scan3A_5 = arith.addi %scan3A_3, %scan3A_4 : i32
    %scan3A_6 = arith.constant 1 : i32
    scf.for %scan3A_63 = %scan3A_3 to %scan3A_5 step %scan3A_6  : i32 {
      %mul3A_64 = arith.constant 16 : i32
      %mul3A_65 = arith.muli %scan3A_63, %mul3A_64 : i32
      %add3A_66 = arith.addi %mul3A_65, %arg1 : i32
      %lt3A = arith.constant 125 : i32
      %lt3A_67 = arith.cmpi slt, %add3A_66, %lt3A : i32
      %convert_element_type3A = arith.extui %lt3A_67 : i1 to i32
      %cond3A = arith.constant 0 : i32
      %cond3A_68 = arith.cmpi ne, %convert_element_type3A, %cond3A : i32
      scf.if %cond3A_68 {
        %mul3A_69 = arith.constant 80 : i32
        %mul3A_70 = arith.muli %add3A_66, %mul3A_69 : i32
        %mul3A_71 = arith.constant 80 : i32
        %mul3A_72 = arith.muli %add3A_66, %mul3A_71 : i32
        "tpu.region"() ({
          %run_scoped3A_73 = tpu.sem_alloc : memref<!tpu.dma_semaphore, #tpu.memory_space<semaphore_mem>>
          %dma_start3A_74 = arith.constant 0 : i32
          %dma_start3A_75 = tpu.memref_slice %arg19[%mul3A_72, %dma_start3A_74] : memref<10000x128xf32, #tpu.memory_space<vmem_shared>> -> memref<80x128xf32, #tpu.memory_space<vmem_shared>>
          %dma_start3A_76 = arith.constant 0 : i32
          %dma_start3A_77 = tpu.memref_slice %arg7[%mul3A_70, %dma_start3A_76] : memref<10000x128xf32, #tpu.memory_space<hbm>> -> memref<80x128xf32, #tpu.memory_space<hbm>>
          tpu.enqueue_dma source(%dma_start3A_77 : memref<80x128xf32, #tpu.memory_space<hbm>>) target(%dma_start3A_75 : memref<80x128xf32, #tpu.memory_space<vmem_shared>>) target_semaphore(%run_scoped3A_73 : memref<!tpu.dma_semaphore, #tpu.memory_space<semaphore_mem>>)
          %dma_wait3A = arith.constant 0 : i32
          %dma_wait3A_78 = tpu.memref_slice %arg19[%mul3A_72, %dma_wait3A] : memref<10000x128xf32, #tpu.memory_space<vmem_shared>> -> memref<80x128xf32, #tpu.memory_space<vmem_shared>>
          %dma_wait3A_79 = arith.constant 0 : i32
          %dma_wait3A_80 = tpu.memref_slice %arg7[%mul3A_70, %dma_wait3A_79] : memref<10000x128xf32, #tpu.memory_space<hbm>> -> memref<80x128xf32, #tpu.memory_space<hbm>>
          tpu.wait_dma2 semaphore(%run_scoped3A_73 : memref<!tpu.dma_semaphore, #tpu.memory_space<semaphore_mem>>) src(%dma_wait3A_80 : memref<80x128xf32, #tpu.memory_space<hbm>>) dst(%dma_wait3A_78 : memref<80x128xf32, #tpu.memory_space<vmem_shared>>)
          tpu.yield
        }) : () -> ()
      } else {
      }
    }
    %scan3A_7 = arith.constant 8 : i32
    %barrier3A = arith.constant 0 : index
    tpu.barrier barrier_id(%barrier3A)
    %run_scoped3A = arith.constant 0 : i32
    "tpu.region"() ({
      %run_scoped3A_63 = tpu.sem_alloc : memref<!tpu.dma_semaphore, #tpu.memory_space<semaphore_mem>>
      %dma_start3A_64 = arith.constant 0 : i32
      %dma_start3A_65 = tpu.memref_slice %arg17[%run_scoped3A, %dma_start3A_64] : memref<4x40xi32, #tpu.memory_space<vmem>> -> memref<1x40xi32, #tpu.memory_space<vmem>>
      %dma_start3A_66 = tpu.memref_squeeze %dma_start3A_65 : memref<1x40xi32, #tpu.memory_space<vmem>> -> memref<40xi32, #tpu.memory_space<vmem>>
      %dma_start3A_67 = tpu.memref_slice %arg5[%mul3A_2] : memref<320000xi32, #tpu.memory_space<hbm>> -> memref<40xi32, #tpu.memory_space<hbm>>
      %dma_start3A_68 = arith.constant 0 : i32
      %dma_start3A_69 = tpu.memref_slice %arg17[%run_scoped3A, %dma_start3A_68] : memref<4x40xi32, #tpu.memory_space<vmem>> -> memref<1x40xi32, #tpu.memory_space<vmem>>
      %dma_start3A_70 = tpu.memref_squeeze %dma_start3A_69 : memref<1x40xi32, #tpu.memory_space<vmem>> -> memref<40xi32, #tpu.memory_space<vmem>>
      %dma_start3A_71 = tpu.memref_slice %arg5[%mul3A_2] : memref<320000xi32, #tpu.memory_space<hbm>> -> memref<40xi32, #tpu.memory_space<hbm>>
      tpu.enqueue_dma source(%dma_start3A_71 : memref<40xi32, #tpu.memory_space<hbm>>) target(%dma_start3A_70 : memref<40xi32, #tpu.memory_space<vmem>>) target_semaphore(%run_scoped3A_63 : memref<!tpu.dma_semaphore, #tpu.memory_space<semaphore_mem>>)
      %dma_wait3A = arith.constant 0 : i32
      %dma_wait3A_72 = tpu.memref_slice %arg17[%run_scoped3A, %dma_wait3A] : memref<4x40xi32, #tpu.memory_space<vmem>> -> memref<1x40xi32, #tpu.memory_space<vmem>>
      %dma_wait3A_73 = tpu.memref_squeeze %dma_wait3A_72 : memref<1x40xi32, #tpu.memory_space<vmem>> -> memref<40xi32, #tpu.memory_space<vmem>>
      %dma_wait3A_74 = tpu.memref_slice %arg5[%mul3A_2] : memref<320000xi32, #tpu.memory_space<hbm>> -> memref<40xi32, #tpu.memory_space<hbm>>
      %dma_wait3A_75 = arith.constant 0 : i32
      %dma_wait3A_76 = tpu.memref_slice %arg17[%run_scoped3A, %dma_wait3A_75] : memref<4x40xi32, #tpu.memory_space<vmem>> -> memref<1x40xi32, #tpu.memory_space<vmem>>
      %dma_wait3A_77 = tpu.memref_squeeze %dma_wait3A_76 : memref<1x40xi32, #tpu.memory_space<vmem>> -> memref<40xi32, #tpu.memory_space<vmem>>
      %dma_wait3A_78 = tpu.memref_slice %arg5[%mul3A_2] : memref<320000xi32, #tpu.memory_space<hbm>> -> memref<40xi32, #tpu.memory_space<hbm>>
      tpu.wait_dma2 semaphore(%run_scoped3A_63 : memref<!tpu.dma_semaphore, #tpu.memory_space<semaphore_mem>>) src(%dma_wait3A_78 : memref<40xi32, #tpu.memory_space<hbm>>) dst(%dma_wait3A_77 : memref<40xi32, #tpu.memory_space<vmem>>)
      tpu.yield
    }) : () -> ()
    %run_scoped3A_8 = arith.constant 0 : i32
    "tpu.region"() ({
      %run_scoped3A_63 = tpu.sem_alloc : memref<!tpu.dma_semaphore, #tpu.memory_space<semaphore_mem>>
      %dma_start3A_64 = arith.constant 0 : i32
      %dma_start3A_65 = tpu.memref_slice %arg18[%run_scoped3A_8, %dma_start3A_64] : memref<4x40xi32, #tpu.memory_space<vmem>> -> memref<1x40xi32, #tpu.memory_space<vmem>>
      %dma_start3A_66 = tpu.memref_squeeze %dma_start3A_65 : memref<1x40xi32, #tpu.memory_space<vmem>> -> memref<40xi32, #tpu.memory_space<vmem>>
      %dma_start3A_67 = tpu.memref_slice %arg6[%mul3A_2] : memref<320000xi32, #tpu.memory_space<hbm>> -> memref<40xi32, #tpu.memory_space<hbm>>
      %dma_start3A_68 = arith.constant 0 : i32
      %dma_start3A_69 = tpu.memref_slice %arg18[%run_scoped3A_8, %dma_start3A_68] : memref<4x40xi32, #tpu.memory_space<vmem>> -> memref<1x40xi32, #tpu.memory_space<vmem>>
      %dma_start3A_70 = tpu.memref_squeeze %dma_start3A_69 : memref<1x40xi32, #tpu.memory_space<vmem>> -> memref<40xi32, #tpu.memory_space<vmem>>
      %dma_start3A_71 = tpu.memref_slice %arg6[%mul3A_2] : memref<320000xi32, #tpu.memory_space<hbm>> -> memref<40xi32, #tpu.memory_space<hbm>>
      tpu.enqueue_dma source(%dma_start3A_71 : memref<40xi32, #tpu.memory_space<hbm>>) target(%dma_start3A_70 : memref<40xi32, #tpu.memory_space<vmem>>) target_semaphore(%run_scoped3A_63 : memref<!tpu.dma_semaphore, #tpu.memory_space<semaphore_mem>>)
      %dma_wait3A = arith.constant 0 : i32
      %dma_wait3A_72 = tpu.memref_slice %arg18[%run_scoped3A_8, %dma_wait3A] : memref<4x40xi32, #tpu.memory_space<vmem>> -> memref<1x40xi32, #tpu.memory_space<vmem>>
      %dma_wait3A_73 = tpu.memref_squeeze %dma_wait3A_72 : memref<1x40xi32, #tpu.memory_space<vmem>> -> memref<40xi32, #tpu.memory_space<vmem>>
      %dma_wait3A_74 = tpu.memref_slice %arg6[%mul3A_2] : memref<320000xi32, #tpu.memory_space<hbm>> -> memref<40xi32, #tpu.memory_space<hbm>>
      %dma_wait3A_75 = arith.constant 0 : i32
      %dma_wait3A_76 = tpu.memref_slice %arg18[%run_scoped3A_8, %dma_wait3A_75] : memref<4x40xi32, #tpu.memory_space<vmem>> -> memref<1x40xi32, #tpu.memory_space<vmem>>
      %dma_wait3A_77 = tpu.memref_squeeze %dma_wait3A_76 : memref<1x40xi32, #tpu.memory_space<vmem>> -> memref<40xi32, #tpu.memory_space<vmem>>
      %dma_wait3A_78 = tpu.memref_slice %arg6[%mul3A_2] : memref<320000xi32, #tpu.memory_space<hbm>> -> memref<40xi32, #tpu.memory_space<hbm>>
      tpu.wait_dma2 semaphore(%run_scoped3A_63 : memref<!tpu.dma_semaphore, #tpu.memory_space<semaphore_mem>>) src(%dma_wait3A_78 : memref<40xi32, #tpu.memory_space<hbm>>) dst(%dma_wait3A_77 : memref<40xi32, #tpu.memory_space<vmem>>)
      tpu.yield
    }) : () -> ()
    %rem3A = arith.constant 1 : i32
    %rem3A_9 = arith.constant 4 : i32
    %rem3A_10 = arith.remsi %rem3A, %rem3A_9 : i32
    %add3A_11 = arith.constant 40 : i32
    %add3A_12 = arith.addi %mul3A_2, %add3A_11 : i32
    %dma_start3A = arith.constant 0 : i32
    %dma_start3A_13 = tpu.memref_slice %arg17[%rem3A_10, %dma_start3A] : memref<4x40xi32, #tpu.memory_space<vmem>> -> memref<1x40xi32, #tpu.memory_space<vmem>>
    %dma_start3A_14 = tpu.memref_squeeze %dma_start3A_13 : memref<1x40xi32, #tpu.memory_space<vmem>> -> memref<40xi32, #tpu.memory_space<vmem>>
    %dma_start3A_15 = tpu.memref_slice %arg5[%add3A_12] : memref<320000xi32, #tpu.memory_space<hbm>> -> memref<40xi32, #tpu.memory_space<hbm>>
    %dma_start3A_16 = arith.constant 0 : i32
    %dma_start3A_17 = tpu.memref_slice %arg17[%rem3A_10, %dma_start3A_16] : memref<4x40xi32, #tpu.memory_space<vmem>> -> memref<1x40xi32, #tpu.memory_space<vmem>>
    %dma_start3A_18 = tpu.memref_squeeze %dma_start3A_17 : memref<1x40xi32, #tpu.memory_space<vmem>> -> memref<40xi32, #tpu.memory_space<vmem>>
    %dma_start3A_19 = tpu.memref_slice %arg5[%add3A_12] : memref<320000xi32, #tpu.memory_space<hbm>> -> memref<40xi32, #tpu.memory_space<hbm>>
    tpu.enqueue_dma source(%dma_start3A_19 : memref<40xi32, #tpu.memory_space<hbm>>) target(%dma_start3A_18 : memref<40xi32, #tpu.memory_space<vmem>>) target_semaphore(%arg29 : memref<!tpu.dma_semaphore, #tpu.memory_space<semaphore_mem>>)
    %add3A_20 = arith.constant 40 : i32
    %add3A_21 = arith.addi %mul3A_2, %add3A_20 : i32
    %dma_start3A_22 = arith.constant 0 : i32
    %dma_start3A_23 = tpu.memref_slice %arg18[%rem3A_10, %dma_start3A_22] : memref<4x40xi32, #tpu.memory_space<vmem>> -> memref<1x40xi32, #tpu.memory_space<vmem>>
    %dma_start3A_24 = tpu.memref_squeeze %dma_start3A_23 : memref<1x40xi32, #tpu.memory_space<vmem>> -> memref<40xi32, #tpu.memory_space<vmem>>
    %dma_start3A_25 = tpu.memref_slice %arg6[%add3A_21] : memref<320000xi32, #tpu.memory_space<hbm>> -> memref<40xi32, #tpu.memory_space<hbm>>
    %dma_start3A_26 = arith.constant 0 : i32
    %dma_start3A_27 = tpu.memref_slice %arg18[%rem3A_10, %dma_start3A_26] : memref<4x40xi32, #tpu.memory_space<vmem>> -> memref<1x40xi32, #tpu.memory_space<vmem>>
    %dma_start3A_28 = tpu.memref_squeeze %dma_start3A_27 : memref<1x40xi32, #tpu.memory_space<vmem>> -> memref<40xi32, #tpu.memory_space<vmem>>
    %dma_start3A_29 = tpu.memref_slice %arg6[%add3A_21] : memref<320000xi32, #tpu.memory_space<hbm>> -> memref<40xi32, #tpu.memory_space<hbm>>
    tpu.enqueue_dma source(%dma_start3A_29 : memref<40xi32, #tpu.memory_space<hbm>>) target(%dma_start3A_28 : memref<40xi32, #tpu.memory_space<vmem>>) target_semaphore(%arg29 : memref<!tpu.dma_semaphore, #tpu.memory_space<semaphore_mem>>)
    %rem3A_30 = arith.constant 0 : i32
    %rem3A_31 = arith.constant 4 : i32
    %rem3A_32 = arith.remsi %rem3A_30, %rem3A_31 : i32
    %dma_start3A_33 = arith.constant 0 : i32
    %dma_start3A_34 = tpu.memref_slice %arg17[%rem3A_32, %dma_start3A_33] : memref<4x40xi32, #tpu.memory_space<vmem>> -> memref<1x40xi32, #tpu.memory_space<vmem>>
    %dma_start3A_35 = tpu.memref_squeeze %dma_start3A_34 : memref<1x40xi32, #tpu.memory_space<vmem>> -> memref<40xi32, #tpu.memory_space<vmem>>
    %dma_start3A_36 = arith.constant 0 : i32
    %dma_start3A_37 = arith.constant 0 : i32
    %dma_start3A_38 = tpu.memref_slice %arg2[%dma_start3A_36, %dma_start3A_37] : memref<10000x128xi32, #tpu.memory_space<hbm>> -> memref<10000x128xi32, #tpu.memory_space<hbm>>
    tpu.enqueue_indirect_dma source(%dma_start3A_38 : memref<10000x128xi32, #tpu.memory_space<hbm>>) target(%arg9 : memref<40x128xi32, #tpu.memory_space<vmem>>) offsets(%dma_start3A_35 : memref<40xi32, #tpu.memory_space<vmem>>) semaphore(%arg20 : memref<!tpu.dma_semaphore, #tpu.memory_space<semaphore_mem>>)
    %dma_start3A_39 = arith.constant 0 : i32
    %dma_start3A_40 = tpu.memref_slice %arg18[%rem3A_32, %dma_start3A_39] : memref<4x40xi32, #tpu.memory_space<vmem>> -> memref<1x40xi32, #tpu.memory_space<vmem>>
    %dma_start3A_41 = tpu.memref_squeeze %dma_start3A_40 : memref<1x40xi32, #tpu.memory_space<vmem>> -> memref<40xi32, #tpu.memory_space<vmem>>
    %dma_start3A_42 = arith.constant 0 : i32
    %dma_start3A_43 = arith.constant 0 : i32
    %dma_start3A_44 = tpu.memref_slice %arg3[%dma_start3A_42, %dma_start3A_43] : memref<10000x128xf32, #tpu.memory_space<hbm>> -> memref<10000x128xf32, #tpu.memory_space<hbm>>
    tpu.enqueue_indirect_dma source(%dma_start3A_44 : memref<10000x128xf32, #tpu.memory_space<hbm>>) target(%arg11 : memref<40x128xf32, #tpu.memory_space<vmem>>) offsets(%dma_start3A_41 : memref<40xi32, #tpu.memory_space<vmem>>) semaphore(%arg22 : memref<!tpu.dma_semaphore, #tpu.memory_space<semaphore_mem>>)
    %add3A_45 = arith.constant 0 : i32
    %add3A_46 = arith.addi %mul3A_2, %add3A_45 : i32
    %dma_start3A_47 = arith.constant 0 : i32
    %dma_start3A_48 = tpu.memref_slice %arg4[%add3A_46, %dma_start3A_47] : memref<320000x64xi32, #tpu.memory_space<hbm>> -> memref<40x64xi32, #tpu.memory_space<hbm>>
    %dma_start3A_49 = arith.constant 0 : i32
    %dma_start3A_50 = tpu.memref_slice %arg4[%add3A_46, %dma_start3A_49] : memref<320000x64xi32, #tpu.memory_space<hbm>> -> memref<40x64xi32, #tpu.memory_space<hbm>>
    tpu.enqueue_dma source(%dma_start3A_50 : memref<40x64xi32, #tpu.memory_space<hbm>>) target(%arg13 : memref<40x64xi32, #tpu.memory_space<vmem>>) target_semaphore(%arg24 : memref<!tpu.dma_semaphore, #tpu.memory_space<semaphore_mem>>)
    %scan3A_51 = arith.constant 0 : i32
    %scan3A_52 = arith.constant 125 : i32
    %scan3A_53 = arith.addi %scan3A_51, %scan3A_52 : i32
    %scan3A_54 = arith.constant 1 : i32
    scf.for %scan3A_63 = %scan3A_51 to %scan3A_53 step %scan3A_54  : i32 {
      %mul3A_64 = arith.constant 1 : i32
      %mul3A_65 = arith.muli %scan3A_63, %mul3A_64 : i32
      %add3A_66 = arith.constant 0 : i32
      %add3A_67 = arith.addi %add3A_66, %mul3A_65 : i32
      %mul3A_68 = arith.constant 2 : i32
      %mul3A_69 = arith.muli %add3A_67, %mul3A_68 : i32
      %add3A_70 = arith.constant 0 : i32
      %add3A_71 = arith.addi %mul3A_69, %add3A_70 : i32
      %add3A_72 = arith.constant 1 : i32
      %add3A_73 = arith.addi %add3A_71, %add3A_72 : i32
      %rem3A_74 = arith.constant 4 : i32
      %rem3A_75 = arith.remsi %add3A_73, %rem3A_74 : i32
      %mul3A_76 = arith.constant 40 : i32
      %mul3A_77 = arith.muli %add3A_73, %mul3A_76 : i32
      %add3A_78 = arith.addi %mul3A_2, %mul3A_77 : i32
      %dma_wait3A = arith.constant 0 : i32
      %dma_wait3A_79 = tpu.memref_slice %arg17[%rem3A_75, %dma_wait3A] : memref<4x40xi32, #tpu.memory_space<vmem>> -> memref<1x40xi32, #tpu.memory_space<vmem>>
      %dma_wait3A_80 = tpu.memref_squeeze %dma_wait3A_79 : memref<1x40xi32, #tpu.memory_space<vmem>> -> memref<40xi32, #tpu.memory_space<vmem>>
      %dma_wait3A_81 = tpu.memref_slice %arg5[%add3A_78] : memref<320000xi32, #tpu.memory_space<hbm>> -> memref<40xi32, #tpu.memory_space<hbm>>
      %dma_wait3A_82 = arith.constant 0 : i32
      %dma_wait3A_83 = tpu.memref_slice %arg17[%rem3A_75, %dma_wait3A_82] : memref<4x40xi32, #tpu.memory_space<vmem>> -> memref<1x40xi32, #tpu.memory_space<vmem>>
      %dma_wait3A_84 = tpu.memref_squeeze %dma_wait3A_83 : memref<1x40xi32, #tpu.memory_space<vmem>> -> memref<40xi32, #tpu.memory_space<vmem>>
      %dma_wait3A_85 = tpu.memref_slice %arg5[%add3A_78] : memref<320000xi32, #tpu.memory_space<hbm>> -> memref<40xi32, #tpu.memory_space<hbm>>
      tpu.wait_dma2 semaphore(%arg29 : memref<!tpu.dma_semaphore, #tpu.memory_space<semaphore_mem>>) src(%dma_wait3A_85 : memref<40xi32, #tpu.memory_space<hbm>>) dst(%dma_wait3A_84 : memref<40xi32, #tpu.memory_space<vmem>>)
      %mul3A_86 = arith.constant 40 : i32
      %mul3A_87 = arith.muli %add3A_73, %mul3A_86 : i32
      %add3A_88 = arith.addi %mul3A_2, %mul3A_87 : i32
      %dma_wait3A_89 = arith.constant 0 : i32
      %dma_wait3A_90 = tpu.memref_slice %arg18[%rem3A_75, %dma_wait3A_89] : memref<4x40xi32, #tpu.memory_space<vmem>> -> memref<1x40xi32, #tpu.memory_space<vmem>>
      %dma_wait3A_91 = tpu.memref_squeeze %dma_wait3A_90 : memref<1x40xi32, #tpu.memory_space<vmem>> -> memref<40xi32, #tpu.memory_space<vmem>>
      %dma_wait3A_92 = tpu.memref_slice %arg6[%add3A_88] : memref<320000xi32, #tpu.memory_space<hbm>> -> memref<40xi32, #tpu.memory_space<hbm>>
      %dma_wait3A_93 = arith.constant 0 : i32
      %dma_wait3A_94 = tpu.memref_slice %arg18[%rem3A_75, %dma_wait3A_93] : memref<4x40xi32, #tpu.memory_space<vmem>> -> memref<1x40xi32, #tpu.memory_space<vmem>>
      %dma_wait3A_95 = tpu.memref_squeeze %dma_wait3A_94 : memref<1x40xi32, #tpu.memory_space<vmem>> -> memref<40xi32, #tpu.memory_space<vmem>>
      %dma_wait3A_96 = tpu.memref_slice %arg6[%add3A_88] : memref<320000xi32, #tpu.memory_space<hbm>> -> memref<40xi32, #tpu.memory_space<hbm>>
      tpu.wait_dma2 semaphore(%arg29 : memref<!tpu.dma_semaphore, #tpu.memory_space<semaphore_mem>>) src(%dma_wait3A_96 : memref<40xi32, #tpu.memory_space<hbm>>) dst(%dma_wait3A_95 : memref<40xi32, #tpu.memory_space<vmem>>)
      %add3A_97 = arith.constant 1 : i32
      %add3A_98 = arith.addi %add3A_71, %add3A_97 : i32
      %rem3A_99 = arith.constant 4 : i32
      %rem3A_100 = arith.remsi %add3A_98, %rem3A_99 : i32
      %dma_start3A_101 = arith.constant 0 : i32
      %dma_start3A_102 = tpu.memref_slice %arg17[%rem3A_100, %dma_start3A_101] : memref<4x40xi32, #tpu.memory_space<vmem>> -> memref<1x40xi32, #tpu.memory_space<vmem>>
      %dma_start3A_103 = tpu.memref_squeeze %dma_start3A_102 : memref<1x40xi32, #tpu.memory_space<vmem>> -> memref<40xi32, #tpu.memory_space<vmem>>
      %dma_start3A_104 = arith.constant 0 : i32
      %dma_start3A_105 = arith.constant 0 : i32
      %dma_start3A_106 = tpu.memref_slice %arg2[%dma_start3A_104, %dma_start3A_105] : memref<10000x128xi32, #tpu.memory_space<hbm>> -> memref<10000x128xi32, #tpu.memory_space<hbm>>
      tpu.enqueue_indirect_dma source(%dma_start3A_106 : memref<10000x128xi32, #tpu.memory_space<hbm>>) target(%arg10 : memref<40x128xi32, #tpu.memory_space<vmem>>) offsets(%dma_start3A_103 : memref<40xi32, #tpu.memory_space<vmem>>) semaphore(%arg21 : memref<!tpu.dma_semaphore, #tpu.memory_space<semaphore_mem>>)
      %dma_start3A_107 = arith.constant 0 : i32
      %dma_start3A_108 = tpu.memref_slice %arg18[%rem3A_100, %dma_start3A_107] : memref<4x40xi32, #tpu.memory_space<vmem>> -> memref<1x40xi32, #tpu.memory_space<vmem>>
      %dma_start3A_109 = tpu.memref_squeeze %dma_start3A_108 : memref<1x40xi32, #tpu.memory_space<vmem>> -> memref<40xi32, #tpu.memory_space<vmem>>
      %dma_start3A_110 = arith.constant 0 : i32
      %dma_start3A_111 = arith.constant 0 : i32
      %dma_start3A_112 = tpu.memref_slice %arg3[%dma_start3A_110, %dma_start3A_111] : memref<10000x128xf32, #tpu.memory_space<hbm>> -> memref<10000x128xf32, #tpu.memory_space<hbm>>
      tpu.enqueue_indirect_dma source(%dma_start3A_112 : memref<10000x128xf32, #tpu.memory_space<hbm>>) target(%arg12 : memref<40x128xf32, #tpu.memory_space<vmem>>) offsets(%dma_start3A_109 : memref<40xi32, #tpu.memory_space<vmem>>) semaphore(%arg23 : memref<!tpu.dma_semaphore, #tpu.memory_space<semaphore_mem>>)
      %mul3A_113 = arith.constant 40 : i32
      %mul3A_114 = arith.muli %add3A_98, %mul3A_113 : i32
      %add3A_115 = arith.addi %mul3A_2, %mul3A_114 : i32
      %dma_start3A_116 = arith.constant 0 : i32
      %dma_start3A_117 = tpu.memref_slice %arg4[%add3A_115, %dma_start3A_116] : memref<320000x64xi32, #tpu.memory_space<hbm>> -> memref<40x64xi32, #tpu.memory_space<hbm>>
      %dma_start3A_118 = arith.constant 0 : i32
      %dma_start3A_119 = tpu.memref_slice %arg4[%add3A_115, %dma_start3A_118] : memref<320000x64xi32, #tpu.memory_space<hbm>> -> memref<40x64xi32, #tpu.memory_space<hbm>>
      tpu.enqueue_dma source(%dma_start3A_119 : memref<40x64xi32, #tpu.memory_space<hbm>>) target(%arg14 : memref<40x64xi32, #tpu.memory_space<vmem>>) target_semaphore(%arg25 : memref<!tpu.dma_semaphore, #tpu.memory_space<semaphore_mem>>)
      %rem3A_120 = arith.constant 4 : i32
      %rem3A_121 = arith.remsi %add3A_71, %rem3A_120 : i32
      %dma_wait3A_122 = arith.constant 0 : i32
      %dma_wait3A_123 = tpu.memref_slice %arg17[%rem3A_121, %dma_wait3A_122] : memref<4x40xi32, #tpu.memory_space<vmem>> -> memref<1x40xi32, #tpu.memory_space<vmem>>
      %dma_wait3A_124 = tpu.memref_squeeze %dma_wait3A_123 : memref<1x40xi32, #tpu.memory_space<vmem>> -> memref<40xi32, #tpu.memory_space<vmem>>
      %dma_wait3A_125 = arith.constant 0 : i32
      %dma_wait3A_126 = arith.constant 0 : i32
      %dma_wait3A_127 = tpu.memref_slice %arg2[%dma_wait3A_125, %dma_wait3A_126] : memref<10000x128xi32, #tpu.memory_space<hbm>> -> memref<10000x128xi32, #tpu.memory_space<hbm>>
      tpu.wait_indirect_dma semaphore(%arg20 : memref<!tpu.dma_semaphore, #tpu.memory_space<semaphore_mem>>) src(%dma_wait3A_127 : memref<10000x128xi32, #tpu.memory_space<hbm>>) dst(%arg9 : memref<40x128xi32, #tpu.memory_space<vmem>>)
      %dma_wait3A_128 = arith.constant 0 : i32
      %dma_wait3A_129 = tpu.memref_slice %arg18[%rem3A_121, %dma_wait3A_128] : memref<4x40xi32, #tpu.memory_space<vmem>> -> memref<1x40xi32, #tpu.memory_space<vmem>>
      %dma_wait3A_130 = tpu.memref_squeeze %dma_wait3A_129 : memref<1x40xi32, #tpu.memory_space<vmem>> -> memref<40xi32, #tpu.memory_space<vmem>>
      %dma_wait3A_131 = arith.constant 0 : i32
      %dma_wait3A_132 = arith.constant 0 : i32
      %dma_wait3A_133 = tpu.memref_slice %arg3[%dma_wait3A_131, %dma_wait3A_132] : memref<10000x128xf32, #tpu.memory_space<hbm>> -> memref<10000x128xf32, #tpu.memory_space<hbm>>
      tpu.wait_indirect_dma semaphore(%arg22 : memref<!tpu.dma_semaphore, #tpu.memory_space<semaphore_mem>>) src(%dma_wait3A_133 : memref<10000x128xf32, #tpu.memory_space<hbm>>) dst(%arg11 : memref<40x128xf32, #tpu.memory_space<vmem>>)
      %mul3A_134 = arith.constant 40 : i32
      %mul3A_135 = arith.muli %add3A_71, %mul3A_134 : i32
      %add3A_136 = arith.addi %mul3A_2, %mul3A_135 : i32
      %dma_wait3A_137 = arith.constant 0 : i32
      %dma_wait3A_138 = tpu.memref_slice %arg4[%add3A_136, %dma_wait3A_137] : memref<320000x64xi32, #tpu.memory_space<hbm>> -> memref<40x64xi32, #tpu.memory_space<hbm>>
      %dma_wait3A_139 = arith.constant 0 : i32
      %dma_wait3A_140 = tpu.memref_slice %arg4[%add3A_136, %dma_wait3A_139] : memref<320000x64xi32, #tpu.memory_space<hbm>> -> memref<40x64xi32, #tpu.memory_space<hbm>>
      tpu.wait_dma2 semaphore(%arg24 : memref<!tpu.dma_semaphore, #tpu.memory_space<semaphore_mem>>) src(%dma_wait3A_140 : memref<40x64xi32, #tpu.memory_space<hbm>>) dst(%arg13 : memref<40x64xi32, #tpu.memory_space<vmem>>)
      %ge3A = arith.constant 1 : i32
      %ge3A_141 = arith.cmpi sge, %add3A_67, %ge3A : i32
      %convert_element_type3A = arith.extui %ge3A_141 : i1 to i32
      %cond3A = arith.constant 0 : i32
      %cond3A_142 = arith.cmpi ne, %convert_element_type3A, %cond3A : i32
      scf.if %cond3A_142 {
        %dma_wait3A_215 = arith.constant 0 : i32
        %dma_wait3A_216 = arith.constant 0 : i32
        %dma_wait3A_217 = tpu.memref_slice %arg18[%dma_wait3A_215, %dma_wait3A_216] : memref<4x40xi32, #tpu.memory_space<vmem>> -> memref<1x40xi32, #tpu.memory_space<vmem>>
        %dma_wait3A_218 = tpu.memref_squeeze %dma_wait3A_217 : memref<1x40xi32, #tpu.memory_space<vmem>> -> memref<40xi32, #tpu.memory_space<vmem>>
        %dma_wait3A_219 = arith.constant 0 : i32
        %dma_wait3A_220 = arith.constant 0 : i32
        %dma_wait3A_221 = tpu.memref_slice %arg19[%dma_wait3A_219, %dma_wait3A_220] : memref<10000x128xf32, #tpu.memory_space<vmem_shared>> -> memref<10000x128xf32, #tpu.memory_space<vmem_shared>>
        tpu.wait_indirect_dma semaphore(%arg26 : memref<!tpu.dma_semaphore, #tpu.memory_space<semaphore_mem>>) src(%arg15 : memref<40x128xf32, #tpu.memory_space<vmem>>) dst(%dma_wait3A_221 : memref<10000x128xf32, #tpu.memory_space<vmem_shared>>)
      } else {
      }
      %lt3A = arith.constant 124 : i32
      %lt3A_143 = arith.cmpi slt, %add3A_67, %lt3A : i32
      %convert_element_type3A_144 = arith.extui %lt3A_143 : i1 to i32
      %cond3A_145 = arith.constant 0 : i32
      %cond3A_146 = arith.cmpi ne, %convert_element_type3A_144, %cond3A_145 : i32
      scf.if %cond3A_146 {
        %add3A_215 = arith.constant 2 : i32
        %add3A_216 = arith.addi %add3A_71, %add3A_215 : i32
        %rem3A_217 = arith.constant 4 : i32
        %rem3A_218 = arith.remsi %add3A_216, %rem3A_217 : i32
        %mul3A_219 = arith.constant 40 : i32
        %mul3A_220 = arith.muli %add3A_216, %mul3A_219 : i32
        %add3A_221 = arith.addi %mul3A_2, %mul3A_220 : i32
        %dma_start3A_222 = arith.constant 0 : i32
        %dma_start3A_223 = tpu.memref_slice %arg17[%rem3A_218, %dma_start3A_222] : memref<4x40xi32, #tpu.memory_space<vmem>> -> memref<1x40xi32, #tpu.memory_space<vmem>>
        %dma_start3A_224 = tpu.memref_squeeze %dma_start3A_223 : memref<1x40xi32, #tpu.memory_space<vmem>> -> memref<40xi32, #tpu.memory_space<vmem>>
        %dma_start3A_225 = tpu.memref_slice %arg5[%add3A_221] : memref<320000xi32, #tpu.memory_space<hbm>> -> memref<40xi32, #tpu.memory_space<hbm>>
        %dma_start3A_226 = arith.constant 0 : i32
        %dma_start3A_227 = tpu.memref_slice %arg17[%rem3A_218, %dma_start3A_226] : memref<4x40xi32, #tpu.memory_space<vmem>> -> memref<1x40xi32, #tpu.memory_space<vmem>>
        %dma_start3A_228 = tpu.memref_squeeze %dma_start3A_227 : memref<1x40xi32, #tpu.memory_space<vmem>> -> memref<40xi32, #tpu.memory_space<vmem>>
        %dma_start3A_229 = tpu.memref_slice %arg5[%add3A_221] : memref<320000xi32, #tpu.memory_space<hbm>> -> memref<40xi32, #tpu.memory_space<hbm>>
        tpu.enqueue_dma source(%dma_start3A_229 : memref<40xi32, #tpu.memory_space<hbm>>) target(%dma_start3A_228 : memref<40xi32, #tpu.memory_space<vmem>>) target_semaphore(%arg28 : memref<!tpu.dma_semaphore, #tpu.memory_space<semaphore_mem>>)
        %mul3A_230 = arith.constant 40 : i32
        %mul3A_231 = arith.muli %add3A_216, %mul3A_230 : i32
        %add3A_232 = arith.addi %mul3A_2, %mul3A_231 : i32
        %dma_start3A_233 = arith.constant 0 : i32
        %dma_start3A_234 = tpu.memref_slice %arg18[%rem3A_218, %dma_start3A_233] : memref<4x40xi32, #tpu.memory_space<vmem>> -> memref<1x40xi32, #tpu.memory_space<vmem>>
        %dma_start3A_235 = tpu.memref_squeeze %dma_start3A_234 : memref<1x40xi32, #tpu.memory_space<vmem>> -> memref<40xi32, #tpu.memory_space<vmem>>
        %dma_start3A_236 = tpu.memref_slice %arg6[%add3A_232] : memref<320000xi32, #tpu.memory_space<hbm>> -> memref<40xi32, #tpu.memory_space<hbm>>
        %dma_start3A_237 = arith.constant 0 : i32
        %dma_start3A_238 = tpu.memref_slice %arg18[%rem3A_218, %dma_start3A_237] : memref<4x40xi32, #tpu.memory_space<vmem>> -> memref<1x40xi32, #tpu.memory_space<vmem>>
        %dma_start3A_239 = tpu.memref_squeeze %dma_start3A_238 : memref<1x40xi32, #tpu.memory_space<vmem>> -> memref<40xi32, #tpu.memory_space<vmem>>
        %dma_start3A_240 = tpu.memref_slice %arg6[%add3A_232] : memref<320000xi32, #tpu.memory_space<hbm>> -> memref<40xi32, #tpu.memory_space<hbm>>
        tpu.enqueue_dma source(%dma_start3A_240 : memref<40xi32, #tpu.memory_space<hbm>>) target(%dma_start3A_239 : memref<40xi32, #tpu.memory_space<vmem>>) target_semaphore(%arg28 : memref<!tpu.dma_semaphore, #tpu.memory_space<semaphore_mem>>)
      } else {
      }
      %broadcast_in_dim3A = arith.constant -65536 : i32
      %broadcast_in_dim3A_147 = vector.broadcast %broadcast_in_dim3A : i32 to vector<16xi32>
      %parallel_loop3A = arith.constant 0 : i32
      %parallel_loop3A_148 = arith.constant 40 : i32
      %parallel_loop3A_149 = arith.constant 1 : i32
      scf.for %parallel_loop3A_215 = %parallel_loop3A to %parallel_loop3A_148 step %parallel_loop3A_149  : i32 {
        %parallel_loop3A_216 = arith.index_cast %parallel_loop3A_215 : i32 to index
        %parallel_loop3A_217 = arith.constant 0 : index
        %parallel_loop3A_218 = tpu.vector_load %arg9[%parallel_loop3A_216, %parallel_loop3A_217] {strides = array<i32>} : memref<40x128xi32, #tpu.memory_space<vmem>>, vector<1x16xi32>,
        %parallel_loop3A_219 = vector.shape_cast %parallel_loop3A_218 : vector<1x16xi32> to vector<16xi32>
        %parallel_loop3A_220 = arith.constant 16 : i32
        %parallel_loop3A_221 = vector.broadcast %parallel_loop3A_220 : i32 to vector<16xi32>
        %parallel_loop3A_222 = arith.shli %parallel_loop3A_219, %parallel_loop3A_221 : vector<16xi32>
        %parallel_loop3A_223 = tpu.bitcast %parallel_loop3A_222 : vector<16xi32> -> vector<16xf32>
        %parallel_loop3A_224 = arith.andi %parallel_loop3A_219, %broadcast_in_dim3A_147 : vector<16xi32>
        %parallel_loop3A_225 = tpu.bitcast %parallel_loop3A_224 : vector<16xi32> -> vector<16xf32>
        %parallel_loop3A_226 = arith.index_cast %parallel_loop3A_215 : i32 to index
        %parallel_loop3A_227 = arith.constant 64 : index
        %parallel_loop3A_228 = tpu.vector_load %arg9[%parallel_loop3A_226, %parallel_loop3A_227] {strides = array<i32>} : memref<40x128xi32, #tpu.memory_space<vmem>>, vector<1x16xi32>,
        %parallel_loop3A_229 = vector.shape_cast %parallel_loop3A_228 : vector<1x16xi32> to vector<16xi32>
        %parallel_loop3A_230 = arith.constant 16 : i32
        %parallel_loop3A_231 = vector.broadcast %parallel_loop3A_230 : i32 to vector<16xi32>
        %parallel_loop3A_232 = arith.shli %parallel_loop3A_229, %parallel_loop3A_231 : vector<16xi32>
        %parallel_loop3A_233 = tpu.bitcast %parallel_loop3A_232 : vector<16xi32> -> vector<16xf32>
        %parallel_loop3A_234 = arith.andi %parallel_loop3A_229, %broadcast_in_dim3A_147 : vector<16xi32>
        %parallel_loop3A_235 = tpu.bitcast %parallel_loop3A_234 : vector<16xi32> -> vector<16xf32>
        %parallel_loop3A_236 = arith.index_cast %parallel_loop3A_215 : i32 to index
        %parallel_loop3A_237 = arith.constant 0 : index
        %parallel_loop3A_238 = tpu.vector_load %arg13[%parallel_loop3A_236, %parallel_loop3A_237] {strides = array<i32>} : memref<40x64xi32, #tpu.memory_space<vmem>>, vector<1x16xi32>,
        %parallel_loop3A_239 = vector.shape_cast %parallel_loop3A_238 : vector<1x16xi32> to vector<16xi32>
        %parallel_loop3A_240 = arith.constant 16 : i32
        %parallel_loop3A_241 = vector.broadcast %parallel_loop3A_240 : i32 to vector<16xi32>
        %parallel_loop3A_242 = arith.shli %parallel_loop3A_239, %parallel_loop3A_241 : vector<16xi32>
        %parallel_loop3A_243 = tpu.bitcast %parallel_loop3A_242 : vector<16xi32> -> vector<16xf32>
        %parallel_loop3A_244 = arith.andi %parallel_loop3A_239, %broadcast_in_dim3A_147 : vector<16xi32>
        %parallel_loop3A_245 = tpu.bitcast %parallel_loop3A_244 : vector<16xi32> -> vector<16xf32>
        %parallel_loop3A_246 = arith.index_cast %parallel_loop3A_215 : i32 to index
        %parallel_loop3A_247 = arith.constant 0 : index
        %parallel_loop3A_248 = tpu.vector_load %arg11[%parallel_loop3A_246, %parallel_loop3A_247] {strides = array<i32>} : memref<40x128xf32, #tpu.memory_space<vmem>>, vector<1x16xf32>,
        %parallel_loop3A_249 = vector.shape_cast %parallel_loop3A_248 : vector<1x16xf32> to vector<16xf32>
        %parallel_loop3A_250 = arith.index_cast %parallel_loop3A_215 : i32 to index
        %parallel_loop3A_251 = arith.constant 64 : index
        %parallel_loop3A_252 = tpu.vector_load %arg11[%parallel_loop3A_250, %parallel_loop3A_251] {strides = array<i32>} : memref<40x128xf32, #tpu.memory_space<vmem>>, vector<1x16xf32>,
        %parallel_loop3A_253 = vector.shape_cast %parallel_loop3A_252 : vector<1x16xf32> to vector<16xf32>
        %parallel_loop3A_254 = arith.addf %parallel_loop3A_225, %parallel_loop3A_249 : vector<16xf32>
        %parallel_loop3A_255 = arith.addf %parallel_loop3A_254, %parallel_loop3A_243 : vector<16xf32>
        %parallel_loop3A_256 = arith.constant 0.000000e+00 : f32
        %parallel_loop3A_257 = vector.broadcast %parallel_loop3A_256 : f32 to vector<16xf32>
        %parallel_loop3A_258 = arith.subf %parallel_loop3A_257, %parallel_loop3A_255 : vector<16xf32>
        %parallel_loop3A_259 = math.exp %parallel_loop3A_258 : vector<16xf32>
        %parallel_loop3A_260 = arith.constant 1.000000e+00 : f32
        %parallel_loop3A_261 = vector.broadcast %parallel_loop3A_260 : f32 to vector<16xf32>
        %parallel_loop3A_262 = arith.addf %parallel_loop3A_261, %parallel_loop3A_259 : vector<16xf32>
        %parallel_loop3A_263 = tpu.bitcast %parallel_loop3A_262 : vector<16xf32> -> vector<16xi32>
        %parallel_loop3A_264 = arith.constant 2129859011 : i32
        %parallel_loop3A_265 = vector.broadcast %parallel_loop3A_264 : i32 to vector<16xi32>
        %parallel_loop3A_266 = arith.subi %parallel_loop3A_265, %parallel_loop3A_263 : vector<16xi32>
        %parallel_loop3A_267 = tpu.bitcast %parallel_loop3A_266 : vector<16xi32> -> vector<16xf32>
        %parallel_loop3A_268 = arith.mulf %parallel_loop3A_262, %parallel_loop3A_267 : vector<16xf32>
        %parallel_loop3A_269 = arith.constant 2.000000e+00 : f32
        %parallel_loop3A_270 = vector.broadcast %parallel_loop3A_269 : f32 to vector<16xf32>
        %parallel_loop3A_271 = arith.subf %parallel_loop3A_270, %parallel_loop3A_268 : vector<16xf32>
        %parallel_loop3A_272 = arith.mulf %parallel_loop3A_267, %parallel_loop3A_271 : vector<16xf32>
        %parallel_loop3A_273 = arith.mulf %parallel_loop3A_262, %parallel_loop3A_272 : vector<16xf32>
        %parallel_loop3A_274 = arith.constant 2.000000e+00 : f32
        %parallel_loop3A_275 = vector.broadcast %parallel_loop3A_274 : f32 to vector<16xf32>
        %parallel_loop3A_276 = arith.subf %parallel_loop3A_275, %parallel_loop3A_273 : vector<16xf32>
        %parallel_loop3A_277 = arith.mulf %parallel_loop3A_272, %parallel_loop3A_276 : vector<16xf32>
        %parallel_loop3A_278 = arith.mulf %parallel_loop3A_223, %parallel_loop3A_277 : vector<16xf32>
        %parallel_loop3A_279 = arith.index_cast %parallel_loop3A_215 : i32 to index
        %parallel_loop3A_280 = arith.constant 0 : index
        %parallel_loop3A_281 = tpu.vector_load %arg15[%parallel_loop3A_279, %parallel_loop3A_280] {strides = array<i32>} : memref<40x128xf32, #tpu.memory_space<vmem>>, vector<1x16xf32>,
        %parallel_loop3A_282 = vector.shape_cast %parallel_loop3A_281 : vector<1x16xf32> to vector<16xf32>
        %parallel_loop3A_283 = vector.shape_cast %parallel_loop3A_278 : vector<16xf32> to vector<1x16xf32>
        tpu.vector_store %arg15[%parallel_loop3A_279, %parallel_loop3A_280], %parallel_loop3A_283 {strides = array<i32>} : memref<40x128xf32, #tpu.memory_space<vmem>>, vector<1x16xf32>,
        %parallel_loop3A_284 = arith.addf %parallel_loop3A_235, %parallel_loop3A_253 : vector<16xf32>
        %parallel_loop3A_285 = arith.addf %parallel_loop3A_284, %parallel_loop3A_245 : vector<16xf32>
        %parallel_loop3A_286 = arith.constant 0.000000e+00 : f32
        %parallel_loop3A_287 = vector.broadcast %parallel_loop3A_286 : f32 to vector<16xf32>
        %parallel_loop3A_288 = arith.subf %parallel_loop3A_287, %parallel_loop3A_285 : vector<16xf32>
        %parallel_loop3A_289 = math.exp %parallel_loop3A_288 : vector<16xf32>
        %parallel_loop3A_290 = arith.constant 1.000000e+00 : f32
        %parallel_loop3A_291 = vector.broadcast %parallel_loop3A_290 : f32 to vector<16xf32>
        %parallel_loop3A_292 = arith.addf %parallel_loop3A_291, %parallel_loop3A_289 : vector<16xf32>
        %parallel_loop3A_293 = tpu.bitcast %parallel_loop3A_292 : vector<16xf32> -> vector<16xi32>
        %parallel_loop3A_294 = arith.constant 2129859011 : i32
        %parallel_loop3A_295 = vector.broadcast %parallel_loop3A_294 : i32 to vector<16xi32>
        %parallel_loop3A_296 = arith.subi %parallel_loop3A_295, %parallel_loop3A_293 : vector<16xi32>
        %parallel_loop3A_297 = tpu.bitcast %parallel_loop3A_296 : vector<16xi32> -> vector<16xf32>
        %parallel_loop3A_298 = arith.mulf %parallel_loop3A_292, %parallel_loop3A_297 : vector<16xf32>
        %parallel_loop3A_299 = arith.constant 2.000000e+00 : f32
        %parallel_loop3A_300 = vector.broadcast %parallel_loop3A_299 : f32 to vector<16xf32>
        %parallel_loop3A_301 = arith.subf %parallel_loop3A_300, %parallel_loop3A_298 : vector<16xf32>
        %parallel_loop3A_302 = arith.mulf %parallel_loop3A_297, %parallel_loop3A_301 : vector<16xf32>
        %parallel_loop3A_303 = arith.mulf %parallel_loop3A_292, %parallel_loop3A_302 : vector<16xf32>
        %parallel_loop3A_304 = arith.constant 2.000000e+00 : f32
        %parallel_loop3A_305 = vector.broadcast %parallel_loop3A_304 : f32 to vector<16xf32>
        %parallel_loop3A_306 = arith.subf %parallel_loop3A_305, %parallel_loop3A_303 : vector<16xf32>
        %parallel_loop3A_307 = arith.mulf %parallel_loop3A_302, %parallel_loop3A_306 : vector<16xf32>
        %parallel_loop3A_308 = arith.mulf %parallel_loop3A_233, %parallel_loop3A_307 : vector<16xf32>
        %parallel_loop3A_309 = arith.index_cast %parallel_loop3A_215 : i32 to index
        %parallel_loop3A_310 = arith.constant 64 : index
        %parallel_loop3A_311 = tpu.vector_load %arg15[%parallel_loop3A_309, %parallel_loop3A_310] {strides = array<i32>} : memref<40x128xf32, #tpu.memory_space<vmem>>, vector<1x16xf32>,
        %parallel_loop3A_312 = vector.shape_cast %parallel_loop3A_311 : vector<1x16xf32> to vector<16xf32>
        %parallel_loop3A_313 = vector.shape_cast %parallel_loop3A_308 : vector<16xf32> to vector<1x16xf32>
        tpu.vector_store %arg15[%parallel_loop3A_309, %parallel_loop3A_310], %parallel_loop3A_313 {strides = array<i32>} : memref<40x128xf32, #tpu.memory_space<vmem>>, vector<1x16xf32>,
        %parallel_loop3A_314 = arith.index_cast %parallel_loop3A_215 : i32 to index
        %parallel_loop3A_315 = arith.constant 16 : index
        %parallel_loop3A_316 = tpu.vector_load %arg9[%parallel_loop3A_314, %parallel_loop3A_315] {strides = array<i32>} : memref<40x128xi32, #tpu.memory_space<vmem>>, vector<1x16xi32>,
        %parallel_loop3A_317 = vector.shape_cast %parallel_loop3A_316 : vector<1x16xi32> to vector<16xi32>
        %parallel_loop3A_318 = arith.constant 16 : i32
        %parallel_loop3A_319 = vector.broadcast %parallel_loop3A_318 : i32 to vector<16xi32>
        %parallel_loop3A_320 = arith.shli %parallel_loop3A_317, %parallel_loop3A_319 : vector<16xi32>
        %parallel_loop3A_321 = tpu.bitcast %parallel_loop3A_320 : vector<16xi32> -> vector<16xf32>
        %parallel_loop3A_322 = arith.andi %parallel_loop3A_317, %broadcast_in_dim3A_147 : vector<16xi32>
        %parallel_loop3A_323 = tpu.bitcast %parallel_loop3A_322 : vector<16xi32> -> vector<16xf32>
        %parallel_loop3A_324 = arith.index_cast %parallel_loop3A_215 : i32 to index
        %parallel_loop3A_325 = arith.constant 80 : index
        %parallel_loop3A_326 = tpu.vector_load %arg9[%parallel_loop3A_324, %parallel_loop3A_325] {strides = array<i32>} : memref<40x128xi32, #tpu.memory_space<vmem>>, vector<1x16xi32>,
        %parallel_loop3A_327 = vector.shape_cast %parallel_loop3A_326 : vector<1x16xi32> to vector<16xi32>
        %parallel_loop3A_328 = arith.constant 16 : i32
        %parallel_loop3A_329 = vector.broadcast %parallel_loop3A_328 : i32 to vector<16xi32>
        %parallel_loop3A_330 = arith.shli %parallel_loop3A_327, %parallel_loop3A_329 : vector<16xi32>
        %parallel_loop3A_331 = tpu.bitcast %parallel_loop3A_330 : vector<16xi32> -> vector<16xf32>
        %parallel_loop3A_332 = arith.andi %parallel_loop3A_327, %broadcast_in_dim3A_147 : vector<16xi32>
        %parallel_loop3A_333 = tpu.bitcast %parallel_loop3A_332 : vector<16xi32> -> vector<16xf32>
        %parallel_loop3A_334 = arith.index_cast %parallel_loop3A_215 : i32 to index
        %parallel_loop3A_335 = arith.constant 16 : index
        %parallel_loop3A_336 = tpu.vector_load %arg13[%parallel_loop3A_334, %parallel_loop3A_335] {strides = array<i32>} : memref<40x64xi32, #tpu.memory_space<vmem>>, vector<1x16xi32>,
        %parallel_loop3A_337 = vector.shape_cast %parallel_loop3A_336 : vector<1x16xi32> to vector<16xi32>
        %parallel_loop3A_338 = arith.constant 16 : i32
        %parallel_loop3A_339 = vector.broadcast %parallel_loop3A_338 : i32 to vector<16xi32>
        %parallel_loop3A_340 = arith.shli %parallel_loop3A_337, %parallel_loop3A_339 : vector<16xi32>
        %parallel_loop3A_341 = tpu.bitcast %parallel_loop3A_340 : vector<16xi32> -> vector<16xf32>
        %parallel_loop3A_342 = arith.andi %parallel_loop3A_337, %broadcast_in_dim3A_147 : vector<16xi32>
        %parallel_loop3A_343 = tpu.bitcast %parallel_loop3A_342 : vector<16xi32> -> vector<16xf32>
        %parallel_loop3A_344 = arith.index_cast %parallel_loop3A_215 : i32 to index
        %parallel_loop3A_345 = arith.constant 16 : index
        %parallel_loop3A_346 = tpu.vector_load %arg11[%parallel_loop3A_344, %parallel_loop3A_345] {strides = array<i32>} : memref<40x128xf32, #tpu.memory_space<vmem>>, vector<1x16xf32>,
        %parallel_loop3A_347 = vector.shape_cast %parallel_loop3A_346 : vector<1x16xf32> to vector<16xf32>
        %parallel_loop3A_348 = arith.index_cast %parallel_loop3A_215 : i32 to index
        %parallel_loop3A_349 = arith.constant 80 : index
        %parallel_loop3A_350 = tpu.vector_load %arg11[%parallel_loop3A_348, %parallel_loop3A_349] {strides = array<i32>} : memref<40x128xf32, #tpu.memory_space<vmem>>, vector<1x16xf32>,
        %parallel_loop3A_351 = vector.shape_cast %parallel_loop3A_350 : vector<1x16xf32> to vector<16xf32>
        %parallel_loop3A_352 = arith.addf %parallel_loop3A_323, %parallel_loop3A_347 : vector<16xf32>
        %parallel_loop3A_353 = arith.addf %parallel_loop3A_352, %parallel_loop3A_341 : vector<16xf32>
        %parallel_loop3A_354 = arith.constant 0.000000e+00 : f32
        %parallel_loop3A_355 = vector.broadcast %parallel_loop3A_354 : f32 to vector<16xf32>
        %parallel_loop3A_356 = arith.subf %parallel_loop3A_355, %parallel_loop3A_353 : vector<16xf32>
        %parallel_loop3A_357 = math.exp %parallel_loop3A_356 : vector<16xf32>
        %parallel_loop3A_358 = arith.constant 1.000000e+00 : f32
        %parallel_loop3A_359 = vector.broadcast %parallel_loop3A_358 : f32 to vector<16xf32>
        %parallel_loop3A_360 = arith.addf %parallel_loop3A_359, %parallel_loop3A_357 : vector<16xf32>
        %parallel_loop3A_361 = tpu.bitcast %parallel_loop3A_360 : vector<16xf32> -> vector<16xi32>
        %parallel_loop3A_362 = arith.constant 2129859011 : i32
        %parallel_loop3A_363 = vector.broadcast %parallel_loop3A_362 : i32 to vector<16xi32>
        %parallel_loop3A_364 = arith.subi %parallel_loop3A_363, %parallel_loop3A_361 : vector<16xi32>
        %parallel_loop3A_365 = tpu.bitcast %parallel_loop3A_364 : vector<16xi32> -> vector<16xf32>
        %parallel_loop3A_366 = arith.mulf %parallel_loop3A_360, %parallel_loop3A_365 : vector<16xf32>
        %parallel_loop3A_367 = arith.constant 2.000000e+00 : f32
        %parallel_loop3A_368 = vector.broadcast %parallel_loop3A_367 : f32 to vector<16xf32>
        %parallel_loop3A_369 = arith.subf %parallel_loop3A_368, %parallel_loop3A_366 : vector<16xf32>
        %parallel_loop3A_370 = arith.mulf %parallel_loop3A_365, %parallel_loop3A_369 : vector<16xf32>
        %parallel_loop3A_371 = arith.mulf %parallel_loop3A_360, %parallel_loop3A_370 : vector<16xf32>
        %parallel_loop3A_372 = arith.constant 2.000000e+00 : f32
        %parallel_loop3A_373 = vector.broadcast %parallel_loop3A_372 : f32 to vector<16xf32>
        %parallel_loop3A_374 = arith.subf %parallel_loop3A_373, %parallel_loop3A_371 : vector<16xf32>
        %parallel_loop3A_375 = arith.mulf %parallel_loop3A_370, %parallel_loop3A_374 : vector<16xf32>
        %parallel_loop3A_376 = arith.mulf %parallel_loop3A_321, %parallel_loop3A_375 : vector<16xf32>
        %parallel_loop3A_377 = arith.index_cast %parallel_loop3A_215 : i32 to index
        %parallel_loop3A_378 = arith.constant 16 : index
        %parallel_loop3A_379 = tpu.vector_load %arg15[%parallel_loop3A_377, %parallel_loop3A_378] {strides = array<i32>} : memref<40x128xf32, #tpu.memory_space<vmem>>, vector<1x16xf32>,
        %parallel_loop3A_380 = vector.shape_cast %parallel_loop3A_379 : vector<1x16xf32> to vector<16xf32>
        %parallel_loop3A_381 = vector.shape_cast %parallel_loop3A_376 : vector<16xf32> to vector<1x16xf32>
        tpu.vector_store %arg15[%parallel_loop3A_377, %parallel_loop3A_378], %parallel_loop3A_381 {strides = array<i32>} : memref<40x128xf32, #tpu.memory_space<vmem>>, vector<1x16xf32>,
        %parallel_loop3A_382 = arith.addf %parallel_loop3A_333, %parallel_loop3A_351 : vector<16xf32>
        %parallel_loop3A_383 = arith.addf %parallel_loop3A_382, %parallel_loop3A_343 : vector<16xf32>
        %parallel_loop3A_384 = arith.constant 0.000000e+00 : f32
        %parallel_loop3A_385 = vector.broadcast %parallel_loop3A_384 : f32 to vector<16xf32>
        %parallel_loop3A_386 = arith.subf %parallel_loop3A_385, %parallel_loop3A_383 : vector<16xf32>
        %parallel_loop3A_387 = math.exp %parallel_loop3A_386 : vector<16xf32>
        %parallel_loop3A_388 = arith.constant 1.000000e+00 : f32
        %parallel_loop3A_389 = vector.broadcast %parallel_loop3A_388 : f32 to vector<16xf32>
        %parallel_loop3A_390 = arith.addf %parallel_loop3A_389, %parallel_loop3A_387 : vector<16xf32>
        %parallel_loop3A_391 = tpu.bitcast %parallel_loop3A_390 : vector<16xf32> -> vector<16xi32>
        %parallel_loop3A_392 = arith.constant 2129859011 : i32
        %parallel_loop3A_393 = vector.broadcast %parallel_loop3A_392 : i32 to vector<16xi32>
        %parallel_loop3A_394 = arith.subi %parallel_loop3A_393, %parallel_loop3A_391 : vector<16xi32>
        %parallel_loop3A_395 = tpu.bitcast %parallel_loop3A_394 : vector<16xi32> -> vector<16xf32>
        %parallel_loop3A_396 = arith.mulf %parallel_loop3A_390, %parallel_loop3A_395 : vector<16xf32>
        %parallel_loop3A_397 = arith.constant 2.000000e+00 : f32
        %parallel_loop3A_398 = vector.broadcast %parallel_loop3A_397 : f32 to vector<16xf32>
        %parallel_loop3A_399 = arith.subf %parallel_loop3A_398, %parallel_loop3A_396 : vector<16xf32>
        %parallel_loop3A_400 = arith.mulf %parallel_loop3A_395, %parallel_loop3A_399 : vector<16xf32>
        %parallel_loop3A_401 = arith.mulf %parallel_loop3A_390, %parallel_loop3A_400 : vector<16xf32>
        %parallel_loop3A_402 = arith.constant 2.000000e+00 : f32
        %parallel_loop3A_403 = vector.broadcast %parallel_loop3A_402 : f32 to vector<16xf32>
        %parallel_loop3A_404 = arith.subf %parallel_loop3A_403, %parallel_loop3A_401 : vector<16xf32>
        %parallel_loop3A_405 = arith.mulf %parallel_loop3A_400, %parallel_loop3A_404 : vector<16xf32>
        %parallel_loop3A_406 = arith.mulf %parallel_loop3A_331, %parallel_loop3A_405 : vector<16xf32>
        %parallel_loop3A_407 = arith.index_cast %parallel_loop3A_215 : i32 to index
        %parallel_loop3A_408 = arith.constant 80 : index
        %parallel_loop3A_409 = tpu.vector_load %arg15[%parallel_loop3A_407, %parallel_loop3A_408] {strides = array<i32>} : memref<40x128xf32, #tpu.memory_space<vmem>>, vector<1x16xf32>,
        %parallel_loop3A_410 = vector.shape_cast %parallel_loop3A_409 : vector<1x16xf32> to vector<16xf32>
        %parallel_loop3A_411 = vector.shape_cast %parallel_loop3A_406 : vector<16xf32> to vector<1x16xf32>
        tpu.vector_store %arg15[%parallel_loop3A_407, %parallel_loop3A_408], %parallel_loop3A_411 {strides = array<i32>} : memref<40x128xf32, #tpu.memory_space<vmem>>, vector<1x16xf32>,
        %parallel_loop3A_412 = arith.index_cast %parallel_loop3A_215 : i32 to index
        %parallel_loop3A_413 = arith.constant 32 : index
        %parallel_loop3A_414 = tpu.vector_load %arg9[%parallel_loop3A_412, %parallel_loop3A_413] {strides = array<i32>} : memref<40x128xi32, #tpu.memory_space<vmem>>, vector<1x16xi32>,
        %parallel_loop3A_415 = vector.shape_cast %parallel_loop3A_414 : vector<1x16xi32> to vector<16xi32>
        %parallel_loop3A_416 = arith.constant 16 : i32
        %parallel_loop3A_417 = vector.broadcast %parallel_loop3A_416 : i32 to vector<16xi32>
        %parallel_loop3A_418 = arith.shli %parallel_loop3A_415, %parallel_loop3A_417 : vector<16xi32>
        %parallel_loop3A_419 = tpu.bitcast %parallel_loop3A_418 : vector<16xi32> -> vector<16xf32>
        %parallel_loop3A_420 = arith.andi %parallel_loop3A_415, %broadcast_in_dim3A_147 : vector<16xi32>
        %parallel_loop3A_421 = tpu.bitcast %parallel_loop3A_420 : vector<16xi32> -> vector<16xf32>
        %parallel_loop3A_422 = arith.index_cast %parallel_loop3A_215 : i32 to index
        %parallel_loop3A_423 = arith.constant 96 : index
        %parallel_loop3A_424 = tpu.vector_load %arg9[%parallel_loop3A_422, %parallel_loop3A_423] {strides = array<i32>} : memref<40x128xi32, #tpu.memory_space<vmem>>, vector<1x16xi32>,
        %parallel_loop3A_425 = vector.shape_cast %parallel_loop3A_424 : vector<1x16xi32> to vector<16xi32>
        %parallel_loop3A_426 = arith.constant 16 : i32
        %parallel_loop3A_427 = vector.broadcast %parallel_loop3A_426 : i32 to vector<16xi32>
        %parallel_loop3A_428 = arith.shli %parallel_loop3A_425, %parallel_loop3A_427 : vector<16xi32>
        %parallel_loop3A_429 = tpu.bitcast %parallel_loop3A_428 : vector<16xi32> -> vector<16xf32>
        %parallel_loop3A_430 = arith.andi %parallel_loop3A_425, %broadcast_in_dim3A_147 : vector<16xi32>
        %parallel_loop3A_431 = tpu.bitcast %parallel_loop3A_430 : vector<16xi32> -> vector<16xf32>
        %parallel_loop3A_432 = arith.index_cast %parallel_loop3A_215 : i32 to index
        %parallel_loop3A_433 = arith.constant 32 : index
        %parallel_loop3A_434 = tpu.vector_load %arg13[%parallel_loop3A_432, %parallel_loop3A_433] {strides = array<i32>} : memref<40x64xi32, #tpu.memory_space<vmem>>, vector<1x16xi32>,
        %parallel_loop3A_435 = vector.shape_cast %parallel_loop3A_434 : vector<1x16xi32> to vector<16xi32>
        %parallel_loop3A_436 = arith.constant 16 : i32
        %parallel_loop3A_437 = vector.broadcast %parallel_loop3A_436 : i32 to vector<16xi32>
        %parallel_loop3A_438 = arith.shli %parallel_loop3A_435, %parallel_loop3A_437 : vector<16xi32>
        %parallel_loop3A_439 = tpu.bitcast %parallel_loop3A_438 : vector<16xi32> -> vector<16xf32>
        %parallel_loop3A_440 = arith.andi %parallel_loop3A_435, %broadcast_in_dim3A_147 : vector<16xi32>
        %parallel_loop3A_441 = tpu.bitcast %parallel_loop3A_440 : vector<16xi32> -> vector<16xf32>
        %parallel_loop3A_442 = arith.index_cast %parallel_loop3A_215 : i32 to index
        %parallel_loop3A_443 = arith.constant 32 : index
        %parallel_loop3A_444 = tpu.vector_load %arg11[%parallel_loop3A_442, %parallel_loop3A_443] {strides = array<i32>} : memref<40x128xf32, #tpu.memory_space<vmem>>, vector<1x16xf32>,
        %parallel_loop3A_445 = vector.shape_cast %parallel_loop3A_444 : vector<1x16xf32> to vector<16xf32>
        %parallel_loop3A_446 = arith.index_cast %parallel_loop3A_215 : i32 to index
        %parallel_loop3A_447 = arith.constant 96 : index
        %parallel_loop3A_448 = tpu.vector_load %arg11[%parallel_loop3A_446, %parallel_loop3A_447] {strides = array<i32>} : memref<40x128xf32, #tpu.memory_space<vmem>>, vector<1x16xf32>,
        %parallel_loop3A_449 = vector.shape_cast %parallel_loop3A_448 : vector<1x16xf32> to vector<16xf32>
        %parallel_loop3A_450 = arith.addf %parallel_loop3A_421, %parallel_loop3A_445 : vector<16xf32>
        %parallel_loop3A_451 = arith.addf %parallel_loop3A_450, %parallel_loop3A_439 : vector<16xf32>
        %parallel_loop3A_452 = arith.constant 0.000000e+00 : f32
        %parallel_loop3A_453 = vector.broadcast %parallel_loop3A_452 : f32 to vector<16xf32>
        %parallel_loop3A_454 = arith.subf %parallel_loop3A_453, %parallel_loop3A_451 : vector<16xf32>
        %parallel_loop3A_455 = math.exp %parallel_loop3A_454 : vector<16xf32>
        %parallel_loop3A_456 = arith.constant 1.000000e+00 : f32
        %parallel_loop3A_457 = vector.broadcast %parallel_loop3A_456 : f32 to vector<16xf32>
        %parallel_loop3A_458 = arith.addf %parallel_loop3A_457, %parallel_loop3A_455 : vector<16xf32>
        %parallel_loop3A_459 = tpu.bitcast %parallel_loop3A_458 : vector<16xf32> -> vector<16xi32>
        %parallel_loop3A_460 = arith.constant 2129859011 : i32
        %parallel_loop3A_461 = vector.broadcast %parallel_loop3A_460 : i32 to vector<16xi32>
        %parallel_loop3A_462 = arith.subi %parallel_loop3A_461, %parallel_loop3A_459 : vector<16xi32>
        %parallel_loop3A_463 = tpu.bitcast %parallel_loop3A_462 : vector<16xi32> -> vector<16xf32>
        %parallel_loop3A_464 = arith.mulf %parallel_loop3A_458, %parallel_loop3A_463 : vector<16xf32>
        %parallel_loop3A_465 = arith.constant 2.000000e+00 : f32
        %parallel_loop3A_466 = vector.broadcast %parallel_loop3A_465 : f32 to vector<16xf32>
        %parallel_loop3A_467 = arith.subf %parallel_loop3A_466, %parallel_loop3A_464 : vector<16xf32>
        %parallel_loop3A_468 = arith.mulf %parallel_loop3A_463, %parallel_loop3A_467 : vector<16xf32>
        %parallel_loop3A_469 = arith.mulf %parallel_loop3A_458, %parallel_loop3A_468 : vector<16xf32>
        %parallel_loop3A_470 = arith.constant 2.000000e+00 : f32
        %parallel_loop3A_471 = vector.broadcast %parallel_loop3A_470 : f32 to vector<16xf32>
        %parallel_loop3A_472 = arith.subf %parallel_loop3A_471, %parallel_loop3A_469 : vector<16xf32>
        %parallel_loop3A_473 = arith.mulf %parallel_loop3A_468, %parallel_loop3A_472 : vector<16xf32>
        %parallel_loop3A_474 = arith.mulf %parallel_loop3A_419, %parallel_loop3A_473 : vector<16xf32>
        %parallel_loop3A_475 = arith.index_cast %parallel_loop3A_215 : i32 to index
        %parallel_loop3A_476 = arith.constant 32 : index
        %parallel_loop3A_477 = tpu.vector_load %arg15[%parallel_loop3A_475, %parallel_loop3A_476] {strides = array<i32>} : memref<40x128xf32, #tpu.memory_space<vmem>>, vector<1x16xf32>,
        %parallel_loop3A_478 = vector.shape_cast %parallel_loop3A_477 : vector<1x16xf32> to vector<16xf32>
        %parallel_loop3A_479 = vector.shape_cast %parallel_loop3A_474 : vector<16xf32> to vector<1x16xf32>
        tpu.vector_store %arg15[%parallel_loop3A_475, %parallel_loop3A_476], %parallel_loop3A_479 {strides = array<i32>} : memref<40x128xf32, #tpu.memory_space<vmem>>, vector<1x16xf32>,
        %parallel_loop3A_480 = arith.addf %parallel_loop3A_431, %parallel_loop3A_449 : vector<16xf32>
        %parallel_loop3A_481 = arith.addf %parallel_loop3A_480, %parallel_loop3A_441 : vector<16xf32>
        %parallel_loop3A_482 = arith.constant 0.000000e+00 : f32
        %parallel_loop3A_483 = vector.broadcast %parallel_loop3A_482 : f32 to vector<16xf32>
        %parallel_loop3A_484 = arith.subf %parallel_loop3A_483, %parallel_loop3A_481 : vector<16xf32>
        %parallel_loop3A_485 = math.exp %parallel_loop3A_484 : vector<16xf32>
        %parallel_loop3A_486 = arith.constant 1.000000e+00 : f32
        %parallel_loop3A_487 = vector.broadcast %parallel_loop3A_486 : f32 to vector<16xf32>
        %parallel_loop3A_488 = arith.addf %parallel_loop3A_487, %parallel_loop3A_485 : vector<16xf32>
        %parallel_loop3A_489 = tpu.bitcast %parallel_loop3A_488 : vector<16xf32> -> vector<16xi32>
        %parallel_loop3A_490 = arith.constant 2129859011 : i32
        %parallel_loop3A_491 = vector.broadcast %parallel_loop3A_490 : i32 to vector<16xi32>
        %parallel_loop3A_492 = arith.subi %parallel_loop3A_491, %parallel_loop3A_489 : vector<16xi32>
        %parallel_loop3A_493 = tpu.bitcast %parallel_loop3A_492 : vector<16xi32> -> vector<16xf32>
        %parallel_loop3A_494 = arith.mulf %parallel_loop3A_488, %parallel_loop3A_493 : vector<16xf32>
        %parallel_loop3A_495 = arith.constant 2.000000e+00 : f32
        %parallel_loop3A_496 = vector.broadcast %parallel_loop3A_495 : f32 to vector<16xf32>
        %parallel_loop3A_497 = arith.subf %parallel_loop3A_496, %parallel_loop3A_494 : vector<16xf32>
        %parallel_loop3A_498 = arith.mulf %parallel_loop3A_493, %parallel_loop3A_497 : vector<16xf32>
        %parallel_loop3A_499 = arith.mulf %parallel_loop3A_488, %parallel_loop3A_498 : vector<16xf32>
        %parallel_loop3A_500 = arith.constant 2.000000e+00 : f32
        %parallel_loop3A_501 = vector.broadcast %parallel_loop3A_500 : f32 to vector<16xf32>
        %parallel_loop3A_502 = arith.subf %parallel_loop3A_501, %parallel_loop3A_499 : vector<16xf32>
        %parallel_loop3A_503 = arith.mulf %parallel_loop3A_498, %parallel_loop3A_502 : vector<16xf32>
        %parallel_loop3A_504 = arith.mulf %parallel_loop3A_429, %parallel_loop3A_503 : vector<16xf32>
        %parallel_loop3A_505 = arith.index_cast %parallel_loop3A_215 : i32 to index
        %parallel_loop3A_506 = arith.constant 96 : index
        %parallel_loop3A_507 = tpu.vector_load %arg15[%parallel_loop3A_505, %parallel_loop3A_506] {strides = array<i32>} : memref<40x128xf32, #tpu.memory_space<vmem>>, vector<1x16xf32>,
        %parallel_loop3A_508 = vector.shape_cast %parallel_loop3A_507 : vector<1x16xf32> to vector<16xf32>
        %parallel_loop3A_509 = vector.shape_cast %parallel_loop3A_504 : vector<16xf32> to vector<1x16xf32>
        tpu.vector_store %arg15[%parallel_loop3A_505, %parallel_loop3A_506], %parallel_loop3A_509 {strides = array<i32>} : memref<40x128xf32, #tpu.memory_space<vmem>>, vector<1x16xf32>,
        %parallel_loop3A_510 = arith.index_cast %parallel_loop3A_215 : i32 to index
        %parallel_loop3A_511 = arith.constant 48 : index
        %parallel_loop3A_512 = tpu.vector_load %arg9[%parallel_loop3A_510, %parallel_loop3A_511] {strides = array<i32>} : memref<40x128xi32, #tpu.memory_space<vmem>>, vector<1x16xi32>,
        %parallel_loop3A_513 = vector.shape_cast %parallel_loop3A_512 : vector<1x16xi32> to vector<16xi32>
        %parallel_loop3A_514 = arith.constant 16 : i32
        %parallel_loop3A_515 = vector.broadcast %parallel_loop3A_514 : i32 to vector<16xi32>
        %parallel_loop3A_516 = arith.shli %parallel_loop3A_513, %parallel_loop3A_515 : vector<16xi32>
        %parallel_loop3A_517 = tpu.bitcast %parallel_loop3A_516 : vector<16xi32> -> vector<16xf32>
        %parallel_loop3A_518 = arith.andi %parallel_loop3A_513, %broadcast_in_dim3A_147 : vector<16xi32>
        %parallel_loop3A_519 = tpu.bitcast %parallel_loop3A_518 : vector<16xi32> -> vector<16xf32>
        %parallel_loop3A_520 = arith.index_cast %parallel_loop3A_215 : i32 to index
        %parallel_loop3A_521 = arith.constant 112 : index
        %parallel_loop3A_522 = tpu.vector_load %arg9[%parallel_loop3A_520, %parallel_loop3A_521] {strides = array<i32>} : memref<40x128xi32, #tpu.memory_space<vmem>>, vector<1x16xi32>,
        %parallel_loop3A_523 = vector.shape_cast %parallel_loop3A_522 : vector<1x16xi32> to vector<16xi32>
        %parallel_loop3A_524 = arith.constant 16 : i32
        %parallel_loop3A_525 = vector.broadcast %parallel_loop3A_524 : i32 to vector<16xi32>
        %parallel_loop3A_526 = arith.shli %parallel_loop3A_523, %parallel_loop3A_525 : vector<16xi32>
        %parallel_loop3A_527 = tpu.bitcast %parallel_loop3A_526 : vector<16xi32> -> vector<16xf32>
        %parallel_loop3A_528 = arith.andi %parallel_loop3A_523, %broadcast_in_dim3A_147 : vector<16xi32>
        %parallel_loop3A_529 = tpu.bitcast %parallel_loop3A_528 : vector<16xi32> -> vector<16xf32>
        %parallel_loop3A_530 = arith.index_cast %parallel_loop3A_215 : i32 to index
        %parallel_loop3A_531 = arith.constant 48 : index
        %parallel_loop3A_532 = tpu.vector_load %arg13[%parallel_loop3A_530, %parallel_loop3A_531] {strides = array<i32>} : memref<40x64xi32, #tpu.memory_space<vmem>>, vector<1x16xi32>,
        %parallel_loop3A_533 = vector.shape_cast %parallel_loop3A_532 : vector<1x16xi32> to vector<16xi32>
        %parallel_loop3A_534 = arith.constant 16 : i32
        %parallel_loop3A_535 = vector.broadcast %parallel_loop3A_534 : i32 to vector<16xi32>
        %parallel_loop3A_536 = arith.shli %parallel_loop3A_533, %parallel_loop3A_535 : vector<16xi32>
        %parallel_loop3A_537 = tpu.bitcast %parallel_loop3A_536 : vector<16xi32> -> vector<16xf32>
        %parallel_loop3A_538 = arith.andi %parallel_loop3A_533, %broadcast_in_dim3A_147 : vector<16xi32>
        %parallel_loop3A_539 = tpu.bitcast %parallel_loop3A_538 : vector<16xi32> -> vector<16xf32>
        %parallel_loop3A_540 = arith.index_cast %parallel_loop3A_215 : i32 to index
        %parallel_loop3A_541 = arith.constant 48 : index
        %parallel_loop3A_542 = tpu.vector_load %arg11[%parallel_loop3A_540, %parallel_loop3A_541] {strides = array<i32>} : memref<40x128xf32, #tpu.memory_space<vmem>>, vector<1x16xf32>,
        %parallel_loop3A_543 = vector.shape_cast %parallel_loop3A_542 : vector<1x16xf32> to vector<16xf32>
        %parallel_loop3A_544 = arith.index_cast %parallel_loop3A_215 : i32 to index
        %parallel_loop3A_545 = arith.constant 112 : index
        %parallel_loop3A_546 = tpu.vector_load %arg11[%parallel_loop3A_544, %parallel_loop3A_545] {strides = array<i32>} : memref<40x128xf32, #tpu.memory_space<vmem>>, vector<1x16xf32>,
        %parallel_loop3A_547 = vector.shape_cast %parallel_loop3A_546 : vector<1x16xf32> to vector<16xf32>
        %parallel_loop3A_548 = arith.addf %parallel_loop3A_519, %parallel_loop3A_543 : vector<16xf32>
        %parallel_loop3A_549 = arith.addf %parallel_loop3A_548, %parallel_loop3A_537 : vector<16xf32>
        %parallel_loop3A_550 = arith.constant 0.000000e+00 : f32
        %parallel_loop3A_551 = vector.broadcast %parallel_loop3A_550 : f32 to vector<16xf32>
        %parallel_loop3A_552 = arith.subf %parallel_loop3A_551, %parallel_loop3A_549 : vector<16xf32>
        %parallel_loop3A_553 = math.exp %parallel_loop3A_552 : vector<16xf32>
        %parallel_loop3A_554 = arith.constant 1.000000e+00 : f32
        %parallel_loop3A_555 = vector.broadcast %parallel_loop3A_554 : f32 to vector<16xf32>
        %parallel_loop3A_556 = arith.addf %parallel_loop3A_555, %parallel_loop3A_553 : vector<16xf32>
        %parallel_loop3A_557 = tpu.bitcast %parallel_loop3A_556 : vector<16xf32> -> vector<16xi32>
        %parallel_loop3A_558 = arith.constant 2129859011 : i32
        %parallel_loop3A_559 = vector.broadcast %parallel_loop3A_558 : i32 to vector<16xi32>
        %parallel_loop3A_560 = arith.subi %parallel_loop3A_559, %parallel_loop3A_557 : vector<16xi32>
        %parallel_loop3A_561 = tpu.bitcast %parallel_loop3A_560 : vector<16xi32> -> vector<16xf32>
        %parallel_loop3A_562 = arith.mulf %parallel_loop3A_556, %parallel_loop3A_561 : vector<16xf32>
        %parallel_loop3A_563 = arith.constant 2.000000e+00 : f32
        %parallel_loop3A_564 = vector.broadcast %parallel_loop3A_563 : f32 to vector<16xf32>
        %parallel_loop3A_565 = arith.subf %parallel_loop3A_564, %parallel_loop3A_562 : vector<16xf32>
        %parallel_loop3A_566 = arith.mulf %parallel_loop3A_561, %parallel_loop3A_565 : vector<16xf32>
        %parallel_loop3A_567 = arith.mulf %parallel_loop3A_556, %parallel_loop3A_566 : vector<16xf32>
        %parallel_loop3A_568 = arith.constant 2.000000e+00 : f32
        %parallel_loop3A_569 = vector.broadcast %parallel_loop3A_568 : f32 to vector<16xf32>
        %parallel_loop3A_570 = arith.subf %parallel_loop3A_569, %parallel_loop3A_567 : vector<16xf32>
        %parallel_loop3A_571 = arith.mulf %parallel_loop3A_566, %parallel_loop3A_570 : vector<16xf32>
        %parallel_loop3A_572 = arith.mulf %parallel_loop3A_517, %parallel_loop3A_571 : vector<16xf32>
        %parallel_loop3A_573 = arith.index_cast %parallel_loop3A_215 : i32 to index
        %parallel_loop3A_574 = arith.constant 48 : index
        %parallel_loop3A_575 = tpu.vector_load %arg15[%parallel_loop3A_573, %parallel_loop3A_574] {strides = array<i32>} : memref<40x128xf32, #tpu.memory_space<vmem>>, vector<1x16xf32>,
        %parallel_loop3A_576 = vector.shape_cast %parallel_loop3A_575 : vector<1x16xf32> to vector<16xf32>
        %parallel_loop3A_577 = vector.shape_cast %parallel_loop3A_572 : vector<16xf32> to vector<1x16xf32>
        tpu.vector_store %arg15[%parallel_loop3A_573, %parallel_loop3A_574], %parallel_loop3A_577 {strides = array<i32>} : memref<40x128xf32, #tpu.memory_space<vmem>>, vector<1x16xf32>,
        %parallel_loop3A_578 = arith.addf %parallel_loop3A_529, %parallel_loop3A_547 : vector<16xf32>
        %parallel_loop3A_579 = arith.addf %parallel_loop3A_578, %parallel_loop3A_539 : vector<16xf32>
        %parallel_loop3A_580 = arith.constant 0.000000e+00 : f32
        %parallel_loop3A_581 = vector.broadcast %parallel_loop3A_580 : f32 to vector<16xf32>
        %parallel_loop3A_582 = arith.subf %parallel_loop3A_581, %parallel_loop3A_579 : vector<16xf32>
        %parallel_loop3A_583 = math.exp %parallel_loop3A_582 : vector<16xf32>
        %parallel_loop3A_584 = arith.constant 1.000000e+00 : f32
        %parallel_loop3A_585 = vector.broadcast %parallel_loop3A_584 : f32 to vector<16xf32>
        %parallel_loop3A_586 = arith.addf %parallel_loop3A_585, %parallel_loop3A_583 : vector<16xf32>
        %parallel_loop3A_587 = tpu.bitcast %parallel_loop3A_586 : vector<16xf32> -> vector<16xi32>
        %parallel_loop3A_588 = arith.constant 2129859011 : i32
        %parallel_loop3A_589 = vector.broadcast %parallel_loop3A_588 : i32 to vector<16xi32>
        %parallel_loop3A_590 = arith.subi %parallel_loop3A_589, %parallel_loop3A_587 : vector<16xi32>
        %parallel_loop3A_591 = tpu.bitcast %parallel_loop3A_590 : vector<16xi32> -> vector<16xf32>
        %parallel_loop3A_592 = arith.mulf %parallel_loop3A_586, %parallel_loop3A_591 : vector<16xf32>
        %parallel_loop3A_593 = arith.constant 2.000000e+00 : f32
        %parallel_loop3A_594 = vector.broadcast %parallel_loop3A_593 : f32 to vector<16xf32>
        %parallel_loop3A_595 = arith.subf %parallel_loop3A_594, %parallel_loop3A_592 : vector<16xf32>
        %parallel_loop3A_596 = arith.mulf %parallel_loop3A_591, %parallel_loop3A_595 : vector<16xf32>
        %parallel_loop3A_597 = arith.mulf %parallel_loop3A_586, %parallel_loop3A_596 : vector<16xf32>
        %parallel_loop3A_598 = arith.constant 2.000000e+00 : f32
        %parallel_loop3A_599 = vector.broadcast %parallel_loop3A_598 : f32 to vector<16xf32>
        %parallel_loop3A_600 = arith.subf %parallel_loop3A_599, %parallel_loop3A_597 : vector<16xf32>
        %parallel_loop3A_601 = arith.mulf %parallel_loop3A_596, %parallel_loop3A_600 : vector<16xf32>
        %parallel_loop3A_602 = arith.mulf %parallel_loop3A_527, %parallel_loop3A_601 : vector<16xf32>
        %parallel_loop3A_603 = arith.index_cast %parallel_loop3A_215 : i32 to index
        %parallel_loop3A_604 = arith.constant 112 : index
        %parallel_loop3A_605 = tpu.vector_load %arg15[%parallel_loop3A_603, %parallel_loop3A_604] {strides = array<i32>} : memref<40x128xf32, #tpu.memory_space<vmem>>, vector<1x16xf32>,
        %parallel_loop3A_606 = vector.shape_cast %parallel_loop3A_605 : vector<1x16xf32> to vector<16xf32>
        %parallel_loop3A_607 = vector.shape_cast %parallel_loop3A_602 : vector<16xf32> to vector<1x16xf32>
        tpu.vector_store %arg15[%parallel_loop3A_603, %parallel_loop3A_604], %parallel_loop3A_607 {strides = array<i32>} : memref<40x128xf32, #tpu.memory_space<vmem>>, vector<1x16xf32>,
      } {sc.loop_unroll_factor = 2 : i64, sc.parallel_access}
      %rem3A_150 = arith.constant 4 : i32
      %rem3A_151 = arith.remsi %add3A_71, %rem3A_150 : i32
      %dma_start3A_152 = arith.constant 0 : i32
      %dma_start3A_153 = tpu.memref_slice %arg18[%rem3A_151, %dma_start3A_152] : memref<4x40xi32, #tpu.memory_space<vmem>> -> memref<1x40xi32, #tpu.memory_space<vmem>>
      %dma_start3A_154 = tpu.memref_squeeze %dma_start3A_153 : memref<1x40xi32, #tpu.memory_space<vmem>> -> memref<40xi32, #tpu.memory_space<vmem>>
      %dma_start3A_155 = arith.constant 0 : i32
      %dma_start3A_156 = arith.constant 0 : i32
      %dma_start3A_157 = tpu.memref_slice %arg19[%dma_start3A_155, %dma_start3A_156] : memref<10000x128xf32, #tpu.memory_space<vmem_shared>> -> memref<10000x128xf32, #tpu.memory_space<vmem_shared>>
      tpu.enqueue_indirect_dma source(%arg15 : memref<40x128xf32, #tpu.memory_space<vmem>>) target(%dma_start3A_157 : memref<10000x128xf32, #tpu.memory_space<vmem_shared>>) offsets(%dma_start3A_154 : memref<40xi32, #tpu.memory_space<vmem>>) semaphore(%arg26 : memref<!tpu.dma_semaphore, #tpu.memory_space<semaphore_mem>>) {add = true}
      %mul3A_158 = arith.constant 2 : i32
      %mul3A_159 = arith.muli %add3A_67, %mul3A_158 : i32
      %add3A_160 = arith.constant 1 : i32
      %add3A_161 = arith.addi %mul3A_159, %add3A_160 : i32
      %lt3A_162 = arith.constant 124 : i32
      %lt3A_163 = arith.cmpi slt, %add3A_67, %lt3A_162 : i32
      %convert_element_type3A_164 = arith.extui %lt3A_163 : i1 to i32
      %cond3A_165 = arith.constant 0 : i32
      %cond3A_166 = arith.cmpi ne, %convert_element_type3A_164, %cond3A_165 : i32
      scf.if %cond3A_166 {
        %add3A_215 = arith.constant 1 : i32
        %add3A_216 = arith.addi %add3A_161, %add3A_215 : i32
        %rem3A_217 = arith.constant 4 : i32
        %rem3A_218 = arith.remsi %add3A_216, %rem3A_217 : i32
        %mul3A_219 = arith.constant 40 : i32
        %mul3A_220 = arith.muli %add3A_216, %mul3A_219 : i32
        %add3A_221 = arith.addi %mul3A_2, %mul3A_220 : i32
        %dma_wait3A_222 = arith.constant 0 : i32
        %dma_wait3A_223 = tpu.memref_slice %arg17[%rem3A_218, %dma_wait3A_222] : memref<4x40xi32, #tpu.memory_space<vmem>> -> memref<1x40xi32, #tpu.memory_space<vmem>>
        %dma_wait3A_224 = tpu.memref_squeeze %dma_wait3A_223 : memref<1x40xi32, #tpu.memory_space<vmem>> -> memref<40xi32, #tpu.memory_space<vmem>>
        %dma_wait3A_225 = tpu.memref_slice %arg5[%add3A_221] : memref<320000xi32, #tpu.memory_space<hbm>> -> memref<40xi32, #tpu.memory_space<hbm>>
        %dma_wait3A_226 = arith.constant 0 : i32
        %dma_wait3A_227 = tpu.memref_slice %arg17[%rem3A_218, %dma_wait3A_226] : memref<4x40xi32, #tpu.memory_space<vmem>> -> memref<1x40xi32, #tpu.memory_space<vmem>>
        %dma_wait3A_228 = tpu.memref_squeeze %dma_wait3A_227 : memref<1x40xi32, #tpu.memory_space<vmem>> -> memref<40xi32, #tpu.memory_space<vmem>>
        %dma_wait3A_229 = tpu.memref_slice %arg5[%add3A_221] : memref<320000xi32, #tpu.memory_space<hbm>> -> memref<40xi32, #tpu.memory_space<hbm>>
        tpu.wait_dma2 semaphore(%arg28 : memref<!tpu.dma_semaphore, #tpu.memory_space<semaphore_mem>>) src(%dma_wait3A_229 : memref<40xi32, #tpu.memory_space<hbm>>) dst(%dma_wait3A_228 : memref<40xi32, #tpu.memory_space<vmem>>)
        %mul3A_230 = arith.constant 40 : i32
        %mul3A_231 = arith.muli %add3A_216, %mul3A_230 : i32
        %add3A_232 = arith.addi %mul3A_2, %mul3A_231 : i32
        %dma_wait3A_233 = arith.constant 0 : i32
        %dma_wait3A_234 = tpu.memref_slice %arg18[%rem3A_218, %dma_wait3A_233] : memref<4x40xi32, #tpu.memory_space<vmem>> -> memref<1x40xi32, #tpu.memory_space<vmem>>
        %dma_wait3A_235 = tpu.memref_squeeze %dma_wait3A_234 : memref<1x40xi32, #tpu.memory_space<vmem>> -> memref<40xi32, #tpu.memory_space<vmem>>
        %dma_wait3A_236 = tpu.memref_slice %arg6[%add3A_232] : memref<320000xi32, #tpu.memory_space<hbm>> -> memref<40xi32, #tpu.memory_space<hbm>>
        %dma_wait3A_237 = arith.constant 0 : i32
        %dma_wait3A_238 = tpu.memref_slice %arg18[%rem3A_218, %dma_wait3A_237] : memref<4x40xi32, #tpu.memory_space<vmem>> -> memref<1x40xi32, #tpu.memory_space<vmem>>
        %dma_wait3A_239 = tpu.memref_squeeze %dma_wait3A_238 : memref<1x40xi32, #tpu.memory_space<vmem>> -> memref<40xi32, #tpu.memory_space<vmem>>
        %dma_wait3A_240 = tpu.memref_slice %arg6[%add3A_232] : memref<320000xi32, #tpu.memory_space<hbm>> -> memref<40xi32, #tpu.memory_space<hbm>>
        tpu.wait_dma2 semaphore(%arg28 : memref<!tpu.dma_semaphore, #tpu.memory_space<semaphore_mem>>) src(%dma_wait3A_240 : memref<40xi32, #tpu.memory_space<hbm>>) dst(%dma_wait3A_239 : memref<40xi32, #tpu.memory_space<vmem>>)
        %add3A_241 = arith.constant 1 : i32
        %add3A_242 = arith.addi %add3A_161, %add3A_241 : i32
        %rem3A_243 = arith.constant 4 : i32
        %rem3A_244 = arith.remsi %add3A_242, %rem3A_243 : i32
        %dma_start3A_245 = arith.constant 0 : i32
        %dma_start3A_246 = tpu.memref_slice %arg17[%rem3A_244, %dma_start3A_245] : memref<4x40xi32, #tpu.memory_space<vmem>> -> memref<1x40xi32, #tpu.memory_space<vmem>>
        %dma_start3A_247 = tpu.memref_squeeze %dma_start3A_246 : memref<1x40xi32, #tpu.memory_space<vmem>> -> memref<40xi32, #tpu.memory_space<vmem>>
        %dma_start3A_248 = arith.constant 0 : i32
        %dma_start3A_249 = arith.constant 0 : i32
        %dma_start3A_250 = tpu.memref_slice %arg2[%dma_start3A_248, %dma_start3A_249] : memref<10000x128xi32, #tpu.memory_space<hbm>> -> memref<10000x128xi32, #tpu.memory_space<hbm>>
        tpu.enqueue_indirect_dma source(%dma_start3A_250 : memref<10000x128xi32, #tpu.memory_space<hbm>>) target(%arg9 : memref<40x128xi32, #tpu.memory_space<vmem>>) offsets(%dma_start3A_247 : memref<40xi32, #tpu.memory_space<vmem>>) semaphore(%arg20 : memref<!tpu.dma_semaphore, #tpu.memory_space<semaphore_mem>>)
        %dma_start3A_251 = arith.constant 0 : i32
        %dma_start3A_252 = tpu.memref_slice %arg18[%rem3A_244, %dma_start3A_251] : memref<4x40xi32, #tpu.memory_space<vmem>> -> memref<1x40xi32, #tpu.memory_space<vmem>>
        %dma_start3A_253 = tpu.memref_squeeze %dma_start3A_252 : memref<1x40xi32, #tpu.memory_space<vmem>> -> memref<40xi32, #tpu.memory_space<vmem>>
        %dma_start3A_254 = arith.constant 0 : i32
        %dma_start3A_255 = arith.constant 0 : i32
        %dma_start3A_256 = tpu.memref_slice %arg3[%dma_start3A_254, %dma_start3A_255] : memref<10000x128xf32, #tpu.memory_space<hbm>> -> memref<10000x128xf32, #tpu.memory_space<hbm>>
        tpu.enqueue_indirect_dma source(%dma_start3A_256 : memref<10000x128xf32, #tpu.memory_space<hbm>>) target(%arg11 : memref<40x128xf32, #tpu.memory_space<vmem>>) offsets(%dma_start3A_253 : memref<40xi32, #tpu.memory_space<vmem>>) semaphore(%arg22 : memref<!tpu.dma_semaphore, #tpu.memory_space<semaphore_mem>>)
        %mul3A_257 = arith.constant 40 : i32
        %mul3A_258 = arith.muli %add3A_242, %mul3A_257 : i32
        %add3A_259 = arith.addi %mul3A_2, %mul3A_258 : i32
        %dma_start3A_260 = arith.constant 0 : i32
        %dma_start3A_261 = tpu.memref_slice %arg4[%add3A_259, %dma_start3A_260] : memref<320000x64xi32, #tpu.memory_space<hbm>> -> memref<40x64xi32, #tpu.memory_space<hbm>>
        %dma_start3A_262 = arith.constant 0 : i32
        %dma_start3A_263 = tpu.memref_slice %arg4[%add3A_259, %dma_start3A_262] : memref<320000x64xi32, #tpu.memory_space<hbm>> -> memref<40x64xi32, #tpu.memory_space<hbm>>
        tpu.enqueue_dma source(%dma_start3A_263 : memref<40x64xi32, #tpu.memory_space<hbm>>) target(%arg13 : memref<40x64xi32, #tpu.memory_space<vmem>>) target_semaphore(%arg24 : memref<!tpu.dma_semaphore, #tpu.memory_space<semaphore_mem>>)
      } else {
      }
      %rem3A_167 = arith.constant 4 : i32
      %rem3A_168 = arith.remsi %add3A_161, %rem3A_167 : i32
      %dma_wait3A_169 = arith.constant 0 : i32
      %dma_wait3A_170 = tpu.memref_slice %arg17[%rem3A_168, %dma_wait3A_169] : memref<4x40xi32, #tpu.memory_space<vmem>> -> memref<1x40xi32, #tpu.memory_space<vmem>>
      %dma_wait3A_171 = tpu.memref_squeeze %dma_wait3A_170 : memref<1x40xi32, #tpu.memory_space<vmem>> -> memref<40xi32, #tpu.memory_space<vmem>>
      %dma_wait3A_172 = arith.constant 0 : i32
      %dma_wait3A_173 = arith.constant 0 : i32
      %dma_wait3A_174 = tpu.memref_slice %arg2[%dma_wait3A_172, %dma_wait3A_173] : memref<10000x128xi32, #tpu.memory_space<hbm>> -> memref<10000x128xi32, #tpu.memory_space<hbm>>
      tpu.wait_indirect_dma semaphore(%arg21 : memref<!tpu.dma_semaphore, #tpu.memory_space<semaphore_mem>>) src(%dma_wait3A_174 : memref<10000x128xi32, #tpu.memory_space<hbm>>) dst(%arg10 : memref<40x128xi32, #tpu.memory_space<vmem>>)
      %dma_wait3A_175 = arith.constant 0 : i32
      %dma_wait3A_176 = tpu.memref_slice %arg18[%rem3A_168, %dma_wait3A_175] : memref<4x40xi32, #tpu.memory_space<vmem>> -> memref<1x40xi32, #tpu.memory_space<vmem>>
      %dma_wait3A_177 = tpu.memref_squeeze %dma_wait3A_176 : memref<1x40xi32, #tpu.memory_space<vmem>> -> memref<40xi32, #tpu.memory_space<vmem>>
      %dma_wait3A_178 = arith.constant 0 : i32
      %dma_wait3A_179 = arith.constant 0 : i32
      %dma_wait3A_180 = tpu.memref_slice %arg3[%dma_wait3A_178, %dma_wait3A_179] : memref<10000x128xf32, #tpu.memory_space<hbm>> -> memref<10000x128xf32, #tpu.memory_space<hbm>>
      tpu.wait_indirect_dma semaphore(%arg23 : memref<!tpu.dma_semaphore, #tpu.memory_space<semaphore_mem>>) src(%dma_wait3A_180 : memref<10000x128xf32, #tpu.memory_space<hbm>>) dst(%arg12 : memref<40x128xf32, #tpu.memory_space<vmem>>)
      %mul3A_181 = arith.constant 40 : i32
      %mul3A_182 = arith.muli %add3A_161, %mul3A_181 : i32
      %add3A_183 = arith.addi %mul3A_2, %mul3A_182 : i32
      %dma_wait3A_184 = arith.constant 0 : i32
      %dma_wait3A_185 = tpu.memref_slice %arg4[%add3A_183, %dma_wait3A_184] : memref<320000x64xi32, #tpu.memory_space<hbm>> -> memref<40x64xi32, #tpu.memory_space<hbm>>
      %dma_wait3A_186 = arith.constant 0 : i32
      %dma_wait3A_187 = tpu.memref_slice %arg4[%add3A_183, %dma_wait3A_186] : memref<320000x64xi32, #tpu.memory_space<hbm>> -> memref<40x64xi32, #tpu.memory_space<hbm>>
      tpu.wait_dma2 semaphore(%arg25 : memref<!tpu.dma_semaphore, #tpu.memory_space<semaphore_mem>>) src(%dma_wait3A_187 : memref<40x64xi32, #tpu.memory_space<hbm>>) dst(%arg14 : memref<40x64xi32, #tpu.memory_space<vmem>>)
      %ge3A_188 = arith.constant 1 : i32
      %ge3A_189 = arith.cmpi sge, %add3A_67, %ge3A_188 : i32
      %convert_element_type3A_190 = arith.extui %ge3A_189 : i1 to i32
      %cond3A_191 = arith.constant 0 : i32
      %cond3A_192 = arith.cmpi ne, %convert_element_type3A_190, %cond3A_191 : i32
      scf.if %cond3A_192 {
        %dma_wait3A_215 = arith.constant 0 : i32
        %dma_wait3A_216 = arith.constant 0 : i32
        %dma_wait3A_217 = tpu.memref_slice %arg18[%dma_wait3A_215, %dma_wait3A_216] : memref<4x40xi32, #tpu.memory_space<vmem>> -> memref<1x40xi32, #tpu.memory_space<vmem>>
        %dma_wait3A_218 = tpu.memref_squeeze %dma_wait3A_217 : memref<1x40xi32, #tpu.memory_space<vmem>> -> memref<40xi32, #tpu.memory_space<vmem>>
        %dma_wait3A_219 = arith.constant 0 : i32
        %dma_wait3A_220 = arith.constant 0 : i32
        %dma_wait3A_221 = tpu.memref_slice %arg19[%dma_wait3A_219, %dma_wait3A_220] : memref<10000x128xf32, #tpu.memory_space<vmem_shared>> -> memref<10000x128xf32, #tpu.memory_space<vmem_shared>>
        tpu.wait_indirect_dma semaphore(%arg27 : memref<!tpu.dma_semaphore, #tpu.memory_space<semaphore_mem>>) src(%arg16 : memref<40x128xf32, #tpu.memory_space<vmem>>) dst(%dma_wait3A_221 : memref<10000x128xf32, #tpu.memory_space<vmem_shared>>)
      } else {
      }
      %lt3A_193 = arith.constant 124 : i32
      %lt3A_194 = arith.cmpi slt, %add3A_67, %lt3A_193 : i32
      %convert_element_type3A_195 = arith.extui %lt3A_194 : i1 to i32
      %cond3A_196 = arith.constant 0 : i32
      %cond3A_197 = arith.cmpi ne, %convert_element_type3A_195, %cond3A_196 : i32
      scf.if %cond3A_197 {
        %add3A_215 = arith.constant 2 : i32
        %add3A_216 = arith.addi %add3A_161, %add3A_215 : i32
        %rem3A_217 = arith.constant 4 : i32
        %rem3A_218 = arith.remsi %add3A_216, %rem3A_217 : i32
        %mul3A_219 = arith.constant 40 : i32
        %mul3A_220 = arith.muli %add3A_216, %mul3A_219 : i32
        %add3A_221 = arith.addi %mul3A_2, %mul3A_220 : i32
        %dma_start3A_222 = arith.constant 0 : i32
        %dma_start3A_223 = tpu.memref_slice %arg17[%rem3A_218, %dma_start3A_222] : memref<4x40xi32, #tpu.memory_space<vmem>> -> memref<1x40xi32, #tpu.memory_space<vmem>>
        %dma_start3A_224 = tpu.memref_squeeze %dma_start3A_223 : memref<1x40xi32, #tpu.memory_space<vmem>> -> memref<40xi32, #tpu.memory_space<vmem>>
        %dma_start3A_225 = tpu.memref_slice %arg5[%add3A_221] : memref<320000xi32, #tpu.memory_space<hbm>> -> memref<40xi32, #tpu.memory_space<hbm>>
        %dma_start3A_226 = arith.constant 0 : i32
        %dma_start3A_227 = tpu.memref_slice %arg17[%rem3A_218, %dma_start3A_226] : memref<4x40xi32, #tpu.memory_space<vmem>> -> memref<1x40xi32, #tpu.memory_space<vmem>>
        %dma_start3A_228 = tpu.memref_squeeze %dma_start3A_227 : memref<1x40xi32, #tpu.memory_space<vmem>> -> memref<40xi32, #tpu.memory_space<vmem>>
        %dma_start3A_229 = tpu.memref_slice %arg5[%add3A_221] : memref<320000xi32, #tpu.memory_space<hbm>> -> memref<40xi32, #tpu.memory_space<hbm>>
        tpu.enqueue_dma source(%dma_start3A_229 : memref<40xi32, #tpu.memory_space<hbm>>) target(%dma_start3A_228 : memref<40xi32, #tpu.memory_space<vmem>>) target_semaphore(%arg29 : memref<!tpu.dma_semaphore, #tpu.memory_space<semaphore_mem>>)
        %mul3A_230 = arith.constant 40 : i32
        %mul3A_231 = arith.muli %add3A_216, %mul3A_230 : i32
        %add3A_232 = arith.addi %mul3A_2, %mul3A_231 : i32
        %dma_start3A_233 = arith.constant 0 : i32
        %dma_start3A_234 = tpu.memref_slice %arg18[%rem3A_218, %dma_start3A_233] : memref<4x40xi32, #tpu.memory_space<vmem>> -> memref<1x40xi32, #tpu.memory_space<vmem>>
        %dma_start3A_235 = tpu.memref_squeeze %dma_start3A_234 : memref<1x40xi32, #tpu.memory_space<vmem>> -> memref<40xi32, #tpu.memory_space<vmem>>
        %dma_start3A_236 = tpu.memref_slice %arg6[%add3A_232] : memref<320000xi32, #tpu.memory_space<hbm>> -> memref<40xi32, #tpu.memory_space<hbm>>
        %dma_start3A_237 = arith.constant 0 : i32
        %dma_start3A_238 = tpu.memref_slice %arg18[%rem3A_218, %dma_start3A_237] : memref<4x40xi32, #tpu.memory_space<vmem>> -> memref<1x40xi32, #tpu.memory_space<vmem>>
        %dma_start3A_239 = tpu.memref_squeeze %dma_start3A_238 : memref<1x40xi32, #tpu.memory_space<vmem>> -> memref<40xi32, #tpu.memory_space<vmem>>
        %dma_start3A_240 = tpu.memref_slice %arg6[%add3A_232] : memref<320000xi32, #tpu.memory_space<hbm>> -> memref<40xi32, #tpu.memory_space<hbm>>
        tpu.enqueue_dma source(%dma_start3A_240 : memref<40xi32, #tpu.memory_space<hbm>>) target(%dma_start3A_239 : memref<40xi32, #tpu.memory_space<vmem>>) target_semaphore(%arg29 : memref<!tpu.dma_semaphore, #tpu.memory_space<semaphore_mem>>)
      } else {
      }
      %broadcast_in_dim3A_198 = arith.constant -65536 : i32
      %broadcast_in_dim3A_199 = vector.broadcast %broadcast_in_dim3A_198 : i32 to vector<16xi32>
      %parallel_loop3A_200 = arith.constant 0 : i32
      %parallel_loop3A_201 = arith.constant 40 : i32
      %parallel_loop3A_202 = arith.constant 1 : i32
      scf.for %parallel_loop3A_215 = %parallel_loop3A_200 to %parallel_loop3A_201 step %parallel_loop3A_202  : i32 {
        %parallel_loop3A_216 = arith.index_cast %parallel_loop3A_215 : i32 to index
        %parallel_loop3A_217 = arith.constant 0 : index
        %parallel_loop3A_218 = tpu.vector_load %arg10[%parallel_loop3A_216, %parallel_loop3A_217] {strides = array<i32>} : memref<40x128xi32, #tpu.memory_space<vmem>>, vector<1x16xi32>,
        %parallel_loop3A_219 = vector.shape_cast %parallel_loop3A_218 : vector<1x16xi32> to vector<16xi32>
        %parallel_loop3A_220 = arith.constant 16 : i32
        %parallel_loop3A_221 = vector.broadcast %parallel_loop3A_220 : i32 to vector<16xi32>
        %parallel_loop3A_222 = arith.shli %parallel_loop3A_219, %parallel_loop3A_221 : vector<16xi32>
        %parallel_loop3A_223 = tpu.bitcast %parallel_loop3A_222 : vector<16xi32> -> vector<16xf32>
        %parallel_loop3A_224 = arith.andi %parallel_loop3A_219, %broadcast_in_dim3A_199 : vector<16xi32>
        %parallel_loop3A_225 = tpu.bitcast %parallel_loop3A_224 : vector<16xi32> -> vector<16xf32>
        %parallel_loop3A_226 = arith.index_cast %parallel_loop3A_215 : i32 to index
        %parallel_loop3A_227 = arith.constant 64 : index
        %parallel_loop3A_228 = tpu.vector_load %arg10[%parallel_loop3A_226, %parallel_loop3A_227] {strides = array<i32>} : memref<40x128xi32, #tpu.memory_space<vmem>>, vector<1x16xi32>,
        %parallel_loop3A_229 = vector.shape_cast %parallel_loop3A_228 : vector<1x16xi32> to vector<16xi32>
        %parallel_loop3A_230 = arith.constant 16 : i32
        %parallel_loop3A_231 = vector.broadcast %parallel_loop3A_230 : i32 to vector<16xi32>
        %parallel_loop3A_232 = arith.shli %parallel_loop3A_229, %parallel_loop3A_231 : vector<16xi32>
        %parallel_loop3A_233 = tpu.bitcast %parallel_loop3A_232 : vector<16xi32> -> vector<16xf32>
        %parallel_loop3A_234 = arith.andi %parallel_loop3A_229, %broadcast_in_dim3A_199 : vector<16xi32>
        %parallel_loop3A_235 = tpu.bitcast %parallel_loop3A_234 : vector<16xi32> -> vector<16xf32>
        %parallel_loop3A_236 = arith.index_cast %parallel_loop3A_215 : i32 to index
        %parallel_loop3A_237 = arith.constant 0 : index
        %parallel_loop3A_238 = tpu.vector_load %arg14[%parallel_loop3A_236, %parallel_loop3A_237] {strides = array<i32>} : memref<40x64xi32, #tpu.memory_space<vmem>>, vector<1x16xi32>,
        %parallel_loop3A_239 = vector.shape_cast %parallel_loop3A_238 : vector<1x16xi32> to vector<16xi32>
        %parallel_loop3A_240 = arith.constant 16 : i32
        %parallel_loop3A_241 = vector.broadcast %parallel_loop3A_240 : i32 to vector<16xi32>
        %parallel_loop3A_242 = arith.shli %parallel_loop3A_239, %parallel_loop3A_241 : vector<16xi32>
        %parallel_loop3A_243 = tpu.bitcast %parallel_loop3A_242 : vector<16xi32> -> vector<16xf32>
        %parallel_loop3A_244 = arith.andi %parallel_loop3A_239, %broadcast_in_dim3A_199 : vector<16xi32>
        %parallel_loop3A_245 = tpu.bitcast %parallel_loop3A_244 : vector<16xi32> -> vector<16xf32>
        %parallel_loop3A_246 = arith.index_cast %parallel_loop3A_215 : i32 to index
        %parallel_loop3A_247 = arith.constant 0 : index
        %parallel_loop3A_248 = tpu.vector_load %arg12[%parallel_loop3A_246, %parallel_loop3A_247] {strides = array<i32>} : memref<40x128xf32, #tpu.memory_space<vmem>>, vector<1x16xf32>,
        %parallel_loop3A_249 = vector.shape_cast %parallel_loop3A_248 : vector<1x16xf32> to vector<16xf32>
        %parallel_loop3A_250 = arith.index_cast %parallel_loop3A_215 : i32 to index
        %parallel_loop3A_251 = arith.constant 64 : index
        %parallel_loop3A_252 = tpu.vector_load %arg12[%parallel_loop3A_250, %parallel_loop3A_251] {strides = array<i32>} : memref<40x128xf32, #tpu.memory_space<vmem>>, vector<1x16xf32>,
        %parallel_loop3A_253 = vector.shape_cast %parallel_loop3A_252 : vector<1x16xf32> to vector<16xf32>
        %parallel_loop3A_254 = arith.addf %parallel_loop3A_225, %parallel_loop3A_249 : vector<16xf32>
        %parallel_loop3A_255 = arith.addf %parallel_loop3A_254, %parallel_loop3A_243 : vector<16xf32>
        %parallel_loop3A_256 = arith.constant 0.000000e+00 : f32
        %parallel_loop3A_257 = vector.broadcast %parallel_loop3A_256 : f32 to vector<16xf32>
        %parallel_loop3A_258 = arith.subf %parallel_loop3A_257, %parallel_loop3A_255 : vector<16xf32>
        %parallel_loop3A_259 = math.exp %parallel_loop3A_258 : vector<16xf32>
        %parallel_loop3A_260 = arith.constant 1.000000e+00 : f32
        %parallel_loop3A_261 = vector.broadcast %parallel_loop3A_260 : f32 to vector<16xf32>
        %parallel_loop3A_262 = arith.addf %parallel_loop3A_261, %parallel_loop3A_259 : vector<16xf32>
        %parallel_loop3A_263 = tpu.bitcast %parallel_loop3A_262 : vector<16xf32> -> vector<16xi32>
        %parallel_loop3A_264 = arith.constant 2129859011 : i32
        %parallel_loop3A_265 = vector.broadcast %parallel_loop3A_264 : i32 to vector<16xi32>
        %parallel_loop3A_266 = arith.subi %parallel_loop3A_265, %parallel_loop3A_263 : vector<16xi32>
        %parallel_loop3A_267 = tpu.bitcast %parallel_loop3A_266 : vector<16xi32> -> vector<16xf32>
        %parallel_loop3A_268 = arith.mulf %parallel_loop3A_262, %parallel_loop3A_267 : vector<16xf32>
        %parallel_loop3A_269 = arith.constant 2.000000e+00 : f32
        %parallel_loop3A_270 = vector.broadcast %parallel_loop3A_269 : f32 to vector<16xf32>
        %parallel_loop3A_271 = arith.subf %parallel_loop3A_270, %parallel_loop3A_268 : vector<16xf32>
        %parallel_loop3A_272 = arith.mulf %parallel_loop3A_267, %parallel_loop3A_271 : vector<16xf32>
        %parallel_loop3A_273 = arith.mulf %parallel_loop3A_262, %parallel_loop3A_272 : vector<16xf32>
        %parallel_loop3A_274 = arith.constant 2.000000e+00 : f32
        %parallel_loop3A_275 = vector.broadcast %parallel_loop3A_274 : f32 to vector<16xf32>
        %parallel_loop3A_276 = arith.subf %parallel_loop3A_275, %parallel_loop3A_273 : vector<16xf32>
        %parallel_loop3A_277 = arith.mulf %parallel_loop3A_272, %parallel_loop3A_276 : vector<16xf32>
        %parallel_loop3A_278 = arith.mulf %parallel_loop3A_223, %parallel_loop3A_277 : vector<16xf32>
        %parallel_loop3A_279 = arith.index_cast %parallel_loop3A_215 : i32 to index
        %parallel_loop3A_280 = arith.constant 0 : index
        %parallel_loop3A_281 = tpu.vector_load %arg16[%parallel_loop3A_279, %parallel_loop3A_280] {strides = array<i32>} : memref<40x128xf32, #tpu.memory_space<vmem>>, vector<1x16xf32>,
        %parallel_loop3A_282 = vector.shape_cast %parallel_loop3A_281 : vector<1x16xf32> to vector<16xf32>
        %parallel_loop3A_283 = vector.shape_cast %parallel_loop3A_278 : vector<16xf32> to vector<1x16xf32>
        tpu.vector_store %arg16[%parallel_loop3A_279, %parallel_loop3A_280], %parallel_loop3A_283 {strides = array<i32>} : memref<40x128xf32, #tpu.memory_space<vmem>>, vector<1x16xf32>,
        %parallel_loop3A_284 = arith.addf %parallel_loop3A_235, %parallel_loop3A_253 : vector<16xf32>
        %parallel_loop3A_285 = arith.addf %parallel_loop3A_284, %parallel_loop3A_245 : vector<16xf32>
        %parallel_loop3A_286 = arith.constant 0.000000e+00 : f32
        %parallel_loop3A_287 = vector.broadcast %parallel_loop3A_286 : f32 to vector<16xf32>
        %parallel_loop3A_288 = arith.subf %parallel_loop3A_287, %parallel_loop3A_285 : vector<16xf32>
        %parallel_loop3A_289 = math.exp %parallel_loop3A_288 : vector<16xf32>
        %parallel_loop3A_290 = arith.constant 1.000000e+00 : f32
        %parallel_loop3A_291 = vector.broadcast %parallel_loop3A_290 : f32 to vector<16xf32>
        %parallel_loop3A_292 = arith.addf %parallel_loop3A_291, %parallel_loop3A_289 : vector<16xf32>
        %parallel_loop3A_293 = tpu.bitcast %parallel_loop3A_292 : vector<16xf32> -> vector<16xi32>
        %parallel_loop3A_294 = arith.constant 2129859011 : i32
        %parallel_loop3A_295 = vector.broadcast %parallel_loop3A_294 : i32 to vector<16xi32>
        %parallel_loop3A_296 = arith.subi %parallel_loop3A_295, %parallel_loop3A_293 : vector<16xi32>
        %parallel_loop3A_297 = tpu.bitcast %parallel_loop3A_296 : vector<16xi32> -> vector<16xf32>
        %parallel_loop3A_298 = arith.mulf %parallel_loop3A_292, %parallel_loop3A_297 : vector<16xf32>
        %parallel_loop3A_299 = arith.constant 2.000000e+00 : f32
        %parallel_loop3A_300 = vector.broadcast %parallel_loop3A_299 : f32 to vector<16xf32>
        %parallel_loop3A_301 = arith.subf %parallel_loop3A_300, %parallel_loop3A_298 : vector<16xf32>
        %parallel_loop3A_302 = arith.mulf %parallel_loop3A_297, %parallel_loop3A_301 : vector<16xf32>
        %parallel_loop3A_303 = arith.mulf %parallel_loop3A_292, %parallel_loop3A_302 : vector<16xf32>
        %parallel_loop3A_304 = arith.constant 2.000000e+00 : f32
        %parallel_loop3A_305 = vector.broadcast %parallel_loop3A_304 : f32 to vector<16xf32>
        %parallel_loop3A_306 = arith.subf %parallel_loop3A_305, %parallel_loop3A_303 : vector<16xf32>
        %parallel_loop3A_307 = arith.mulf %parallel_loop3A_302, %parallel_loop3A_306 : vector<16xf32>
        %parallel_loop3A_308 = arith.mulf %parallel_loop3A_233, %parallel_loop3A_307 : vector<16xf32>
        %parallel_loop3A_309 = arith.index_cast %parallel_loop3A_215 : i32 to index
        %parallel_loop3A_310 = arith.constant 64 : index
        %parallel_loop3A_311 = tpu.vector_load %arg16[%parallel_loop3A_309, %parallel_loop3A_310] {strides = array<i32>} : memref<40x128xf32, #tpu.memory_space<vmem>>, vector<1x16xf32>,
        %parallel_loop3A_312 = vector.shape_cast %parallel_loop3A_311 : vector<1x16xf32> to vector<16xf32>
        %parallel_loop3A_313 = vector.shape_cast %parallel_loop3A_308 : vector<16xf32> to vector<1x16xf32>
        tpu.vector_store %arg16[%parallel_loop3A_309, %parallel_loop3A_310], %parallel_loop3A_313 {strides = array<i32>} : memref<40x128xf32, #tpu.memory_space<vmem>>, vector<1x16xf32>,
        %parallel_loop3A_314 = arith.index_cast %parallel_loop3A_215 : i32 to index
        %parallel_loop3A_315 = arith.constant 16 : index
        %parallel_loop3A_316 = tpu.vector_load %arg10[%parallel_loop3A_314, %parallel_loop3A_315] {strides = array<i32>} : memref<40x128xi32, #tpu.memory_space<vmem>>, vector<1x16xi32>,
        %parallel_loop3A_317 = vector.shape_cast %parallel_loop3A_316 : vector<1x16xi32> to vector<16xi32>
        %parallel_loop3A_318 = arith.constant 16 : i32
        %parallel_loop3A_319 = vector.broadcast %parallel_loop3A_318 : i32 to vector<16xi32>
        %parallel_loop3A_320 = arith.shli %parallel_loop3A_317, %parallel_loop3A_319 : vector<16xi32>
        %parallel_loop3A_321 = tpu.bitcast %parallel_loop3A_320 : vector<16xi32> -> vector<16xf32>
        %parallel_loop3A_322 = arith.andi %parallel_loop3A_317, %broadcast_in_dim3A_199 : vector<16xi32>
        %parallel_loop3A_323 = tpu.bitcast %parallel_loop3A_322 : vector<16xi32> -> vector<16xf32>
        %parallel_loop3A_324 = arith.index_cast %parallel_loop3A_215 : i32 to index
        %parallel_loop3A_325 = arith.constant 80 : index
        %parallel_loop3A_326 = tpu.vector_load %arg10[%parallel_loop3A_324, %parallel_loop3A_325] {strides = array<i32>} : memref<40x128xi32, #tpu.memory_space<vmem>>, vector<1x16xi32>,
        %parallel_loop3A_327 = vector.shape_cast %parallel_loop3A_326 : vector<1x16xi32> to vector<16xi32>
        %parallel_loop3A_328 = arith.constant 16 : i32
        %parallel_loop3A_329 = vector.broadcast %parallel_loop3A_328 : i32 to vector<16xi32>
        %parallel_loop3A_330 = arith.shli %parallel_loop3A_327, %parallel_loop3A_329 : vector<16xi32>
        %parallel_loop3A_331 = tpu.bitcast %parallel_loop3A_330 : vector<16xi32> -> vector<16xf32>
        %parallel_loop3A_332 = arith.andi %parallel_loop3A_327, %broadcast_in_dim3A_199 : vector<16xi32>
        %parallel_loop3A_333 = tpu.bitcast %parallel_loop3A_332 : vector<16xi32> -> vector<16xf32>
        %parallel_loop3A_334 = arith.index_cast %parallel_loop3A_215 : i32 to index
        %parallel_loop3A_335 = arith.constant 16 : index
        %parallel_loop3A_336 = tpu.vector_load %arg14[%parallel_loop3A_334, %parallel_loop3A_335] {strides = array<i32>} : memref<40x64xi32, #tpu.memory_space<vmem>>, vector<1x16xi32>,
        %parallel_loop3A_337 = vector.shape_cast %parallel_loop3A_336 : vector<1x16xi32> to vector<16xi32>
        %parallel_loop3A_338 = arith.constant 16 : i32
        %parallel_loop3A_339 = vector.broadcast %parallel_loop3A_338 : i32 to vector<16xi32>
        %parallel_loop3A_340 = arith.shli %parallel_loop3A_337, %parallel_loop3A_339 : vector<16xi32>
        %parallel_loop3A_341 = tpu.bitcast %parallel_loop3A_340 : vector<16xi32> -> vector<16xf32>
        %parallel_loop3A_342 = arith.andi %parallel_loop3A_337, %broadcast_in_dim3A_199 : vector<16xi32>
        %parallel_loop3A_343 = tpu.bitcast %parallel_loop3A_342 : vector<16xi32> -> vector<16xf32>
        %parallel_loop3A_344 = arith.index_cast %parallel_loop3A_215 : i32 to index
        %parallel_loop3A_345 = arith.constant 16 : index
        %parallel_loop3A_346 = tpu.vector_load %arg12[%parallel_loop3A_344, %parallel_loop3A_345] {strides = array<i32>} : memref<40x128xf32, #tpu.memory_space<vmem>>, vector<1x16xf32>,
        %parallel_loop3A_347 = vector.shape_cast %parallel_loop3A_346 : vector<1x16xf32> to vector<16xf32>
        %parallel_loop3A_348 = arith.index_cast %parallel_loop3A_215 : i32 to index
        %parallel_loop3A_349 = arith.constant 80 : index
        %parallel_loop3A_350 = tpu.vector_load %arg12[%parallel_loop3A_348, %parallel_loop3A_349] {strides = array<i32>} : memref<40x128xf32, #tpu.memory_space<vmem>>, vector<1x16xf32>,
        %parallel_loop3A_351 = vector.shape_cast %parallel_loop3A_350 : vector<1x16xf32> to vector<16xf32>
        %parallel_loop3A_352 = arith.addf %parallel_loop3A_323, %parallel_loop3A_347 : vector<16xf32>
        %parallel_loop3A_353 = arith.addf %parallel_loop3A_352, %parallel_loop3A_341 : vector<16xf32>
        %parallel_loop3A_354 = arith.constant 0.000000e+00 : f32
        %parallel_loop3A_355 = vector.broadcast %parallel_loop3A_354 : f32 to vector<16xf32>
        %parallel_loop3A_356 = arith.subf %parallel_loop3A_355, %parallel_loop3A_353 : vector<16xf32>
        %parallel_loop3A_357 = math.exp %parallel_loop3A_356 : vector<16xf32>
        %parallel_loop3A_358 = arith.constant 1.000000e+00 : f32
        %parallel_loop3A_359 = vector.broadcast %parallel_loop3A_358 : f32 to vector<16xf32>
        %parallel_loop3A_360 = arith.addf %parallel_loop3A_359, %parallel_loop3A_357 : vector<16xf32>
        %parallel_loop3A_361 = tpu.bitcast %parallel_loop3A_360 : vector<16xf32> -> vector<16xi32>
        %parallel_loop3A_362 = arith.constant 2129859011 : i32
        %parallel_loop3A_363 = vector.broadcast %parallel_loop3A_362 : i32 to vector<16xi32>
        %parallel_loop3A_364 = arith.subi %parallel_loop3A_363, %parallel_loop3A_361 : vector<16xi32>
        %parallel_loop3A_365 = tpu.bitcast %parallel_loop3A_364 : vector<16xi32> -> vector<16xf32>
        %parallel_loop3A_366 = arith.mulf %parallel_loop3A_360, %parallel_loop3A_365 : vector<16xf32>
        %parallel_loop3A_367 = arith.constant 2.000000e+00 : f32
        %parallel_loop3A_368 = vector.broadcast %parallel_loop3A_367 : f32 to vector<16xf32>
        %parallel_loop3A_369 = arith.subf %parallel_loop3A_368, %parallel_loop3A_366 : vector<16xf32>
        %parallel_loop3A_370 = arith.mulf %parallel_loop3A_365, %parallel_loop3A_369 : vector<16xf32>
        %parallel_loop3A_371 = arith.mulf %parallel_loop3A_360, %parallel_loop3A_370 : vector<16xf32>
        %parallel_loop3A_372 = arith.constant 2.000000e+00 : f32
        %parallel_loop3A_373 = vector.broadcast %parallel_loop3A_372 : f32 to vector<16xf32>
        %parallel_loop3A_374 = arith.subf %parallel_loop3A_373, %parallel_loop3A_371 : vector<16xf32>
        %parallel_loop3A_375 = arith.mulf %parallel_loop3A_370, %parallel_loop3A_374 : vector<16xf32>
        %parallel_loop3A_376 = arith.mulf %parallel_loop3A_321, %parallel_loop3A_375 : vector<16xf32>
        %parallel_loop3A_377 = arith.index_cast %parallel_loop3A_215 : i32 to index
        %parallel_loop3A_378 = arith.constant 16 : index
        %parallel_loop3A_379 = tpu.vector_load %arg16[%parallel_loop3A_377, %parallel_loop3A_378] {strides = array<i32>} : memref<40x128xf32, #tpu.memory_space<vmem>>, vector<1x16xf32>,
        %parallel_loop3A_380 = vector.shape_cast %parallel_loop3A_379 : vector<1x16xf32> to vector<16xf32>
        %parallel_loop3A_381 = vector.shape_cast %parallel_loop3A_376 : vector<16xf32> to vector<1x16xf32>
        tpu.vector_store %arg16[%parallel_loop3A_377, %parallel_loop3A_378], %parallel_loop3A_381 {strides = array<i32>} : memref<40x128xf32, #tpu.memory_space<vmem>>, vector<1x16xf32>,
        %parallel_loop3A_382 = arith.addf %parallel_loop3A_333, %parallel_loop3A_351 : vector<16xf32>
        %parallel_loop3A_383 = arith.addf %parallel_loop3A_382, %parallel_loop3A_343 : vector<16xf32>
        %parallel_loop3A_384 = arith.constant 0.000000e+00 : f32
        %parallel_loop3A_385 = vector.broadcast %parallel_loop3A_384 : f32 to vector<16xf32>
        %parallel_loop3A_386 = arith.subf %parallel_loop3A_385, %parallel_loop3A_383 : vector<16xf32>
        %parallel_loop3A_387 = math.exp %parallel_loop3A_386 : vector<16xf32>
        %parallel_loop3A_388 = arith.constant 1.000000e+00 : f32
        %parallel_loop3A_389 = vector.broadcast %parallel_loop3A_388 : f32 to vector<16xf32>
        %parallel_loop3A_390 = arith.addf %parallel_loop3A_389, %parallel_loop3A_387 : vector<16xf32>
        %parallel_loop3A_391 = tpu.bitcast %parallel_loop3A_390 : vector<16xf32> -> vector<16xi32>
        %parallel_loop3A_392 = arith.constant 2129859011 : i32
        %parallel_loop3A_393 = vector.broadcast %parallel_loop3A_392 : i32 to vector<16xi32>
        %parallel_loop3A_394 = arith.subi %parallel_loop3A_393, %parallel_loop3A_391 : vector<16xi32>
        %parallel_loop3A_395 = tpu.bitcast %parallel_loop3A_394 : vector<16xi32> -> vector<16xf32>
        %parallel_loop3A_396 = arith.mulf %parallel_loop3A_390, %parallel_loop3A_395 : vector<16xf32>
        %parallel_loop3A_397 = arith.constant 2.000000e+00 : f32
        %parallel_loop3A_398 = vector.broadcast %parallel_loop3A_397 : f32 to vector<16xf32>
        %parallel_loop3A_399 = arith.subf %parallel_loop3A_398, %parallel_loop3A_396 : vector<16xf32>
        %parallel_loop3A_400 = arith.mulf %parallel_loop3A_395, %parallel_loop3A_399 : vector<16xf32>
        %parallel_loop3A_401 = arith.mulf %parallel_loop3A_390, %parallel_loop3A_400 : vector<16xf32>
        %parallel_loop3A_402 = arith.constant 2.000000e+00 : f32
        %parallel_loop3A_403 = vector.broadcast %parallel_loop3A_402 : f32 to vector<16xf32>
        %parallel_loop3A_404 = arith.subf %parallel_loop3A_403, %parallel_loop3A_401 : vector<16xf32>
        %parallel_loop3A_405 = arith.mulf %parallel_loop3A_400, %parallel_loop3A_404 : vector<16xf32>
        %parallel_loop3A_406 = arith.mulf %parallel_loop3A_331, %parallel_loop3A_405 : vector<16xf32>
        %parallel_loop3A_407 = arith.index_cast %parallel_loop3A_215 : i32 to index
        %parallel_loop3A_408 = arith.constant 80 : index
        %parallel_loop3A_409 = tpu.vector_load %arg16[%parallel_loop3A_407, %parallel_loop3A_408] {strides = array<i32>} : memref<40x128xf32, #tpu.memory_space<vmem>>, vector<1x16xf32>,
        %parallel_loop3A_410 = vector.shape_cast %parallel_loop3A_409 : vector<1x16xf32> to vector<16xf32>
        %parallel_loop3A_411 = vector.shape_cast %parallel_loop3A_406 : vector<16xf32> to vector<1x16xf32>
        tpu.vector_store %arg16[%parallel_loop3A_407, %parallel_loop3A_408], %parallel_loop3A_411 {strides = array<i32>} : memref<40x128xf32, #tpu.memory_space<vmem>>, vector<1x16xf32>,
        %parallel_loop3A_412 = arith.index_cast %parallel_loop3A_215 : i32 to index
        %parallel_loop3A_413 = arith.constant 32 : index
        %parallel_loop3A_414 = tpu.vector_load %arg10[%parallel_loop3A_412, %parallel_loop3A_413] {strides = array<i32>} : memref<40x128xi32, #tpu.memory_space<vmem>>, vector<1x16xi32>,
        %parallel_loop3A_415 = vector.shape_cast %parallel_loop3A_414 : vector<1x16xi32> to vector<16xi32>
        %parallel_loop3A_416 = arith.constant 16 : i32
        %parallel_loop3A_417 = vector.broadcast %parallel_loop3A_416 : i32 to vector<16xi32>
        %parallel_loop3A_418 = arith.shli %parallel_loop3A_415, %parallel_loop3A_417 : vector<16xi32>
        %parallel_loop3A_419 = tpu.bitcast %parallel_loop3A_418 : vector<16xi32> -> vector<16xf32>
        %parallel_loop3A_420 = arith.andi %parallel_loop3A_415, %broadcast_in_dim3A_199 : vector<16xi32>
        %parallel_loop3A_421 = tpu.bitcast %parallel_loop3A_420 : vector<16xi32> -> vector<16xf32>
        %parallel_loop3A_422 = arith.index_cast %parallel_loop3A_215 : i32 to index
        %parallel_loop3A_423 = arith.constant 96 : index
        %parallel_loop3A_424 = tpu.vector_load %arg10[%parallel_loop3A_422, %parallel_loop3A_423] {strides = array<i32>} : memref<40x128xi32, #tpu.memory_space<vmem>>, vector<1x16xi32>,
        %parallel_loop3A_425 = vector.shape_cast %parallel_loop3A_424 : vector<1x16xi32> to vector<16xi32>
        %parallel_loop3A_426 = arith.constant 16 : i32
        %parallel_loop3A_427 = vector.broadcast %parallel_loop3A_426 : i32 to vector<16xi32>
        %parallel_loop3A_428 = arith.shli %parallel_loop3A_425, %parallel_loop3A_427 : vector<16xi32>
        %parallel_loop3A_429 = tpu.bitcast %parallel_loop3A_428 : vector<16xi32> -> vector<16xf32>
        %parallel_loop3A_430 = arith.andi %parallel_loop3A_425, %broadcast_in_dim3A_199 : vector<16xi32>
        %parallel_loop3A_431 = tpu.bitcast %parallel_loop3A_430 : vector<16xi32> -> vector<16xf32>
        %parallel_loop3A_432 = arith.index_cast %parallel_loop3A_215 : i32 to index
        %parallel_loop3A_433 = arith.constant 32 : index
        %parallel_loop3A_434 = tpu.vector_load %arg14[%parallel_loop3A_432, %parallel_loop3A_433] {strides = array<i32>} : memref<40x64xi32, #tpu.memory_space<vmem>>, vector<1x16xi32>,
        %parallel_loop3A_435 = vector.shape_cast %parallel_loop3A_434 : vector<1x16xi32> to vector<16xi32>
        %parallel_loop3A_436 = arith.constant 16 : i32
        %parallel_loop3A_437 = vector.broadcast %parallel_loop3A_436 : i32 to vector<16xi32>
        %parallel_loop3A_438 = arith.shli %parallel_loop3A_435, %parallel_loop3A_437 : vector<16xi32>
        %parallel_loop3A_439 = tpu.bitcast %parallel_loop3A_438 : vector<16xi32> -> vector<16xf32>
        %parallel_loop3A_440 = arith.andi %parallel_loop3A_435, %broadcast_in_dim3A_199 : vector<16xi32>
        %parallel_loop3A_441 = tpu.bitcast %parallel_loop3A_440 : vector<16xi32> -> vector<16xf32>
        %parallel_loop3A_442 = arith.index_cast %parallel_loop3A_215 : i32 to index
        %parallel_loop3A_443 = arith.constant 32 : index
        %parallel_loop3A_444 = tpu.vector_load %arg12[%parallel_loop3A_442, %parallel_loop3A_443] {strides = array<i32>} : memref<40x128xf32, #tpu.memory_space<vmem>>, vector<1x16xf32>,
        %parallel_loop3A_445 = vector.shape_cast %parallel_loop3A_444 : vector<1x16xf32> to vector<16xf32>
        %parallel_loop3A_446 = arith.index_cast %parallel_loop3A_215 : i32 to index
        %parallel_loop3A_447 = arith.constant 96 : index
        %parallel_loop3A_448 = tpu.vector_load %arg12[%parallel_loop3A_446, %parallel_loop3A_447] {strides = array<i32>} : memref<40x128xf32, #tpu.memory_space<vmem>>, vector<1x16xf32>,
        %parallel_loop3A_449 = vector.shape_cast %parallel_loop3A_448 : vector<1x16xf32> to vector<16xf32>
        %parallel_loop3A_450 = arith.addf %parallel_loop3A_421, %parallel_loop3A_445 : vector<16xf32>
        %parallel_loop3A_451 = arith.addf %parallel_loop3A_450, %parallel_loop3A_439 : vector<16xf32>
        %parallel_loop3A_452 = arith.constant 0.000000e+00 : f32
        %parallel_loop3A_453 = vector.broadcast %parallel_loop3A_452 : f32 to vector<16xf32>
        %parallel_loop3A_454 = arith.subf %parallel_loop3A_453, %parallel_loop3A_451 : vector<16xf32>
        %parallel_loop3A_455 = math.exp %parallel_loop3A_454 : vector<16xf32>
        %parallel_loop3A_456 = arith.constant 1.000000e+00 : f32
        %parallel_loop3A_457 = vector.broadcast %parallel_loop3A_456 : f32 to vector<16xf32>
        %parallel_loop3A_458 = arith.addf %parallel_loop3A_457, %parallel_loop3A_455 : vector<16xf32>
        %parallel_loop3A_459 = tpu.bitcast %parallel_loop3A_458 : vector<16xf32> -> vector<16xi32>
        %parallel_loop3A_460 = arith.constant 2129859011 : i32
        %parallel_loop3A_461 = vector.broadcast %parallel_loop3A_460 : i32 to vector<16xi32>
        %parallel_loop3A_462 = arith.subi %parallel_loop3A_461, %parallel_loop3A_459 : vector<16xi32>
        %parallel_loop3A_463 = tpu.bitcast %parallel_loop3A_462 : vector<16xi32> -> vector<16xf32>
        %parallel_loop3A_464 = arith.mulf %parallel_loop3A_458, %parallel_loop3A_463 : vector<16xf32>
        %parallel_loop3A_465 = arith.constant 2.000000e+00 : f32
        %parallel_loop3A_466 = vector.broadcast %parallel_loop3A_465 : f32 to vector<16xf32>
        %parallel_loop3A_467 = arith.subf %parallel_loop3A_466, %parallel_loop3A_464 : vector<16xf32>
        %parallel_loop3A_468 = arith.mulf %parallel_loop3A_463, %parallel_loop3A_467 : vector<16xf32>
        %parallel_loop3A_469 = arith.mulf %parallel_loop3A_458, %parallel_loop3A_468 : vector<16xf32>
        %parallel_loop3A_470 = arith.constant 2.000000e+00 : f32
        %parallel_loop3A_471 = vector.broadcast %parallel_loop3A_470 : f32 to vector<16xf32>
        %parallel_loop3A_472 = arith.subf %parallel_loop3A_471, %parallel_loop3A_469 : vector<16xf32>
        %parallel_loop3A_473 = arith.mulf %parallel_loop3A_468, %parallel_loop3A_472 : vector<16xf32>
        %parallel_loop3A_474 = arith.mulf %parallel_loop3A_419, %parallel_loop3A_473 : vector<16xf32>
        %parallel_loop3A_475 = arith.index_cast %parallel_loop3A_215 : i32 to index
        %parallel_loop3A_476 = arith.constant 32 : index
        %parallel_loop3A_477 = tpu.vector_load %arg16[%parallel_loop3A_475, %parallel_loop3A_476] {strides = array<i32>} : memref<40x128xf32, #tpu.memory_space<vmem>>, vector<1x16xf32>,
        %parallel_loop3A_478 = vector.shape_cast %parallel_loop3A_477 : vector<1x16xf32> to vector<16xf32>
        %parallel_loop3A_479 = vector.shape_cast %parallel_loop3A_474 : vector<16xf32> to vector<1x16xf32>
        tpu.vector_store %arg16[%parallel_loop3A_475, %parallel_loop3A_476], %parallel_loop3A_479 {strides = array<i32>} : memref<40x128xf32, #tpu.memory_space<vmem>>, vector<1x16xf32>,
        %parallel_loop3A_480 = arith.addf %parallel_loop3A_431, %parallel_loop3A_449 : vector<16xf32>
        %parallel_loop3A_481 = arith.addf %parallel_loop3A_480, %parallel_loop3A_441 : vector<16xf32>
        %parallel_loop3A_482 = arith.constant 0.000000e+00 : f32
        %parallel_loop3A_483 = vector.broadcast %parallel_loop3A_482 : f32 to vector<16xf32>
        %parallel_loop3A_484 = arith.subf %parallel_loop3A_483, %parallel_loop3A_481 : vector<16xf32>
        %parallel_loop3A_485 = math.exp %parallel_loop3A_484 : vector<16xf32>
        %parallel_loop3A_486 = arith.constant 1.000000e+00 : f32
        %parallel_loop3A_487 = vector.broadcast %parallel_loop3A_486 : f32 to vector<16xf32>
        %parallel_loop3A_488 = arith.addf %parallel_loop3A_487, %parallel_loop3A_485 : vector<16xf32>
        %parallel_loop3A_489 = tpu.bitcast %parallel_loop3A_488 : vector<16xf32> -> vector<16xi32>
        %parallel_loop3A_490 = arith.constant 2129859011 : i32
        %parallel_loop3A_491 = vector.broadcast %parallel_loop3A_490 : i32 to vector<16xi32>
        %parallel_loop3A_492 = arith.subi %parallel_loop3A_491, %parallel_loop3A_489 : vector<16xi32>
        %parallel_loop3A_493 = tpu.bitcast %parallel_loop3A_492 : vector<16xi32> -> vector<16xf32>
        %parallel_loop3A_494 = arith.mulf %parallel_loop3A_488, %parallel_loop3A_493 : vector<16xf32>
        %parallel_loop3A_495 = arith.constant 2.000000e+00 : f32
        %parallel_loop3A_496 = vector.broadcast %parallel_loop3A_495 : f32 to vector<16xf32>
        %parallel_loop3A_497 = arith.subf %parallel_loop3A_496, %parallel_loop3A_494 : vector<16xf32>
        %parallel_loop3A_498 = arith.mulf %parallel_loop3A_493, %parallel_loop3A_497 : vector<16xf32>
        %parallel_loop3A_499 = arith.mulf %parallel_loop3A_488, %parallel_loop3A_498 : vector<16xf32>
        %parallel_loop3A_500 = arith.constant 2.000000e+00 : f32
        %parallel_loop3A_501 = vector.broadcast %parallel_loop3A_500 : f32 to vector<16xf32>
        %parallel_loop3A_502 = arith.subf %parallel_loop3A_501, %parallel_loop3A_499 : vector<16xf32>
        %parallel_loop3A_503 = arith.mulf %parallel_loop3A_498, %parallel_loop3A_502 : vector<16xf32>
        %parallel_loop3A_504 = arith.mulf %parallel_loop3A_429, %parallel_loop3A_503 : vector<16xf32>
        %parallel_loop3A_505 = arith.index_cast %parallel_loop3A_215 : i32 to index
        %parallel_loop3A_506 = arith.constant 96 : index
        %parallel_loop3A_507 = tpu.vector_load %arg16[%parallel_loop3A_505, %parallel_loop3A_506] {strides = array<i32>} : memref<40x128xf32, #tpu.memory_space<vmem>>, vector<1x16xf32>,
        %parallel_loop3A_508 = vector.shape_cast %parallel_loop3A_507 : vector<1x16xf32> to vector<16xf32>
        %parallel_loop3A_509 = vector.shape_cast %parallel_loop3A_504 : vector<16xf32> to vector<1x16xf32>
        tpu.vector_store %arg16[%parallel_loop3A_505, %parallel_loop3A_506], %parallel_loop3A_509 {strides = array<i32>} : memref<40x128xf32, #tpu.memory_space<vmem>>, vector<1x16xf32>,
        %parallel_loop3A_510 = arith.index_cast %parallel_loop3A_215 : i32 to index
        %parallel_loop3A_511 = arith.constant 48 : index
        %parallel_loop3A_512 = tpu.vector_load %arg10[%parallel_loop3A_510, %parallel_loop3A_511] {strides = array<i32>} : memref<40x128xi32, #tpu.memory_space<vmem>>, vector<1x16xi32>,
        %parallel_loop3A_513 = vector.shape_cast %parallel_loop3A_512 : vector<1x16xi32> to vector<16xi32>
        %parallel_loop3A_514 = arith.constant 16 : i32
        %parallel_loop3A_515 = vector.broadcast %parallel_loop3A_514 : i32 to vector<16xi32>
        %parallel_loop3A_516 = arith.shli %parallel_loop3A_513, %parallel_loop3A_515 : vector<16xi32>
        %parallel_loop3A_517 = tpu.bitcast %parallel_loop3A_516 : vector<16xi32> -> vector<16xf32>
        %parallel_loop3A_518 = arith.andi %parallel_loop3A_513, %broadcast_in_dim3A_199 : vector<16xi32>
        %parallel_loop3A_519 = tpu.bitcast %parallel_loop3A_518 : vector<16xi32> -> vector<16xf32>
        %parallel_loop3A_520 = arith.index_cast %parallel_loop3A_215 : i32 to index
        %parallel_loop3A_521 = arith.constant 112 : index
        %parallel_loop3A_522 = tpu.vector_load %arg10[%parallel_loop3A_520, %parallel_loop3A_521] {strides = array<i32>} : memref<40x128xi32, #tpu.memory_space<vmem>>, vector<1x16xi32>,
        %parallel_loop3A_523 = vector.shape_cast %parallel_loop3A_522 : vector<1x16xi32> to vector<16xi32>
        %parallel_loop3A_524 = arith.constant 16 : i32
        %parallel_loop3A_525 = vector.broadcast %parallel_loop3A_524 : i32 to vector<16xi32>
        %parallel_loop3A_526 = arith.shli %parallel_loop3A_523, %parallel_loop3A_525 : vector<16xi32>
        %parallel_loop3A_527 = tpu.bitcast %parallel_loop3A_526 : vector<16xi32> -> vector<16xf32>
        %parallel_loop3A_528 = arith.andi %parallel_loop3A_523, %broadcast_in_dim3A_199 : vector<16xi32>
        %parallel_loop3A_529 = tpu.bitcast %parallel_loop3A_528 : vector<16xi32> -> vector<16xf32>
        %parallel_loop3A_530 = arith.index_cast %parallel_loop3A_215 : i32 to index
        %parallel_loop3A_531 = arith.constant 48 : index
        %parallel_loop3A_532 = tpu.vector_load %arg14[%parallel_loop3A_530, %parallel_loop3A_531] {strides = array<i32>} : memref<40x64xi32, #tpu.memory_space<vmem>>, vector<1x16xi32>,
        %parallel_loop3A_533 = vector.shape_cast %parallel_loop3A_532 : vector<1x16xi32> to vector<16xi32>
        %parallel_loop3A_534 = arith.constant 16 : i32
        %parallel_loop3A_535 = vector.broadcast %parallel_loop3A_534 : i32 to vector<16xi32>
        %parallel_loop3A_536 = arith.shli %parallel_loop3A_533, %parallel_loop3A_535 : vector<16xi32>
        %parallel_loop3A_537 = tpu.bitcast %parallel_loop3A_536 : vector<16xi32> -> vector<16xf32>
        %parallel_loop3A_538 = arith.andi %parallel_loop3A_533, %broadcast_in_dim3A_199 : vector<16xi32>
        %parallel_loop3A_539 = tpu.bitcast %parallel_loop3A_538 : vector<16xi32> -> vector<16xf32>
        %parallel_loop3A_540 = arith.index_cast %parallel_loop3A_215 : i32 to index
        %parallel_loop3A_541 = arith.constant 48 : index
        %parallel_loop3A_542 = tpu.vector_load %arg12[%parallel_loop3A_540, %parallel_loop3A_541] {strides = array<i32>} : memref<40x128xf32, #tpu.memory_space<vmem>>, vector<1x16xf32>,
        %parallel_loop3A_543 = vector.shape_cast %parallel_loop3A_542 : vector<1x16xf32> to vector<16xf32>
        %parallel_loop3A_544 = arith.index_cast %parallel_loop3A_215 : i32 to index
        %parallel_loop3A_545 = arith.constant 112 : index
        %parallel_loop3A_546 = tpu.vector_load %arg12[%parallel_loop3A_544, %parallel_loop3A_545] {strides = array<i32>} : memref<40x128xf32, #tpu.memory_space<vmem>>, vector<1x16xf32>,
        %parallel_loop3A_547 = vector.shape_cast %parallel_loop3A_546 : vector<1x16xf32> to vector<16xf32>
        %parallel_loop3A_548 = arith.addf %parallel_loop3A_519, %parallel_loop3A_543 : vector<16xf32>
        %parallel_loop3A_549 = arith.addf %parallel_loop3A_548, %parallel_loop3A_537 : vector<16xf32>
        %parallel_loop3A_550 = arith.constant 0.000000e+00 : f32
        %parallel_loop3A_551 = vector.broadcast %parallel_loop3A_550 : f32 to vector<16xf32>
        %parallel_loop3A_552 = arith.subf %parallel_loop3A_551, %parallel_loop3A_549 : vector<16xf32>
        %parallel_loop3A_553 = math.exp %parallel_loop3A_552 : vector<16xf32>
        %parallel_loop3A_554 = arith.constant 1.000000e+00 : f32
        %parallel_loop3A_555 = vector.broadcast %parallel_loop3A_554 : f32 to vector<16xf32>
        %parallel_loop3A_556 = arith.addf %parallel_loop3A_555, %parallel_loop3A_553 : vector<16xf32>
        %parallel_loop3A_557 = tpu.bitcast %parallel_loop3A_556 : vector<16xf32> -> vector<16xi32>
        %parallel_loop3A_558 = arith.constant 2129859011 : i32
        %parallel_loop3A_559 = vector.broadcast %parallel_loop3A_558 : i32 to vector<16xi32>
        %parallel_loop3A_560 = arith.subi %parallel_loop3A_559, %parallel_loop3A_557 : vector<16xi32>
        %parallel_loop3A_561 = tpu.bitcast %parallel_loop3A_560 : vector<16xi32> -> vector<16xf32>
        %parallel_loop3A_562 = arith.mulf %parallel_loop3A_556, %parallel_loop3A_561 : vector<16xf32>
        %parallel_loop3A_563 = arith.constant 2.000000e+00 : f32
        %parallel_loop3A_564 = vector.broadcast %parallel_loop3A_563 : f32 to vector<16xf32>
        %parallel_loop3A_565 = arith.subf %parallel_loop3A_564, %parallel_loop3A_562 : vector<16xf32>
        %parallel_loop3A_566 = arith.mulf %parallel_loop3A_561, %parallel_loop3A_565 : vector<16xf32>
        %parallel_loop3A_567 = arith.mulf %parallel_loop3A_556, %parallel_loop3A_566 : vector<16xf32>
        %parallel_loop3A_568 = arith.constant 2.000000e+00 : f32
        %parallel_loop3A_569 = vector.broadcast %parallel_loop3A_568 : f32 to vector<16xf32>
        %parallel_loop3A_570 = arith.subf %parallel_loop3A_569, %parallel_loop3A_567 : vector<16xf32>
        %parallel_loop3A_571 = arith.mulf %parallel_loop3A_566, %parallel_loop3A_570 : vector<16xf32>
        %parallel_loop3A_572 = arith.mulf %parallel_loop3A_517, %parallel_loop3A_571 : vector<16xf32>
        %parallel_loop3A_573 = arith.index_cast %parallel_loop3A_215 : i32 to index
        %parallel_loop3A_574 = arith.constant 48 : index
        %parallel_loop3A_575 = tpu.vector_load %arg16[%parallel_loop3A_573, %parallel_loop3A_574] {strides = array<i32>} : memref<40x128xf32, #tpu.memory_space<vmem>>, vector<1x16xf32>,
        %parallel_loop3A_576 = vector.shape_cast %parallel_loop3A_575 : vector<1x16xf32> to vector<16xf32>
        %parallel_loop3A_577 = vector.shape_cast %parallel_loop3A_572 : vector<16xf32> to vector<1x16xf32>
        tpu.vector_store %arg16[%parallel_loop3A_573, %parallel_loop3A_574], %parallel_loop3A_577 {strides = array<i32>} : memref<40x128xf32, #tpu.memory_space<vmem>>, vector<1x16xf32>,
        %parallel_loop3A_578 = arith.addf %parallel_loop3A_529, %parallel_loop3A_547 : vector<16xf32>
        %parallel_loop3A_579 = arith.addf %parallel_loop3A_578, %parallel_loop3A_539 : vector<16xf32>
        %parallel_loop3A_580 = arith.constant 0.000000e+00 : f32
        %parallel_loop3A_581 = vector.broadcast %parallel_loop3A_580 : f32 to vector<16xf32>
        %parallel_loop3A_582 = arith.subf %parallel_loop3A_581, %parallel_loop3A_579 : vector<16xf32>
        %parallel_loop3A_583 = math.exp %parallel_loop3A_582 : vector<16xf32>
        %parallel_loop3A_584 = arith.constant 1.000000e+00 : f32
        %parallel_loop3A_585 = vector.broadcast %parallel_loop3A_584 : f32 to vector<16xf32>
        %parallel_loop3A_586 = arith.addf %parallel_loop3A_585, %parallel_loop3A_583 : vector<16xf32>
        %parallel_loop3A_587 = tpu.bitcast %parallel_loop3A_586 : vector<16xf32> -> vector<16xi32>
        %parallel_loop3A_588 = arith.constant 2129859011 : i32
        %parallel_loop3A_589 = vector.broadcast %parallel_loop3A_588 : i32 to vector<16xi32>
        %parallel_loop3A_590 = arith.subi %parallel_loop3A_589, %parallel_loop3A_587 : vector<16xi32>
        %parallel_loop3A_591 = tpu.bitcast %parallel_loop3A_590 : vector<16xi32> -> vector<16xf32>
        %parallel_loop3A_592 = arith.mulf %parallel_loop3A_586, %parallel_loop3A_591 : vector<16xf32>
        %parallel_loop3A_593 = arith.constant 2.000000e+00 : f32
        %parallel_loop3A_594 = vector.broadcast %parallel_loop3A_593 : f32 to vector<16xf32>
        %parallel_loop3A_595 = arith.subf %parallel_loop3A_594, %parallel_loop3A_592 : vector<16xf32>
        %parallel_loop3A_596 = arith.mulf %parallel_loop3A_591, %parallel_loop3A_595 : vector<16xf32>
        %parallel_loop3A_597 = arith.mulf %parallel_loop3A_586, %parallel_loop3A_596 : vector<16xf32>
        %parallel_loop3A_598 = arith.constant 2.000000e+00 : f32
        %parallel_loop3A_599 = vector.broadcast %parallel_loop3A_598 : f32 to vector<16xf32>
        %parallel_loop3A_600 = arith.subf %parallel_loop3A_599, %parallel_loop3A_597 : vector<16xf32>
        %parallel_loop3A_601 = arith.mulf %parallel_loop3A_596, %parallel_loop3A_600 : vector<16xf32>
        %parallel_loop3A_602 = arith.mulf %parallel_loop3A_527, %parallel_loop3A_601 : vector<16xf32>
        %parallel_loop3A_603 = arith.index_cast %parallel_loop3A_215 : i32 to index
        %parallel_loop3A_604 = arith.constant 112 : index
        %parallel_loop3A_605 = tpu.vector_load %arg16[%parallel_loop3A_603, %parallel_loop3A_604] {strides = array<i32>} : memref<40x128xf32, #tpu.memory_space<vmem>>, vector<1x16xf32>,
        %parallel_loop3A_606 = vector.shape_cast %parallel_loop3A_605 : vector<1x16xf32> to vector<16xf32>
        %parallel_loop3A_607 = vector.shape_cast %parallel_loop3A_602 : vector<16xf32> to vector<1x16xf32>
        tpu.vector_store %arg16[%parallel_loop3A_603, %parallel_loop3A_604], %parallel_loop3A_607 {strides = array<i32>} : memref<40x128xf32, #tpu.memory_space<vmem>>, vector<1x16xf32>,
      } {sc.loop_unroll_factor = 2 : i64, sc.parallel_access}
      %rem3A_203 = arith.constant 4 : i32
      %rem3A_204 = arith.remsi %add3A_161, %rem3A_203 : i32
      %dma_start3A_205 = arith.constant 0 : i32
      %dma_start3A_206 = tpu.memref_slice %arg18[%rem3A_204, %dma_start3A_205] : memref<4x40xi32, #tpu.memory_space<vmem>> -> memref<1x40xi32, #tpu.memory_space<vmem>>
      %dma_start3A_207 = tpu.memref_squeeze %dma_start3A_206 : memref<1x40xi32, #tpu.memory_space<vmem>> -> memref<40xi32, #tpu.memory_space<vmem>>
      %dma_start3A_208 = arith.constant 0 : i32
      %dma_start3A_209 = arith.constant 0 : i32
      %dma_start3A_210 = tpu.memref_slice %arg19[%dma_start3A_208, %dma_start3A_209] : memref<10000x128xf32, #tpu.memory_space<vmem_shared>> -> memref<10000x128xf32, #tpu.memory_space<vmem_shared>>
      tpu.enqueue_indirect_dma source(%arg16 : memref<40x128xf32, #tpu.memory_space<vmem>>) target(%dma_start3A_210 : memref<10000x128xf32, #tpu.memory_space<vmem_shared>>) offsets(%dma_start3A_207 : memref<40xi32, #tpu.memory_space<vmem>>) semaphore(%arg27 : memref<!tpu.dma_semaphore, #tpu.memory_space<semaphore_mem>>) {add = true}
      %eq3A = arith.constant 124 : i32
      %eq3A_211 = arith.cmpi eq, %add3A_67, %eq3A : i32
      %convert_element_type3A_212 = arith.extui %eq3A_211 : i1 to i32
      %cond3A_213 = arith.constant 0 : i32
      %cond3A_214 = arith.cmpi ne, %convert_element_type3A_212, %cond3A_213 : i32
      scf.if %cond3A_214 {
        %dma_wait3A_215 = arith.constant 0 : i32
        %dma_wait3A_216 = arith.constant 0 : i32
        %dma_wait3A_217 = tpu.memref_slice %arg18[%dma_wait3A_215, %dma_wait3A_216] : memref<4x40xi32, #tpu.memory_space<vmem>> -> memref<1x40xi32, #tpu.memory_space<vmem>>
        %dma_wait3A_218 = tpu.memref_squeeze %dma_wait3A_217 : memref<1x40xi32, #tpu.memory_space<vmem>> -> memref<40xi32, #tpu.memory_space<vmem>>
        %dma_wait3A_219 = arith.constant 0 : i32
        %dma_wait3A_220 = arith.constant 0 : i32
        %dma_wait3A_221 = tpu.memref_slice %arg19[%dma_wait3A_219, %dma_wait3A_220] : memref<10000x128xf32, #tpu.memory_space<vmem_shared>> -> memref<10000x128xf32, #tpu.memory_space<vmem_shared>>
        tpu.wait_indirect_dma semaphore(%arg26 : memref<!tpu.dma_semaphore, #tpu.memory_space<semaphore_mem>>) src(%arg15 : memref<40x128xf32, #tpu.memory_space<vmem>>) dst(%dma_wait3A_221 : memref<10000x128xf32, #tpu.memory_space<vmem_shared>>)
        %dma_wait3A_222 = arith.constant 0 : i32
        %dma_wait3A_223 = tpu.memref_slice %arg18[%rem3A_204, %dma_wait3A_222] : memref<4x40xi32, #tpu.memory_space<vmem>> -> memref<1x40xi32, #tpu.memory_space<vmem>>
        %dma_wait3A_224 = tpu.memref_squeeze %dma_wait3A_223 : memref<1x40xi32, #tpu.memory_space<vmem>> -> memref<40xi32, #tpu.memory_space<vmem>>
        %dma_wait3A_225 = arith.constant 0 : i32
        %dma_wait3A_226 = arith.constant 0 : i32
        %dma_wait3A_227 = tpu.memref_slice %arg19[%dma_wait3A_225, %dma_wait3A_226] : memref<10000x128xf32, #tpu.memory_space<vmem_shared>> -> memref<10000x128xf32, #tpu.memory_space<vmem_shared>>
        tpu.wait_indirect_dma semaphore(%arg27 : memref<!tpu.dma_semaphore, #tpu.memory_space<semaphore_mem>>) src(%arg16 : memref<40x128xf32, #tpu.memory_space<vmem>>) dst(%dma_wait3A_227 : memref<10000x128xf32, #tpu.memory_space<vmem_shared>>)
      } else {
      }
    }
    %scan3A_55 = arith.constant 125 : i32
    %barrier3A_56 = arith.constant 0 : index
    tpu.barrier barrier_id(%barrier3A_56)
    %scan3A_57 = arith.constant 0 : i32
    %scan3A_58 = arith.constant 0 : i32
    %scan3A_59 = arith.constant 8 : i32
    %scan3A_60 = arith.addi %scan3A_58, %scan3A_59 : i32
    %scan3A_61 = arith.constant 1 : i32
    scf.for %scan3A_63 = %scan3A_58 to %scan3A_60 step %scan3A_61  : i32 {
      %mul3A_64 = arith.constant 16 : i32
      %mul3A_65 = arith.muli %scan3A_63, %mul3A_64 : i32
      %add3A_66 = arith.addi %mul3A_65, %arg1 : i32
      %lt3A = arith.constant 125 : i32
      %lt3A_67 = arith.cmpi slt, %add3A_66, %lt3A : i32
      %convert_element_type3A = arith.extui %lt3A_67 : i1 to i32
      %cond3A = arith.constant 0 : i32
      %cond3A_68 = arith.cmpi ne, %convert_element_type3A, %cond3A : i32
      scf.if %cond3A_68 {
        %mul3A_69 = arith.constant 80 : i32
        %mul3A_70 = arith.muli %add3A_66, %mul3A_69 : i32
        %mul3A_71 = arith.constant 80 : i32
        %mul3A_72 = arith.muli %add3A_66, %mul3A_71 : i32
        "tpu.region"() ({
          %run_scoped3A_73 = tpu.sem_alloc : memref<!tpu.dma_semaphore, #tpu.memory_space<semaphore_mem>>
          %dma_start3A_74 = arith.constant 0 : i32
          %dma_start3A_75 = tpu.memref_slice %arg8[%arg0, %mul3A_72, %dma_start3A_74] : memref<2x10000x128xf32, #tpu.memory_space<hbm>> -> memref<1x80x128xf32, #tpu.memory_space<hbm>>
          %dma_start3A_76 = tpu.memref_squeeze %dma_start3A_75 : memref<1x80x128xf32, #tpu.memory_space<hbm>> -> memref<80x128xf32, #tpu.memory_space<hbm>>
          %dma_start3A_77 = arith.constant 0 : i32
          %dma_start3A_78 = tpu.memref_slice %arg19[%mul3A_70, %dma_start3A_77] : memref<10000x128xf32, #tpu.memory_space<vmem_shared>> -> memref<80x128xf32, #tpu.memory_space<vmem_shared>>
          tpu.enqueue_dma source(%dma_start3A_78 : memref<80x128xf32, #tpu.memory_space<vmem_shared>>) target(%dma_start3A_76 : memref<80x128xf32, #tpu.memory_space<hbm>>) target_semaphore(%run_scoped3A_73 : memref<!tpu.dma_semaphore, #tpu.memory_space<semaphore_mem>>)
          %dma_wait3A = arith.constant 0 : i32
          %dma_wait3A_79 = tpu.memref_slice %arg8[%arg0, %mul3A_72, %dma_wait3A] : memref<2x10000x128xf32, #tpu.memory_space<hbm>> -> memref<1x80x128xf32, #tpu.memory_space<hbm>>
          %dma_wait3A_80 = tpu.memref_squeeze %dma_wait3A_79 : memref<1x80x128xf32, #tpu.memory_space<hbm>> -> memref<80x128xf32, #tpu.memory_space<hbm>>
          %dma_wait3A_81 = arith.constant 0 : i32
          %dma_wait3A_82 = tpu.memref_slice %arg19[%mul3A_70, %dma_wait3A_81] : memref<10000x128xf32, #tpu.memory_space<vmem_shared>> -> memref<80x128xf32, #tpu.memory_space<vmem_shared>>
          tpu.wait_dma2 semaphore(%run_scoped3A_73 : memref<!tpu.dma_semaphore, #tpu.memory_space<semaphore_mem>>) src(%dma_wait3A_82 : memref<80x128xf32, #tpu.memory_space<vmem_shared>>) dst(%dma_wait3A_80 : memref<80x128xf32, #tpu.memory_space<hbm>>)
          tpu.yield
        }) : () -> ()
      } else {
      }
    }
    %scan3A_62 = arith.constant 8 : i32
    return
  }
}

module attributes {stable_mosaic.version = 14 : i64} {
  func.func @_node_mm_body(%arg0: i32, %arg1: memref<1000x128xf32, #tpu.memory_space<vmem>>, %arg2: memref<128x512xf32, #tpu.memory_space<vmem>>, %arg3: memref<1x512xf32, #tpu.memory_space<vmem>>, %arg4: memref<1000x128xi32, #tpu.memory_space<vmem>>, %arg5: memref<1000x128xf32, #tpu.memory_space<vmem>>, %arg6: memref<1000x128xf32, #tpu.memory_space<vmem>>) attributes {dimension_semantics = [#tpu.dimension_semantics<arbitrary>], iteration_bounds = array<i64: 10>, scalar_prefetch = 0 : i64, scratch_operands = 0 : i64, tpu.core_type = #tpu.core_type<tc>, window_params = [{transform_indices = @transform_0, window_bounds = array<i64: 1000, 128>}, {pipeline_mode = #tpu.pipeline_mode<synchronous>, transform_indices = @transform_1, window_bounds = array<i64: 128, 512>}, {pipeline_mode = #tpu.pipeline_mode<synchronous>, transform_indices = @transform_2, window_bounds = array<i64: 1, 512>}, {transform_indices = @transform_3, window_bounds = array<i64: 1000, 128>}, {transform_indices = @transform_4, window_bounds = array<i64: 1000, 128>}, {transform_indices = @transform_5, window_bounds = array<i64: 1000, 128>}]} {
    %get3A = arith.constant 0 : index
    %get3A_0 = arith.constant 0 : index
    %get3A_1 = vector.load %arg1[%get3A, %get3A_0] : memref<1000x128xf32, #tpu.memory_space<vmem>>, vector<1000x128xf32>
    %get3A_2 = arith.constant 0 : index
    %get3A_3 = arith.constant 0 : index
    %get3A_4 = vector.load %arg2[%get3A_2, %get3A_3] : memref<128x512xf32, #tpu.memory_space<vmem>>, vector<128x512xf32>
    %dot_general3A = arith.constant dense<0.000000e+00> : vector<1000x512xf32>
    %dot_general3A_5 = tpu.matmul %get3A_1, %get3A_4, %dot_general3A {dimension_numbers = #tpu.dot_dimension_numbers<[1], [0], [0], [1], [0, 0, 1, 1], [], []>, transpose_lhs_hint = false} : vector<1000x128xf32>, vector<128x512xf32>, vector<1000x512xf32> -> vector<1000x512xf32>
    %get3A_6 = arith.constant 0 : index
    %get3A_7 = arith.constant 0 : index
    %get3A_8 = vector.load %arg3[%get3A_6, %get3A_7] : memref<1x512xf32, #tpu.memory_space<vmem>>, vector<1x512xf32>
    %add3A = vector.broadcast %get3A_8 : vector<1x512xf32> to vector<1000x512xf32>
    %add3A_9 = arith.addf %dot_general3A_5, %add3A : vector<1000x512xf32>
    %slice3A = vector.extract_strided_slice %add3A_9 {offsets = [0, 0], sizes = [1000, 128], strides = [1, 1]} : vector<1000x512xf32> to vector<1000x128xf32>
    %slice3A_10 = vector.extract_strided_slice %add3A_9 {offsets = [0, 128], sizes = [1000, 128], strides = [1, 1]} : vector<1000x512xf32> to vector<1000x128xf32>
    %bitcast_convert_type3A = tpu.bitcast %slice3A : vector<1000x128xf32> -> vector<1000x128xi32>
    %add3A_11 = arith.constant 32767 : i32
    %add3A_12 = vector.broadcast %add3A_11 : i32 to vector<1000x128xi32>
    %add3A_13 = arith.addi %bitcast_convert_type3A, %add3A_12 : vector<1000x128xi32>
    %shift_right_logical3A = arith.constant 16 : i32
    %shift_right_logical3A_14 = vector.broadcast %shift_right_logical3A : i32 to vector<1000x128xi32>
    %shift_right_logical3A_15 = arith.shrui %bitcast_convert_type3A, %shift_right_logical3A_14 : vector<1000x128xi32>
    %and3A = arith.constant 1 : i32
    %and3A_16 = vector.broadcast %and3A : i32 to vector<1000x128xi32>
    %and3A_17 = arith.andi %shift_right_logical3A_15, %and3A_16 : vector<1000x128xi32>
    %add3A_18 = arith.addi %add3A_13, %and3A_17 : vector<1000x128xi32>
    %shift_right_logical3A_19 = arith.constant 16 : i32
    %shift_right_logical3A_20 = vector.broadcast %shift_right_logical3A_19 : i32 to vector<1000x128xi32>
    %shift_right_logical3A_21 = arith.shrui %add3A_18, %shift_right_logical3A_20 : vector<1000x128xi32>
    %bitcast_convert_type3A_22 = tpu.bitcast %slice3A_10 : vector<1000x128xf32> -> vector<1000x128xi32>
    %add3A_23 = arith.constant 32767 : i32
    %add3A_24 = vector.broadcast %add3A_23 : i32 to vector<1000x128xi32>
    %add3A_25 = arith.addi %bitcast_convert_type3A_22, %add3A_24 : vector<1000x128xi32>
    %shift_right_logical3A_26 = arith.constant 16 : i32
    %shift_right_logical3A_27 = vector.broadcast %shift_right_logical3A_26 : i32 to vector<1000x128xi32>
    %shift_right_logical3A_28 = arith.shrui %bitcast_convert_type3A_22, %shift_right_logical3A_27 : vector<1000x128xi32>
    %and3A_29 = arith.constant 1 : i32
    %and3A_30 = vector.broadcast %and3A_29 : i32 to vector<1000x128xi32>
    %and3A_31 = arith.andi %shift_right_logical3A_28, %and3A_30 : vector<1000x128xi32>
    %add3A_32 = arith.addi %add3A_25, %and3A_31 : vector<1000x128xi32>
    %shift_right_logical3A_33 = arith.constant 16 : i32
    %shift_right_logical3A_34 = vector.broadcast %shift_right_logical3A_33 : i32 to vector<1000x128xi32>
    %shift_right_logical3A_35 = arith.shrui %add3A_32, %shift_right_logical3A_34 : vector<1000x128xi32>
    %shift_left3A = arith.constant 16 : i32
    %shift_left3A_36 = vector.broadcast %shift_left3A : i32 to vector<1000x128xi32>
    %shift_left3A_37 = arith.shli %shift_right_logical3A_35, %shift_left3A_36 : vector<1000x128xi32>
    %or3A = arith.ori %shift_right_logical3A_21, %shift_left3A_37 : vector<1000x128xi32>
    %swap3A = arith.constant 0 : index
    %swap3A_38 = arith.constant 0 : index
    %swap3A_39 = vector.load %arg4[%swap3A, %swap3A_38] : memref<1000x128xi32, #tpu.memory_space<vmem>>, vector<1000x128xi32>
    tpu.vector_store %arg4[%swap3A, %swap3A_38], %or3A {strides = array<i32>} : memref<1000x128xi32, #tpu.memory_space<vmem>>, vector<1000x128xi32>,
    %slice3A_40 = vector.extract_strided_slice %add3A_9 {offsets = [0, 256], sizes = [1000, 128], strides = [1, 1]} : vector<1000x512xf32> to vector<1000x128xf32>
    %swap3A_41 = arith.constant 0 : index
    %swap3A_42 = arith.constant 0 : index
    %swap3A_43 = vector.load %arg5[%swap3A_41, %swap3A_42] : memref<1000x128xf32, #tpu.memory_space<vmem>>, vector<1000x128xf32>
    tpu.vector_store %arg5[%swap3A_41, %swap3A_42], %slice3A_40 {strides = array<i32>} : memref<1000x128xf32, #tpu.memory_space<vmem>>, vector<1000x128xf32>,
    %slice3A_44 = vector.extract_strided_slice %add3A_9 {offsets = [0, 384], sizes = [1000, 128], strides = [1, 1]} : vector<1000x512xf32> to vector<1000x128xf32>
    %swap3A_45 = arith.constant 0 : index
    %swap3A_46 = arith.constant 0 : index
    %swap3A_47 = vector.load %arg6[%swap3A_45, %swap3A_46] : memref<1000x128xf32, #tpu.memory_space<vmem>>, vector<1000x128xf32>
    tpu.vector_store %arg6[%swap3A_45, %swap3A_46], %slice3A_44 {strides = array<i32>} : memref<1000x128xf32, #tpu.memory_space<vmem>>, vector<1000x128xf32>,
    return
  }
  func.func @transform_0(%arg0: i32) -> (i32, i32) {
    %c0_i32 = arith.constant 0 : i32
    %c0_i32_0 = arith.constant 0 : i32
    return %arg0, %c0_i32 : i32, i32
  }
  func.func @transform_1(%arg0: i32) -> (i32, i32) {
    %c0_i32 = arith.constant 0 : i32
    %c0_i32_0 = arith.constant 0 : i32
    %c0_i32_1 = arith.constant 0 : i32
    return %c0_i32, %c0_i32_0 : i32, i32
  }
  func.func @transform_2(%arg0: i32) -> (i32, i32) {
    %c0_i32 = arith.constant 0 : i32
    %c0_i32_0 = arith.constant 0 : i32
    %c0_i32_1 = arith.constant 0 : i32
    return %c0_i32, %c0_i32_0 : i32, i32
  }
  func.func @transform_3(%arg0: i32) -> (i32, i32) {
    %c0_i32 = arith.constant 0 : i32
    %c0_i32_0 = arith.constant 0 : i32
    return %arg0, %c0_i32 : i32, i32
  }
  func.func @transform_4(%arg0: i32) -> (i32, i32) {
    %c0_i32 = arith.constant 0 : i32
    %c0_i32_0 = arith.constant 0 : i32
    return %arg0, %c0_i32 : i32, i32
  }
  func.func @transform_5(%arg0: i32) -> (i32, i32) {
    %c0_i32 = arith.constant 0 : i32
    %c0_i32_0 = arith.constant 0 : i32
    return %arg0, %c0_i32 : i32, i32
  }
}

module attributes {stable_mosaic.version = 14 : i64} {
  func.func @_edge_mm_body(%arg0: i32, %arg1: memref<16000x128xf32, #tpu.memory_space<vmem>>, %arg2: memref<128x128xf32, #tpu.memory_space<vmem>>, %arg3: memref<1x128xf32, #tpu.memory_space<vmem>>, %arg4: memref<16000x64xi32, #tpu.memory_space<vmem>>) attributes {dimension_semantics = [#tpu.dimension_semantics<arbitrary>], iteration_bounds = array<i64: 20>, scalar_prefetch = 0 : i64, scratch_operands = 0 : i64, tpu.core_type = #tpu.core_type<tc>, window_params = [{transform_indices = @transform_0, window_bounds = array<i64: 16000, 128>}, {pipeline_mode = #tpu.pipeline_mode<synchronous>, transform_indices = @transform_1, window_bounds = array<i64: 128, 128>}, {pipeline_mode = #tpu.pipeline_mode<synchronous>, transform_indices = @transform_2, window_bounds = array<i64: 1, 128>}, {transform_indices = @transform_3, window_bounds = array<i64: 16000, 64>}]} {
    %get3A = arith.constant 0 : index
    %get3A_0 = arith.constant 0 : index
    %get3A_1 = vector.load %arg1[%get3A, %get3A_0] : memref<16000x128xf32, #tpu.memory_space<vmem>>, vector<16000x128xf32>
    %get3A_2 = arith.constant 0 : index
    %get3A_3 = arith.constant 0 : index
    %get3A_4 = vector.load %arg2[%get3A_2, %get3A_3] : memref<128x128xf32, #tpu.memory_space<vmem>>, vector<128x128xf32>
    %dot_general3A = arith.constant dense<0.000000e+00> : vector<16000x128xf32>
    %dot_general3A_5 = tpu.matmul %get3A_1, %get3A_4, %dot_general3A {dimension_numbers = #tpu.dot_dimension_numbers<[1], [0], [0], [1], [0, 0, 1, 1], [], []>, transpose_lhs_hint = false} : vector<16000x128xf32>, vector<128x128xf32>, vector<16000x128xf32> -> vector<16000x128xf32>
    %get3A_6 = arith.constant 0 : index
    %get3A_7 = arith.constant 0 : index
    %get3A_8 = vector.load %arg3[%get3A_6, %get3A_7] : memref<1x128xf32, #tpu.memory_space<vmem>>, vector<1x128xf32>
    %add3A = vector.broadcast %get3A_8 : vector<1x128xf32> to vector<16000x128xf32>
    %add3A_9 = arith.addf %dot_general3A_5, %add3A : vector<16000x128xf32>
    %slice3A = vector.extract_strided_slice %add3A_9 {offsets = [0, 0], sizes = [16000, 64], strides = [1, 1]} : vector<16000x128xf32> to vector<16000x64xf32>
    %slice3A_10 = vector.extract_strided_slice %add3A_9 {offsets = [0, 64], sizes = [16000, 64], strides = [1, 1]} : vector<16000x128xf32> to vector<16000x64xf32>
    %bitcast_convert_type3A = tpu.bitcast %slice3A : vector<16000x64xf32> -> vector<16000x64xi32>
    %add3A_11 = arith.constant 32767 : i32
    %add3A_12 = vector.broadcast %add3A_11 : i32 to vector<16000x64xi32>
    %add3A_13 = arith.addi %bitcast_convert_type3A, %add3A_12 : vector<16000x64xi32>
    %shift_right_logical3A = arith.constant 16 : i32
    %shift_right_logical3A_14 = vector.broadcast %shift_right_logical3A : i32 to vector<16000x64xi32>
    %shift_right_logical3A_15 = arith.shrui %bitcast_convert_type3A, %shift_right_logical3A_14 : vector<16000x64xi32>
    %and3A = arith.constant 1 : i32
    %and3A_16 = vector.broadcast %and3A : i32 to vector<16000x64xi32>
    %and3A_17 = arith.andi %shift_right_logical3A_15, %and3A_16 : vector<16000x64xi32>
    %add3A_18 = arith.addi %add3A_13, %and3A_17 : vector<16000x64xi32>
    %shift_right_logical3A_19 = arith.constant 16 : i32
    %shift_right_logical3A_20 = vector.broadcast %shift_right_logical3A_19 : i32 to vector<16000x64xi32>
    %shift_right_logical3A_21 = arith.shrui %add3A_18, %shift_right_logical3A_20 : vector<16000x64xi32>
    %bitcast_convert_type3A_22 = tpu.bitcast %slice3A_10 : vector<16000x64xf32> -> vector<16000x64xi32>
    %add3A_23 = arith.constant 32767 : i32
    %add3A_24 = vector.broadcast %add3A_23 : i32 to vector<16000x64xi32>
    %add3A_25 = arith.addi %bitcast_convert_type3A_22, %add3A_24 : vector<16000x64xi32>
    %shift_right_logical3A_26 = arith.constant 16 : i32
    %shift_right_logical3A_27 = vector.broadcast %shift_right_logical3A_26 : i32 to vector<16000x64xi32>
    %shift_right_logical3A_28 = arith.shrui %bitcast_convert_type3A_22, %shift_right_logical3A_27 : vector<16000x64xi32>
    %and3A_29 = arith.constant 1 : i32
    %and3A_30 = vector.broadcast %and3A_29 : i32 to vector<16000x64xi32>
    %and3A_31 = arith.andi %shift_right_logical3A_28, %and3A_30 : vector<16000x64xi32>
    %add3A_32 = arith.addi %add3A_25, %and3A_31 : vector<16000x64xi32>
    %shift_right_logical3A_33 = arith.constant 16 : i32
    %shift_right_logical3A_34 = vector.broadcast %shift_right_logical3A_33 : i32 to vector<16000x64xi32>
    %shift_right_logical3A_35 = arith.shrui %add3A_32, %shift_right_logical3A_34 : vector<16000x64xi32>
    %shift_left3A = arith.constant 16 : i32
    %shift_left3A_36 = vector.broadcast %shift_left3A : i32 to vector<16000x64xi32>
    %shift_left3A_37 = arith.shli %shift_right_logical3A_35, %shift_left3A_36 : vector<16000x64xi32>
    %or3A = arith.ori %shift_right_logical3A_21, %shift_left3A_37 : vector<16000x64xi32>
    %swap3A = arith.constant 0 : index
    %swap3A_38 = arith.constant 0 : index
    %swap3A_39 = vector.load %arg4[%swap3A, %swap3A_38] : memref<16000x64xi32, #tpu.memory_space<vmem>>, vector<16000x64xi32>
    tpu.vector_store %arg4[%swap3A, %swap3A_38], %or3A {strides = array<i32>} : memref<16000x64xi32, #tpu.memory_space<vmem>>, vector<16000x64xi32>,
    return
  }
  func.func @transform_0(%arg0: i32) -> (i32, i32) {
    %c0_i32 = arith.constant 0 : i32
    %c0_i32_0 = arith.constant 0 : i32
    return %arg0, %c0_i32 : i32, i32
  }
  func.func @transform_1(%arg0: i32) -> (i32, i32) {
    %c0_i32 = arith.constant 0 : i32
    %c0_i32_0 = arith.constant 0 : i32
    %c0_i32_1 = arith.constant 0 : i32
    return %c0_i32, %c0_i32_0 : i32, i32
  }
  func.func @transform_2(%arg0: i32) -> (i32, i32) {
    %c0_i32 = arith.constant 0 : i32
    %c0_i32_0 = arith.constant 0 : i32
    %c0_i32_1 = arith.constant 0 : i32
    return %c0_i32, %c0_i32_0 : i32, i32
  }
  func.func @transform_3(%arg0: i32) -> (i32, i32) {
    %c0_i32 = arith.constant 0 : i32
    %c0_i32_0 = arith.constant 0 : i32
    return %arg0, %c0_i32 : i32, i32
  }
}

module attributes {stable_mosaic.version = 14 : i64} {
  func.func @_final_body(%arg0: i32, %arg1: memref<5000x128xf32, #tpu.memory_space<vmem>>, %arg2: memref<5000x128xf32, #tpu.memory_space<vmem>>, %arg3: memref<5000x128xf32, #tpu.memory_space<vmem>>, %arg4: memref<5000x128xf32, #tpu.memory_space<vmem>>) attributes {dimension_semantics = [#tpu.dimension_semantics<arbitrary>], iteration_bounds = array<i64: 2>, scalar_prefetch = 0 : i64, scratch_operands = 0 : i64, tpu.core_type = #tpu.core_type<tc>, window_params = [{transform_indices = @transform_0, window_bounds = array<i64: 5000, 128>}, {transform_indices = @transform_1, window_bounds = array<i64: 5000, 128>}, {transform_indices = @transform_2, window_bounds = array<i64: 5000, 128>}, {transform_indices = @transform_3, window_bounds = array<i64: 5000, 128>}]} {
    %get3A = arith.constant 0 : index
    %get3A_0 = arith.constant 0 : index
    %get3A_1 = vector.load %arg1[%get3A, %get3A_0] : memref<5000x128xf32, #tpu.memory_space<vmem>>, vector<5000x128xf32>
    %get3A_2 = arith.constant 0 : index
    %get3A_3 = arith.constant 0 : index
    %get3A_4 = vector.load %arg2[%get3A_2, %get3A_3] : memref<5000x128xf32, #tpu.memory_space<vmem>>, vector<5000x128xf32>
    %add3A = arith.addf %get3A_1, %get3A_4 : vector<5000x128xf32>
    %get3A_5 = arith.constant 0 : index
    %get3A_6 = arith.constant 0 : index
    %get3A_7 = vector.load %arg3[%get3A_5, %get3A_6] : memref<5000x128xf32, #tpu.memory_space<vmem>>, vector<5000x128xf32>
    %add3A_8 = arith.addf %add3A, %get3A_7 : vector<5000x128xf32>
    %max3A = arith.constant 0.000000e+00 : f32
    %max3A_9 = vector.broadcast %max3A : f32 to vector<5000x128xf32>
    %max3A_10 = arith.maximumf %add3A_8, %max3A_9 : vector<5000x128xf32>
    %swap3A = arith.constant 0 : index
    %swap3A_11 = arith.constant 0 : index
    %swap3A_12 = vector.load %arg4[%swap3A, %swap3A_11] : memref<5000x128xf32, #tpu.memory_space<vmem>>, vector<5000x128xf32>
    tpu.vector_store %arg4[%swap3A, %swap3A_11], %max3A_10 {strides = array<i32>} : memref<5000x128xf32, #tpu.memory_space<vmem>>, vector<5000x128xf32>,
    return
  }
  func.func @transform_0(%arg0: i32) -> (i32, i32) {
    %c0_i32 = arith.constant 0 : i32
    %c0_i32_0 = arith.constant 0 : i32
    return %arg0, %c0_i32 : i32, i32
  }
  func.func @transform_1(%arg0: i32) -> (i32, i32) {
    %c0_i32 = arith.constant 0 : i32
    %c0_i32_0 = arith.constant 0 : i32
    return %arg0, %c0_i32 : i32, i32
  }
  func.func @transform_2(%arg0: i32) -> (i32, i32) {
    %c0_i32 = arith.constant 0 : i32
    %c0_i32_0 = arith.constant 0 : i32
    return %arg0, %c0_i32 : i32, i32
  }
  func.func @transform_3(%arg0: i32) -> (i32, i32) {
    %c0_i32 = arith.constant 0 : i32
    %c0_i32_0 = arith.constant 0 : i32
    return %arg0, %c0_i32 : i32, i32
  }
}

</mosaic_0001>

<sc_bundles>
// kernel: kernel.6.cloned.1.call-start
scs
__scs_entry_jumppad:
0x0: {  	(pc) =	sbr.rel $0x88, $3  }
0x1: {  	(tag) =	ssettag $0x0;
	lr =	simm.s32 $0x1  }
0x2: {  	[smem:$0x3F94] =	sst lr;
	_ =	strace $0xD0000000  }
0x3: {  	_ = 	snop  }
0x4: {  	_ = 	snop  }
0x5: {  	_ = 	snop  }
0x6: {  	_ = 	snop  }
0x7: {  	_ = 	snop  }
__scs_overlays_trampoline_lowered:
0x8: {  	[smem:$0x3FA3] =	sst s0  }
0x9: {  	[smem:$0x3FA4] =	sst s1  }
0xa: {  	[smem:$0x3FA5] =	sst s2  }
0xb: {  	[smem:$0x3FA6] =	sst s3  }
0xc: {  	[smem:$0x3FA7] =	sst s4  }
0xd: {  	[smem:$0x3FA8] =	sst s5  }
0xe: {  	[smem:$0x3FA9] =	sst s6  }
0xf: {  	[smem:$0x3FAA] =	sst s7  }
0x10: {  	[smem:$0x3FAB] =	sst s8  }
0x11: {  	[smem:$0x3FAC] =	sst s9;
	s0 =	simm.s32 @!p0 $0x0  }
0x12: {  	s1 =	sld [smem:$0x3F92];
	s0 =	simm.s32 @p0 $0x1  }
0x13: {  	[smem:$0x3FAD] =	sst s0;
	s0 =	simm.s32 @!p1 $0x0  }
0x14: {  	s2 =	sld [smem:$0x3F91];
	s0 =	simm.s32 @p1 $0x1  }
0x15: {  	[smem:$0x3FAE] =	sst s0;
	s0 =	simm.s32 @!p2 $0x0  }
0x16: {  	s3 =	sld [smem:$0x3FDB];
	s0 =	simm.s32 @p2 $0x1  }
0x17: {  	s4 =	simm.s32 $0x1BF5;
	[smem:$0x3FB0] =	sst s0  }
0x18: {  	s0 =	sld [smem:$0x3F93];
	_ =	swait.ge [sflag:s4], $0x0  }
0x19: {  	s7 =	sld [smem:$0x3F94]  }
0x1a: {  	s8 =	sadd.s32 $0xFFFFE003, lr  }
0x1b: {  	s9 =	sadd.s32 $0xFFFFFEF7, lr;
	s5 =	simm.s32 $0xFFFFFFFF;
	p2 =	slt.u32 s8, $0xFFFFF086  }
0x1c: {  	p1 =	slt.u32 s9, $0xF7A;
	s5 =	simm.s32 @!p2 $0x0  }
0x1d: {  	s5 =	simm.s32 @p1 $0x1;
	p0 =	seq.s32 s7, s2  }
0x1e: {  	s7 =	smul.u32 @!p0 $0xF7A, s2;
	p2 =	seq.s32 @!p0 s5, $0x0  }
0x1f: {  	s9 =	smul.u32 $0xF7A, s1;
	s8 =	simm.s32 @!p0 $0x1BF5;
	p2 =	por !p2, p0  }
0x20: {  	[sflag:s8] =	ssyncset.s32 @!p0 $0xFFFFF086;
	s6 =	sadd.s32 @!p0 s3, s7;
	s7 =	simm.s32 @!p0 $0x108  }
0x21: {  	s3 =	sadd.s32 s3, s9;
	s6 =	sadd.s32 @!p0 $0x88, s6;
	s7 =	simm.s32 @p2 $0x1082  }
0x22: {  	[simem:s7], [sflag:s8] =	dma.local @!p0 [hbm:s6], $0xF7A  }
0x23: {  	s9 =	sor.u32 $0xD0000000, s2;
	s6 =	simm.s32 $0x108;
	_ =	swait.ge @!p0 [sflag:s8], $0x0  }
0x24: {  	s3 =	sadd.s32 $0x88, s3;
	s6 =	simm.s32 @!p1 $0x1082;
	[sflag:s4] =	ssyncset.s32 $0xFFFFF086  }
0x25: {  	[simem:s6], [sflag:s4] =	dma.local [hbm:s3], $0xF7A  }
0x26: {  	[smem:$0x3F94] =	sst s1;
	(tag) =	ssettag s2;
	_ =	strace s9  }
0x27: {  	s1 =	sld [smem:$0x3FA4]  }
0x28: {  	s2 =	sld [smem:$0x3FA5]  }
0x29: {  	s4 =	sld [smem:$0x3FA7]  }
0x2a: {  	p0 =	seq.s32 s5, $0x0;
	s5 =	sld [smem:$0x3FA8]  }
0x2b: {  	s6 =	sld [smem:$0x3FA9]  }
0x2c: {  	s7 =	sld [smem:$0x3FAA]  }
0x2d: {  	s3 =	simm.s32 $0x108;
	s8 =	sld [smem:$0x3FAB]  }
0x2e: {  	s3 =	simm.s32 @!p0 $0x1082;
	s9 =	sld [smem:$0x3FAC]  }
0x2f: {  	lr =	sadd.s32 s0, s3;
	s0 =	sld [smem:$0x3FA3]  }
0x30: {  	s3 =	sld [smem:$0x3FA6]  }
0x31: {  	[smem:$0x3FAF] =	sst s10  }
0x32: {  	s10 =	sld [smem:$0x3FAD];
	_ =	sdelay $0x3  }
0x33: {  	p0 =	seq.s32 s10, $0x1;
	s10 =	sld [smem:$0x3FAF];
	_ =	sdelay $0x3  }
0x34: {  	[smem:$0x3FAF] =	sst s10  }
0x35: {  	s10 =	sld [smem:$0x3FAE];
	_ =	sdelay $0x3  }
0x36: {  	p1 =	seq.s32 s10, $0x1;
	s10 =	sld [smem:$0x3FAF];
	_ =	sdelay $0x3  }
0x37: {  	[smem:$0x3FAF] =	sst s10  }
0x38: {  	s10 =	sld [smem:$0x3FB0]  }
0x39: {  	_ = 	snop;
	(pc) =	sbr.ind lr, $3  }
0x3a: {  	_ = 	snop  }
0x3b: {  	_ = 	snop  }
0x3c: {  	p2 =	seq.s32 s10, $0x1;
	s10 =	sld [smem:$0x3FAF]  }
0x3d: {  	_ =	shalt  }
0x3e: {  	_ =	shalt  }
0x3f: {  	_ =	shalt  }
0x40: {  	_ =	shalt  }
0x41: {  	_ =	shalt  }
0x42: {  	_ =	shalt  }
0x43: {  	_ =	shalt  }
0x44: {  	_ =	shalt  }
0x45: {  	_ =	shalt  }
0x46: {  	_ =	shalt  }
0x47: {  	_ =	shalt  }
0x48: {  	_ =	shalt  }
0x49: {  	_ =	shalt  }
0x4a: {  	_ =	shalt  }
0x4b: {  	_ =	shalt  }
0x4c: {  	_ =	shalt  }
0x4d: {  	_ =	shalt  }
0x4e: {  	_ =	shalt  }
0x4f: {  	_ =	shalt  }
0x50: {  	_ =	shalt  }
0x51: {  	_ =	shalt  }
0x52: {  	_ =	shalt  }
0x53: {  	_ =	shalt  }
0x54: {  	_ =	shalt  }
0x55: {  	_ =	shalt  }
0x56: {  	_ =	shalt  }
0x57: {  	_ =	shalt  }
0x58: {  	_ =	shalt  }
0x59: {  	_ =	shalt  }
0x5a: {  	_ =	shalt  }
0x5b: {  	_ =	shalt  }
0x5c: {  	_ =	shalt  }
0x5d: {  	_ =	shalt  }
0x5e: {  	_ =	shalt  }
0x5f: {  	_ =	shalt  }
0x60: {  	_ =	shalt  }
0x61: {  	_ =	shalt  }
0x62: {  	_ =	shalt  }
0x63: {  	_ =	shalt  }
0x64: {  	_ =	shalt  }
0x65: {  	_ =	shalt  }
0x66: {  	_ =	shalt  }
0x67: {  	_ =	shalt  }
0x68: {  	_ =	shalt  }
0x69: {  	_ =	shalt  }
0x6a: {  	_ =	shalt  }
0x6b: {  	_ =	shalt  }
0x6c: {  	_ =	shalt  }
0x6d: {  	_ =	shalt  }
0x6e: {  	_ =	shalt  }
0x6f: {  	_ =	shalt  }
0x70: {  	_ =	shalt  }
0x71: {  	_ =	shalt  }
0x72: {  	_ =	shalt  }
0x73: {  	_ =	shalt  }
0x74: {  	_ =	shalt  }
0x75: {  	_ =	shalt  }
0x76: {  	_ =	shalt  }
0x77: {  	_ =	shalt  }
0x78: {  	_ =	shalt  }
0x79: {  	_ =	shalt  }
0x7a: {  	_ =	shalt  }
0x7b: {  	_ =	shalt  }
0x7c: {  	_ =	shalt  }
0x7d: {  	_ =	shalt  }
0x7e: {  	_ =	shalt  }
0x7f: {  	_ =	shalt  }
0x80: {  	_ =	shalt  }
0x81: {  	_ =	shalt  }
0x82: {  	_ =	shalt  }
0x83: {  	_ =	shalt  }
0x84: {  	_ =	shalt  }
0x85: {  	_ =	shalt  }
0x86: {  	_ =	shalt  }
0x87: {  	_ =	shalt  }
.Lfunc_end0:
.L_simem_size_0:
called_computation_lowered:
.L_overlay_start_0:
0x88: {  	s2 =	sld [smem:$0x3FD9]  }
0x89: {  	s3 =	sld [smem:$0x3FFE];
	_ =	sdelay $0x1  }
0x8a: {  	s1 =	srdreg.scid  }
0x8b: {  	s0 =	sand.u32 $0x1, s1  }
0x8c: {  	s17 =	sshll.u32 s0, $0xA;
	s2 =	sadd.s32 s3, s2  }
0x8d: {  	s2 =	sadd.s32 s2, s17  }
0x8e: {  	[smem:$0x3FBB] =	sst s2  }
0x8f: {  	_ = 	snop  }
0x90: {  	s2 =	sld [smem:$0x3FD0];
	(tm) =	ssettm $0x1  }
0x91: {  	s18 =	sld [smem:$0x3FFB];
	_ =	sdelay $0x3  }
0x92: {  	_ =	strace s18  }
0x93: {  	s3 =	sld [smem:$0x3FFC];
	_ =	sdelay $0x3  }
0x94: {  	_ =	strace s3  }
0x95: {  	s3 =	sld [smem:$0x3FFD];
	_ =	sdelay $0x3  }
0x96: {  	_ =	strace s3  }
0x97: {  	_ =	strace $0x8FFFFFFF  }
0x98: {  	s19 =	sld [smem:$0x3FDB];
	_ =	sdelay $0x1  }
0x99: {  	s4 =	simm.s32 $_scs_section_size  }
0x9a: {  	s5 =	simm.s32 $_size__tile_overlayer_lowered;
	s6 =	simm.s32 $_tile_overlayer_lowered  }
0x9b: {  	s22 =	simm.s32 $0x1BFF;
	s21 =	sshll.u32 s6, $0x1;
	s3 =	sadd.s32 s4, s19  }
0x9c: {  	s7 =	simm.s32 $0x0;
	s20 =	sshll.u32 s5, $0x1;
	s5 =	sadd.s32 s21, s3  }
0x9d: {  	[timem:s7], [sflag:s22] =	dma.local [hbm:s5], s20  }
0x9e: {  	_ =	swait.ge [sflag:s22], s20  }
0x9f: {  	s4 =	ssub.s32 $0x0, s20;
	[sflag:s22] =	ssyncset.done $0x0  }
0xa0: {  	[sflag:s22] =	ssyncadd.s32 s4;
	_ =	sdelay $0x1  }
0xa1: {  	s23 =	simm.s32 $0x1B8B  }
0xa2: {  	_ =	swait.ge [sflag:s23], $0x1  }
0xa3: {  	[sflag:s23] =	ssyncset.done $0x0  }
0xa4: {  	s25 =	simm.s32 $0x1B8E;
	s24 =	sld [smem:$0x3FFE];
	[sflag:s23] =	ssyncadd.s32 $0xFFFFFFFF  }
0xa5: {  	s26 =	simm.s32 $execute0_lowered;
	[smem:$0x3FD2] =	sst s25  }
0xa6: {  	s5 =	sshll.u32 s26, $0x1;
	_ =	strace $0x80000046;
	[dreg:$0x1] =	wrdreg $0xFFFFFFFF  }
0xa7: {  	s28 =	simm.s32 $_size_execute0_lowered;
	s3 =	sadd.s32 s3, s5;
	[dreg:$0x0] =	wrdreg $0x0  }
0xa8: {  	s5 =	sshll.u32 s28, $0x1;
	[dreg:$0x2] =	wrdreg s3  }
0xa9: {  	[dreg:$0x3] =	wrdreg s5  }
0xaa: {  	[dreg:$0x4] =	wrdreg $0xC0  }
0xab: {  	_ =	task [dreg:s7], $0x5FFFF  }
0xac: {  	[dreg:$0x1] =	wrdreg $0xFFFFFFFF  }
0xad: {  	[dreg:$0x0] =	wrdreg $0x60  }
0xae: {  	[dreg:$0x2] =	wrdreg s2  }
0xaf: {  	[dreg:$0x3] =	wrdreg s24  }
0xb0: {  	[dreg:$0x4] =	wrdreg $0xA4000  }
0xb1: {  	[dreg:$0x5] =	wrdreg $0x9  }
0xb2: {  	_ =	task.clear_ibuf [dreg:s7], $0x6FFFF;
	_ =	strace $0x90000046  }
0xb3: {  	s29 =	simm.s32 $0x9;
	_ =	strace $0x80000048  }
0xb4: {  	_ =	swait.ge [sflag:s29], $0x1  }
0xb5: {  	[sflag:s29] =	ssyncadd.s32 $0xFFFFFFFF  }
0xb6: {  	_ =	strace $0x90000048  }
0xb7: {  	_ =	sfence  }
0xb8: {  	s30 =	sld [smem:$0x0];
	_ =	sdelay $0x2  }
0xb9: {  	s31 =	sshll.u32 s1, $0xD;
	s1 =	sshrl.u32 s1, $0x2  }
0xba: {  	s3 =	sand.u32 $0x4000, s31;
	s1 =	sadd.s32 s1, s30  }
0xbb: {  	s0 =	sor.u32 s3, s0;
	s1 =	sshll.u32 s1, $0x11  }
0xbc: {  	s0 =	sor.u32 s1, s0  }
0xbd: {  	s0 =	sadd.s32 $0x8F2B, s0  }
0xbe: {  	[sflag:s0] =	ssyncadd.remote.s32 $0x1  }
0xbf: {  	_ =	sfence.sel $0xFFFF  }
0xc0: {  	[dreg:$0x0] =	wrdreg $0xFFFFFFFF;
	(pc) =	sbr.abs _section_cstart, $3  }
0xc1: {  	[dreg:$0x1] =	wrdreg $0xFFFFFFFF  }
0xc2: {  	_ =	task.clear_ibuf [dreg:s7], $0x2FFFF;
	_ =	strace $0x9FFFFFFF  }
0xc3: {  	(tm) =	ssettm $0x7FFFFFFF  }
tec
execute0_lowered:
.L_overlay_start_1:
0x0: {  	(tag) =	ssettag $0x1  }
0x1: {  	s26 =	stileid.u32  }
0x2: {  	s0 =	srdreg.scid;
	s9 =	smul.u32 $0x500, s26  }
0x3: {  	s8 =	sand.u32 $0x1, s0;
	s22 =	smul.u32 $0x2800, s26  }
0x4: {  	s6 =	sor.u32 $0x10, s26;
	s10 =	smul.u32 $0x138800, s8  }
0x5: {  	s5 =	sor.u32 $0x20, s26;
	s11 =	smul.u32 $0x500, s6  }
0x6: {  	s3 =	sor.u32 $0x30, s26;
	s12 =	smul.u32 $0x500, s5  }
0x7: {  	s4 =	sor.u32 $0x40, s26;
	s13 =	smul.u32 $0x500, s3  }
0x8: {  	s18 =	rddreg [dreg:$0x1];
	s2 =	sor.u32 $0x50, s26;
	s14 =	smul.u32 $0x500, s4  }
0x9: {  	s29 =	simm.s32 $0x2;
	s1 =	sor.u32 $0x60, s26;
	s15 =	smul.u32 $0x500, s2  }
0xa: {  	s30 =	simm.s32 $0x4;
	s0 =	sor.u32 $0x70, s26;
	s16 =	smul.u32 $0x500, s1  }
0xb: {  	s31 =	simm.s32 $0x6;
	s20 =	sadd.s32 $0x545E00, s18;
	s19 =	smul.u32 $0x500, s0  }
0xc: {  	s7 =	ssub.s32 $0x2, s8;
	s8 =	sshll.u32 s8, $0x4;
	s28 =	smul.u32 $0x2800, s3  }
0xd: {  	s3 =	smul.u32 $0xA000, s3;
	s17 =	sshrl.u32 s7, $0x1;
	s9 =	sadd.s32 s20, s9  }
0xe: {  	p0 =	sgt.u32 s0, $0x7C;
	s7 =	ssub.s32 s7, s17;
	[dreg:$0x4] =	wrdreg s9  }
0xf: {  	s9 =	smul.u32 $0x2800, s6;
	s11 =	sadd.s32 s20, s11;
	s25 =	sadd.s32 s20, s14  }
0x10: {  	s14 =	sadd.s32 s20, s15;
	s15 =	sadd.s32 s20, s16;
	s16 =	smul.u32 $0x2800, s4  }
0x11: {  	s21 =	sadd.s32 s10, s22;
	s22 =	smul.u32 $0x2800, s2;
	s17 =	rddreg [dreg:$0x2]  }
0x12: {  	s23 =	sadd.s32 s20, s12;
	s6 =	smul.u32 $0xA000, s6;
	[dreg:$0x5] =	wrdreg s11  }
0x13: {  	s24 =	sadd.s32 s20, s13;
	s4 =	smul.u32 $0xA000, s4;
	[dreg:$0x6] =	wrdreg s23  }
0x14: {  	s8 =	sor.u32 s26, s8;
	s2 =	smul.u32 $0xA000, s2;
	[dreg:$0x7] =	wrdreg s24  }
0x15: {  	s20 =	sadd.s32 s20, s19;
	s11 =	smul.u32 $0x2800, s5;
	[dreg:$0x8] =	wrdreg s25  }
0x16: {  	s12 =	sadd.s32 s10, s28;
	[dreg:$0x9] =	wrdreg s14;
	s24 =	smul.u32 $0x2800, s1  }
0x17: {  	s3 =	sshrl.u32 s3, $0x2;
	[dreg:$0xa] =	wrdreg s15;
	s25 =	smul.u32 $0x2800, s0  }
0x18: {  	[dreg:$0xb] =	wrdreg s20;
	s14 =	sshrl.u32 s21, $0x3;
	s5 =	smul.u32 $0xA000, s5  }
0x19: {  	s20 =	sadd.s32 $0x56D000, s18;
	s7 =	smax.u32 s7, $0x1;
	s1 =	smul.u32 $0xA000, s1  }
0x1a: {  	s0 =	smul.u32 $0xA000, s0;
	s23 =	sadd.s32 s10, s9;
	s13 =	sadd.s32 s10, s16  }
0x1b: {  	s15 =	sadd.s32 s10, s22;
	s9 =	simm.s32 $0x0;
	s14 =	sadd.s32 s20, s14  }
0x1c: {  	s22 =	sshrl.u32 s12, $0x3;
	s11 =	sadd.s32 s10, s11;
	s28 =	sadd.s32 s10, s24  }
0x1d: {  	s10 =	sadd.s32 s10, s25;
	[smem:$0x7FF] =	sst s9;
	s16 =	sshrl.u32 s23, $0x3  }
0x1e: {  	[dreg:$0xc] =	wrdreg s14;
	s23 =	sshrl.u32 s13, $0x3;
	s25 =	sshrl.u32 s15, $0x3  }
0x1f: {  	s21 =	sadd.s32 s20, s16;
	s11 =	sshrl.u32 s11, $0x3;
	s24 =	sadd.s32 s20, s23  }
0x20: {  	s28 =	sshrl.u32 s28, $0x3;
	s10 =	sshrl.u32 s10, $0x3;
	[dreg:$0xd] =	wrdreg s21  }
0x21: {  	s23 =	sadd.s32 $0x63E00, s18;
	s11 =	sadd.s32 s20, s11;
	[dreg:$0x10] =	wrdreg s24  }
0x22: {  	s16 =	smul.u32 $0xA000, s26;
	s10 =	sadd.s32 s20, s10;
	[dreg:$0xe] =	wrdreg s11  }
0x23: {  	s21 =	smul.u32 $0x2710, s8;
	s11 =	sadd.s32 s20, s22;
	[dreg:$0x13] =	wrdreg s10  }
0x24: {  	s24 =	sadd.s32 $0xBC00, s18;
	s8 =	smul.u32 $0x27100, s8;
	[dreg:$0xf] =	wrdreg s11  }
0x25: {  	s11 =	sadd.s32 s20, s25;
	s25 =	sadd.s32 $0x1E00, s18;
	s12 =	sshrl.u32 s21, $0x3  }
0x26: {  	s14 =	sadd.s32 $0x28, s21;
	[dreg:$0x11] =	wrdreg s11;
	s11 =	sadd.s32 s20, s28  }
0x27: {  	s13 =	sadd.s32 s24, s12;
	s10 =	sadd.s32 s25, s12;
	[dreg:$0x12] =	wrdreg s11  }
0x28: {  	s15 =	sshrl.u32 s14, $0x3;
	_ =	strace $0x80000047;
	[dreg:$0x14] =	wrdreg s13  }
0x29: {  	s22 =	sadd.s32 $0x15A00, s18;
	s18 =	sadd.s32 s24, s15;
	[dreg:$0x15] =	wrdreg s10  }
0x2a: {  	s3 =	sadd.s32 s3, s17;
	s8 =	sadd.s32 s23, s8;
	[dreg:$0x16] =	wrdreg s18  }
0x2b: {  	s6 =	sshrl.u32 s6, $0x2;
	s19 =	sshrl.u32 s16, $0x2;
	[dreg:$0x18] =	wrdreg s8  }
0x2c: {  	s4 =	sshrl.u32 s4, $0x2;
	s20 =	sadd.s32 s19, s17;
	[dreg:$0x19] =	wrdreg s7  }
0x2d: {  	s6 =	sadd.s32 s6, s17;
	s5 =	sshrl.u32 s5, $0x2;
	[dreg:$0x1a] =	wrdreg s20  }
0x2e: {  	s2 =	sshrl.u32 s2, $0x2;
	s5 =	sadd.s32 s5, s17;
	[dreg:$0x1c] =	wrdreg s6  }
0x2f: {  	s1 =	sshrl.u32 s1, $0x2;
	s0 =	sshrl.u32 s0, $0x2;
	[dreg:$0x1d] =	wrdreg s5  }
0x30: {  	s2 =	sadd.s32 s2, s17;
	s28 =	sadd.s32 s4, s17;
	[dreg:$0x1e] =	wrdreg s3  }
0x31: {  	s26 =	sshll.u32 s26, $0x6;
	s1 =	sadd.s32 s1, s17;
	[dreg:$0x1f] =	wrdreg s28  }
0x32: {  	s0 =	sadd.s32 s0, s17;
	s14 =	simm.s32 $0xA;
	[smem:$0x7FB] =	sst s2  }
0x33: {  	s10 =	sadd.s32 s25, s15;
	s7 =	sor.u32 $0x1C0B, s26;
	[smem:$0x7FC] =	sst s1  }
0x34: {  	[smem:$0x7FD] =	sst s0;
	s2 =	simm.s32 $0xB;
	s13 =	simm.s32 $0x28  }
0x35: {  	s18 =	simm.s32 $0x1;
	s20 =	simm.s32 $0x3;
	[dreg:$0x17] =	wrdreg s10  }
0x36: {  	s26 =	simm.s32 $0x5;
	s3 =	simm.s32 $0x0;
	[dreg:$0x1b] =	wrdreg s7  }
.LBB2_1:
0x37: {  	[smem:$0x7F2] =	sst s3  }
0x38: {  	s0 =	rddreg [dreg:$0x1a]  }
0x39: {  	s15 =	rddreg [dreg:$0x4];
	s1 =	sshrl.u32 s0, $0x3  }
0x3a: {  	[smem:$0x7F3] =	sst s1  }
0x3b: {  	[spmem:s1], [sflag:s7] =	dma.local [hbm:s15], $0x500  }
0x3c: {  	_ =	swait.ge [sflag:s2], $0x500  }
0x3d: {  	s16 =	rddreg [dreg:$0x1c]  }
0x3e: {  	[sflag:s2] =	ssyncset.done $0x0;
	s28 =	rddreg [dreg:$0x5];
	s19 =	sshrl.u32 s16, $0x3  }
0x3f: {  	[sflag:s2] =	ssyncadd.s32 $0xFFFFFB00;
	[smem:$0x7F4] =	sst s19  }
0x40: {  	[spmem:s19], [sflag:s7] =	dma.local [hbm:s28], $0x500  }
0x41: {  	_ =	swait.ge [sflag:s2], $0x500  }
0x42: {  	s1 =	rddreg [dreg:$0x1d]  }
0x43: {  	[sflag:s2] =	ssyncset.done $0x0;
	s4 =	rddreg [dreg:$0x6];
	s3 =	sshrl.u32 s1, $0x3  }
0x44: {  	[sflag:s2] =	ssyncadd.s32 $0xFFFFFB00;
	[smem:$0x7F5] =	sst s3  }
0x45: {  	[spmem:s3], [sflag:s7] =	dma.local [hbm:s4], $0x500  }
0x46: {  	_ =	swait.ge [sflag:s2], $0x500  }
0x47: {  	s5 =	rddreg [dreg:$0x1e]  }
0x48: {  	[sflag:s2] =	ssyncset.done $0x0;
	s8 =	rddreg [dreg:$0x7];
	s6 =	sshrl.u32 s5, $0x3  }
0x49: {  	[sflag:s2] =	ssyncadd.s32 $0xFFFFFB00;
	[smem:$0x7F6] =	sst s6  }
0x4a: {  	[spmem:s6], [sflag:s7] =	dma.local [hbm:s8], $0x500  }
0x4b: {  	_ =	swait.ge [sflag:s2], $0x500  }
0x4c: {  	s10 =	rddreg [dreg:$0x1f]  }
0x4d: {  	[sflag:s2] =	ssyncset.done $0x0;
	s12 =	rddreg [dreg:$0x8];
	s11 =	sshrl.u32 s10, $0x3  }
0x4e: {  	[sflag:s2] =	ssyncadd.s32 $0xFFFFFB00;
	[smem:$0x7F7] =	sst s11  }
0x4f: {  	[spmem:s11], [sflag:s7] =	dma.local [hbm:s12], $0x500  }
0x50: {  	_ =	swait.ge [sflag:s2], $0x500  }
0x51: {  	s15 =	sld [smem:$0x7FB];
	_ =	sdelay $0x2  }
0x52: {  	[sflag:s2] =	ssyncset.done $0x0;
	s19 =	rddreg [dreg:$0x9];
	s16 =	sshrl.u32 s15, $0x3  }
0x53: {  	[sflag:s2] =	ssyncadd.s32 $0xFFFFFB00;
	[smem:$0x7F8] =	sst s16  }
0x54: {  	[spmem:s16], [sflag:s7] =	dma.local [hbm:s19], $0x500  }
0x55: {  	_ =	swait.ge [sflag:s2], $0x500  }
0x56: {  	s28 =	sld [smem:$0x7FC];
	_ =	sdelay $0x2  }
0x57: {  	[sflag:s2] =	ssyncset.done $0x0;
	s3 =	rddreg [dreg:$0xa];
	s0 =	sshrl.u32 s28, $0x3  }
0x58: {  	[sflag:s2] =	ssyncadd.s32 $0xFFFFFB00;
	[smem:$0x7F9] =	sst s0  }
0x59: {  	[spmem:s0], [sflag:s7] =	dma.local [hbm:s3], $0x500  }
0x5a: {  	_ =	swait.ge [sflag:s2], $0x500  }
0x5b: {  	s0 =	sld [smem:$0x7FD];
	_ =	sdelay $0x2  }
0x5c: {  	[sflag:s2] =	ssyncset.done $0x0;
	s1 =	sshrl.u32 @!p0 s0, $0x3;
	s0 =	rddreg [dreg:$0xb]  }
0x5d: {  	[sflag:s2] =	ssyncadd.s32 $0xFFFFFB00;
	[smem:$0x7FA] =	sst s1  }
0x5e: {  	[spmem:s1], [sflag:s7] =	dma.local @!p0 [hbm:s0], $0x500  }
0x5f: {  	s0 =	simm.s32 @!p0 $0xB  }
0x60: {  	_ =	swait.ge @!p0 [sflag:s0], $0x500  }
0x61: {  	[sflag:s0] =	ssyncset.done @!p0 $0x0  }
0x62: {  	[sflag:s0] =	ssyncadd.s32 @!p0 $0xFFFFFB00  }
0x63: {  	[bflag:$0x0] =	sbarrier.arrive $0xFFFF  }
0x64: {  	s5 =	simm.s32 $0xA000;
	s4 =	rddreg [dreg:$0x14]  }
0x65: {  	[tilespmem:s5], [sflag:$0xB] =	stream.linear.gather [hbm4b:s4+s9], $0x28, $0x38;
	[tilespmem:$0x1DC80] =	vst v63  }
0x66: {  	_ =	swait.ge [sflag:s2], $0x28  }
0x67: {  	[sflag:s2] =	ssyncset.done $0x0  }
0x68: {  	s7 =	simm.s32 $0xA200;
	s6 =	rddreg [dreg:$0x15];
	[sflag:s2] =	ssyncadd.s32 $0xFFFFFFD8  }
0x69: {  	[tilespmem:s7], [sflag:$0xB] =	stream.linear.gather [hbm4b:s6+s9], $0x28, $0x38;
	[tilespmem:$0x1DC80] =	vst v63  }
0x6a: {  	_ =	swait.ge [sflag:s2], $0x28  }
0x6b: {  	[sflag:s2] =	ssyncset.done $0x0  }
0x6c: {  	s10 =	simm.s32 $0xA080;
	s8 =	rddreg [dreg:$0x16];
	[sflag:s2] =	ssyncadd.s32 $0xFFFFFFD8  }
0x6d: {  	[tilespmem:s10], [sflag:$0xA] =	stream.linear.gather [hbm4b:s8+s9], $0x28, $0x38;
	[tilespmem:$0x1DC80] =	vst v63  }
0x6e: {  	s12 =	simm.s32 $0xA280;
	s11 =	rddreg [dreg:$0x17]  }
0x6f: {  	[tilespmem:s12], [sflag:$0xA] =	stream.linear.gather [hbm4b:s11+s9], $0x28, $0x38;
	[tilespmem:$0x1DC80] =	vst v63  }
0x70: {  	s15 =	rddreg [dreg:$0x0]  }
0x71: {  	[tilespmem:s9], [sflag:$0x1] =	stream.indirect.gather [hbm4b:s15+s13], $0x80, s5, s13, $0xb8;
	[tilespmem:$0x1DC80] =	vst v63  }
0x72: {  	s16 =	simm.s32 $0x2800  }
0x73: {  	[tilespmem:s16], [sflag:$0x3] =	stream.indirect.gather [hbm4b:s22+s13], $0x80, s7, s13, $0xb8;
	[tilespmem:$0x1DC80] =	vst v63  }
0x74: {  	s28 =	simm.s32 $0x5000;
	s3 =	simm.s32 $0x0;
	s19 =	rddreg [dreg:$0x18]  }
0x75: {  	[tilespmem:s28], [sflag:$0x5] =	stream.linear.gather [hbm4b:s19+s9], $0x1400, $0x38;
	[tilespmem:$0x1DC80] =	vst v63  }
.LBB2_2:
0x76: {  	_ =	swait.ge [sflag:s14], $0x28  }
0x77: {  	[sflag:s14] =	ssyncset.done $0x0  }
0x78: {  	[sflag:s14] =	ssyncadd.s32 $0xFFFFFFD8  }
0x79: {  	s0 =	sshllo.u32 s3, $0x1;
	_ =	swait.ge [sflag:s14], $0x28  }
0x7a: {  	s1 =	sshll.u32 s0, $0x7;
	s0 =	smul.u32 $0x28, s0;
	[sflag:s14] =	ssyncset.done $0x0  }
0x7b: {  	s5 =	simm.s32 $0x1400;
	s1 =	sand.u32 $0x180, s1;
	[sflag:s14] =	ssyncadd.s32 $0xFFFFFFD8  }
0x7c: {  	s2 =	sor.u32 $0xA000, s1;
	s0 =	sadd.s32 s21, s0;
	s4 =	rddreg [dreg:$0x0]  }
0x7d: {  	[tilespmem:s5], [sflag:$0x2] =	stream.indirect.gather [hbm4b:s4+s13], $0x80, s2, s13, $0xb8;
	[tilespmem:$0x1DC80] =	vst v63  }
0x7e: {  	s16 =	simm.s32 $0x3C00;
	s0 =	sshll.u32 s0, $0x4;
	s4 =	sor.u32 $0xA200, s1  }
0x7f: {  	[tilespmem:s16], [sflag:$0x4] =	stream.indirect.gather [hbm4b:s22+s13], $0x80, s4, s13, $0xb8;
	[tilespmem:$0x1DC80] =	vst v63  }
0x80: {  	s19 =	simm.s32 $0x6400;
	s0 =	sadd.s32 s23, s0  }
0x81: {  	[tilespmem:s19], [sflag:$0x6] =	stream.linear.gather [hbm4b:s0+s9], $0x1400, $0x38;
	[tilespmem:$0x1DC80] =	vst v63  }
0x82: {  	_ =	swait.ge [sflag:s18], $0x1400  }
0x83: {  	[sflag:s18] =	ssyncset.done $0x0  }
0x84: {  	[sflag:s18] =	ssyncadd.s32 $0xFFFFEC00  }
0x85: {  	_ =	swait.ge [sflag:s20], $0x1400  }
0x86: {  	[sflag:s20] =	ssyncset.done $0x0  }
0x87: {  	[sflag:s20] =	ssyncadd.s32 $0xFFFFEC00  }
0x88: {  	_ =	swait.ge [sflag:s26], $0x1400  }
0x89: {  	p2 =	seq.s32 s3, $0x0;
	[sflag:s26] =	ssyncset.done $0x0  }
0x8a: {  	s0 =	simm.s32 @!p2 $0x7;
	[sflag:s26] =	ssyncadd.s32 $0xFFFFEC00  }
0x8b: {  	p1 =	seq.s32 @!p2 s3, $0x7C;
	_ =	swait.ge @!p2 [sflag:s0], $0x1400  }
0x8c: {  	p3 =	por p2, !p1;
	s5 =	sshll.u32 s3, $0x1;
	[sflag:s0] =	ssyncset.done @!p2 $0x0  }
0x8d: {  	[sflag:s0] =	ssyncadd.s32 @!p2 $0xFFFFEC00;
	s0 =	sadd.s32 @p3 $0x2, s5  }
0x8e: {  	s1 =	smul.u32 @p3 $0x28, s0;
	_ =	sdelay $0x1  }
0x8f: {  	s0 =	sshll.u32 @p3 s0, $0x7;
	s1 =	sadd.s32 @p3 s21, s1  }
0x90: {  	s0 =	sand.u32 @p3 $0x100, s0;
	s1 =	sshrl.u32 @p3 s1, $0x3  }
0x91: {  	s2 =	sor.u32 @p3 $0xA000, s0;
	s6 =	sadd.s32 @p3 s24, s1  }
0x92: {  	[tilespmem:s2], [sflag:$0x9] =	stream.linear.gather @p3 [hbm4b:s6+s9], $0x28, $0x38;
	[tilespmem:$0x1DC80] =	vst v63  }
0x93: {  	s16 =	simm.s32 $0x5080;
	s0 =	sor.u32 @p3 $0xA200, s0;
	s1 =	sadd.s32 @p3 s25, s1  }
0x94: {  	[tilespmem:s0], [sflag:$0x9] =	stream.linear.gather @p3 [hbm4b:s1+s9], $0x28, $0x38;
	[tilespmem:$0x1DC80] =	vst v63  }
0x95: {  	s12 =	simm.s32 $0x2880;
	v0 =	vld [tilespmem:s16+$0x0]  }
0x96: {  	s28 =	simm.s32 $0x80;
	v1 =	vld [tilespmem:s12+$0x0]  }
0x97: {  	v2 =	vld [tilespmem:s28+$0x0]  }
0x98: {  	v3 =	vld [tilespmem:s28+$0x40]  }
0x99: {  	v4 =	vld [tilespmem:s12+$0x40];
	_ =	sdelay $0x2  }
0x9a: {  	v5 =	vand.u32 $0xFFFF0000, v2  }
0x9b: {  	v6 =	vand.u32 $0xFFFF0000, v3;
	v1 =	vadd.f32 v5, v1  }
0x9c: {  	v5 =	vshll.u32 v0, $0x10;
	v4 =	vadd.f32 v6, v4  }
0x9d: {  	v0 =	vand.u32 $0xFFFF0000, v0;
	v1 =	vadd.f32 v5, v1  }
0x9e: {  	v0 =	vadd.f32 v0, v4  }
0x9f: {  	v1 =	vsub.f32 $0.0e+00, v1  }
0xa0: {  	v0 =	vsub.f32 $0.0e+00, v0  }
0xa1: {  	v1 =	vmul.f32 $1.442695020e+00, v1  }
0xa2: {  	v0 =	vmul.f32 $1.442695020e+00, v0  }
0xa3: {  	(erf) = vpow2.f32 v1  }
0xa4: {  	(erf) = vpow2.f32 v0;
	_ =	sdelay $0x5  }
0xa5: {  	v8 =	vld [tilespmem:s16+$0xFFFFFF80]  }
0xa6: {  	v4 =	vld [tilespmem:s12+$0xFFFFFF80]  }
0xa7: {  	v1 =	vld [tilespmem:s28+$0xFFFFFF80];
	v5 =	vpop (erf)  }
0xa8: {  	v0 =	vld [tilespmem:s28+$0xFFFFFFC0];
	v5 =	vadd.f32 $1.000000000e+00, v5;
	v7 =	vpop (erf)  }
0xa9: {  	v6 =	vld [tilespmem:s12+$0xFFFFFFC0];
	v7 =	vadd.f32 $1.000000000e+00, v7  }
0xaa: {  	v9 =	vsub.s32 $0x7EF311C3, v5  }
0xab: {  	v10 =	vmul.f32 v9, v5;
	v11 =	vsub.s32 $0x7EF311C3, v7  }
0xac: {  	v12 =	vand.u32 $0xFFFF0000, v1;
	v13 =	vmul.f32 v11, v7  }
0xad: {  	v14 =	vand.u32 $0xFFFF0000, v0;
	v4 =	vadd.f32 v12, v4;
	v10 =	vsub.f32 $2.000000000e+00, v10  }
0xae: {  	v12 =	vshll.u32 v8, $0x10;
	v6 =	vadd.f32 v14, v6;
	v13 =	vsub.f32 $2.000000000e+00, v13  }
0xaf: {  	v8 =	vand.u32 $0xFFFF0000, v8;
	v4 =	vadd.f32 v12, v4;
	v9 =	vmul.f32 v9, v10  }
0xb0: {  	v6 =	vadd.f32 v8, v6;
	v8 =	vmul.f32 v11, v13  }
0xb1: {  	v4 =	vsub.f32 $0.0e+00, v4;
	v5 =	vmul.f32 v9, v5  }
0xb2: {  	v6 =	vsub.f32 $0.0e+00, v6;
	v7 =	vmul.f32 v8, v7  }
0xb3: {  	v4 =	vmul.f32 $1.442695020e+00, v4;
	v5 =	vsub.f32 $2.000000000e+00, v5  }
0xb4: {  	v6 =	vmul.f32 $1.442695020e+00, v6;
	v7 =	vsub.f32 $2.000000000e+00, v7  }
0xb5: {  	(erf) = vpow2.f32 v4;
	v4 =	vmul.f32 v5, v9  }
0xb6: {  	v2 =	vshll.u32 v2, $0x10;
	(erf) = vpow2.f32 v6;
	v5 =	vmul.f32 v7, v8  }
0xb7: {  	v3 =	vshll.u32 v3, $0x10;
	v2 =	vmul.f32 v2, v4  }
0xb8: {  	s6 =	simm.s32 $0x7880;
	v3 =	vmul.f32 v3, v5  }
0xb9: {  	[tilespmem:s6+$0x0] =	vst v2  }
0xba: {  	[tilespmem:s6+$0x40] =	vst v3  }
0xbb: {  	v2 =	vld [tilespmem:s16+$0x10]  }
0xbc: {  	v3 =	vld [tilespmem:s12+$0x10]  }
0xbd: {  	v4 =	vld [tilespmem:s28+$0x10]  }
0xbe: {  	v5 =	vpop (erf);
	v6 =	vld [tilespmem:s28+$0x50]  }
0xbf: {  	v5 =	vadd.f32 $1.000000000e+00, v5;
	v7 =	vpop (erf);
	v8 =	vld [tilespmem:s12+$0x50]  }
0xc0: {  	v7 =	vadd.f32 $1.000000000e+00, v7  }
0xc1: {  	v9 =	vsub.s32 $0x7EF311C3, v5  }
0xc2: {  	v10 =	vsub.s32 $0x7EF311C3, v7;
	v11 =	vmul.f32 v9, v5;
	v12 =	vand.u32 $0xFFFF0000, v4  }
0xc3: {  	v13 =	vmul.f32 v10, v7;
	v14 =	vand.u32 $0xFFFF0000, v6;
	v3 =	vadd.f32 v12, v3  }
0xc4: {  	v11 =	vsub.f32 $2.000000000e+00, v11;
	v12 =	vshll.u32 v2, $0x10;
	v8 =	vadd.f32 v14, v8  }
0xc5: {  	v13 =	vsub.f32 $2.000000000e+00, v13;
	v2 =	vand.u32 $0xFFFF0000, v2;
	v3 =	vadd.f32 v12, v3  }
0xc6: {  	v9 =	vmul.f32 v9, v11;
	v2 =	vadd.f32 v2, v8  }
0xc7: {  	v8 =	vmul.f32 v10, v13;
	v3 =	vsub.f32 $0.0e+00, v3  }
0xc8: {  	v5 =	vmul.f32 v9, v5;
	v2 =	vsub.f32 $0.0e+00, v2  }
0xc9: {  	v7 =	vmul.f32 v8, v7;
	v3 =	vmul.f32 $1.442695020e+00, v3  }
0xca: {  	v5 =	vsub.f32 $2.000000000e+00, v5;
	v2 =	vmul.f32 $1.442695020e+00, v2  }
0xcb: {  	v7 =	vsub.f32 $2.000000000e+00, v7;
	(erf) = vpow2.f32 v3  }
0xcc: {  	v3 =	vmul.f32 v5, v9;
	(erf) = vpow2.f32 v2  }
0xcd: {  	v1 =	vshll.u32 v1, $0x10;
	v2 =	vmul.f32 v7, v8  }
0xce: {  	v0 =	vshll.u32 v0, $0x10;
	v1 =	vmul.f32 v1, v3  }
0xcf: {  	v0 =	vmul.f32 v0, v2  }
0xd0: {  	[tilespmem:s6+$0xFFFFFF80] =	vst v1  }
0xd1: {  	[tilespmem:s6+$0xFFFFFFC0] =	vst v0  }
0xd2: {  	v0 =	vld [tilespmem:s28+$0xFFFFFF90]  }
0xd3: {  	v2 =	vld [tilespmem:s28+$0xFFFFFFD0]  }
0xd4: {  	v1 =	vld [tilespmem:s12+$0xFFFFFF90];
	v3 =	vpop (erf)  }
0xd5: {  	v5 =	vld [tilespmem:s12+$0xFFFFFFD0];
	v3 =	vadd.f32 $1.000000000e+00, v3;
	v7 =	vpop (erf)  }
0xd6: {  	v8 =	vld [tilespmem:s16+$0xFFFFFF90];
	v7 =	vadd.f32 $1.000000000e+00, v7  }
0xd7: {  	v9 =	vsub.s32 $0x7EF311C3, v3  }
0xd8: {  	v10 =	vmul.f32 v9, v3;
	v11 =	vsub.s32 $0x7EF311C3, v7  }
0xd9: {  	v12 =	vand.u32 $0xFFFF0000, v0;
	v13 =	vmul.f32 v11, v7  }
0xda: {  	v14 =	vand.u32 $0xFFFF0000, v2;
	v1 =	vadd.f32 v12, v1;
	v10 =	vsub.f32 $2.000000000e+00, v10  }
0xdb: {  	v5 =	vadd.f32 v14, v5;
	v12 =	vshll.u32 v8, $0x10;
	v13 =	vsub.f32 $2.000000000e+00, v13  }
0xdc: {  	v8 =	vand.u32 $0xFFFF0000, v8;
	v1 =	vadd.f32 v12, v1;
	v9 =	vmul.f32 v9, v10  }
0xdd: {  	v5 =	vadd.f32 v8, v5;
	v8 =	vmul.f32 v11, v13  }
0xde: {  	v1 =	vsub.f32 $0.0e+00, v1;
	v3 =	vmul.f32 v9, v3  }
0xdf: {  	v5 =	vsub.f32 $0.0e+00, v5;
	v7 =	vmul.f32 v8, v7  }
0xe0: {  	v1 =	vmul.f32 $1.442695020e+00, v1;
	v3 =	vsub.f32 $2.000000000e+00, v3  }
0xe1: {  	v5 =	vmul.f32 $1.442695020e+00, v5;
	v7 =	vsub.f32 $2.000000000e+00, v7  }
0xe2: {  	s8 =	simm.s32 $0x5180;
	(erf) = vpow2.f32 v1;
	v1 =	vmul.f32 v3, v9  }
0xe3: {  	s2 =	simm.s32 $0x2980;
	v4 =	vshll.u32 v4, $0x10;
	(erf) = vpow2.f32 v5;
	v3 =	vld [tilespmem:s8+$0x0];
	v5 =	vmul.f32 v7, v8  }
0xe4: {  	s11 =	simm.s32 $0x180;
	v6 =	vshll.u32 v6, $0x10;
	v7 =	vld [tilespmem:s2+$0x0];
	v1 =	vmul.f32 v4, v1  }
0xe5: {  	v8 =	vld [tilespmem:s11+$0x40];
	v5 =	vmul.f32 v6, v5  }
0xe6: {  	v4 =	vld [tilespmem:s2+$0x40];
	[tilespmem:s6+$0x10] =	vst v1  }
0xe7: {  	v6 =	vld [tilespmem:s11+$0x0];
	[tilespmem:s6+$0x50] =	vst v5  }
0xe8: {  	v5 =	vld [tilespmem:s16+$0x20]  }
0xe9: {  	v9 =	vld [tilespmem:s12+$0x20]  }
0xea: {  	v10 =	vld [tilespmem:s28+$0x20]  }
0xeb: {  	v11 =	vld [tilespmem:s28+$0x60]  }
0xec: {  	v1 =	vpop (erf);
	v13 =	vld [tilespmem:s12+$0x60]  }
0xed: {  	v16 =	vshll.u32 v3, $0x10;
	v14 =	vadd.f32 $1.000000000e+00, v1;
	v1 =	vand.u32 $0xFFFF0000, v6  }
0xee: {  	v3 =	vand.u32 $0xFFFF0000, v3;
	v15 =	vand.u32 $0xFFFF0000, v8;
	v12 =	vpop (erf);
	v7 =	vadd.f32 v1, v7  }
0xef: {  	v4 =	vadd.f32 v15, v4;
	v12 =	vadd.f32 $1.000000000e+00, v12;
	v15 =	vand.u32 $0xFFFF0000, v10  }
0xf0: {  	v1 =	vld [tilespmem:s11+$0xFFFFFFC0];
	v7 =	vadd.f32 v16, v7;
	v16 =	vand.u32 $0xFFFF0000, v11;
	v9 =	vadd.f32 v15, v9  }
0xf1: {  	v3 =	vadd.f32 v3, v4;
	v4 =	vshll.u32 v5, $0x10;
	v15 =	vld [tilespmem:s11+$0xFFFFFF80];
	v13 =	vadd.f32 v16, v13  }
0xf2: {  	v5 =	vand.u32 $0xFFFF0000, v5;
	v16 =	vld [tilespmem:s2+$0xFFFFFF80];
	v7 =	vsub.f32 $0.0e+00, v7;
	v4 =	vadd.f32 v4, v9  }
0xf3: {  	v19 =	vsub.s32 $0x7EF311C3, v12;
	v3 =	vsub.f32 $0.0e+00, v3;
	v9 =	vld [tilespmem:s2+$0xFFFFFFC0];
	v5 =	vadd.f32 v5, v13  }
0xf4: {  	v17 =	vld [tilespmem:s8+$0xFFFFFF80];
	v13 =	vsub.s32 $0x7EF311C3, v14;
	v7 =	vmul.f32 $1.442695020e+00, v7;
	v4 =	vsub.f32 $0.0e+00, v4  }
0xf5: {  	v3 =	vmul.f32 $1.442695020e+00, v3;
	v18 =	vmul.f32 v13, v14;
	v5 =	vsub.f32 $0.0e+00, v5  }
0xf6: {  	(erf) = vpow2.f32 v7;
	v7 =	vand.u32 $0xFFFF0000, v15;
	v4 =	vmul.f32 $1.442695020e+00, v4  }
0xf7: {  	(erf) = vpow2.f32 v3;
	v3 =	vmul.f32 $1.442695020e+00, v5;
	v5 =	vand.u32 $0xFFFF0000, v1  }
0xf8: {  	v7 =	vadd.f32 v7, v16;
	(erf) = vpow2.f32 v4;
	v4 =	vadd.f32 v5, v9  }
0xf9: {  	v5 =	vshll.u32 v17, $0x10;
	(erf) = vpow2.f32 v3;
	v3 =	vmul.f32 v19, v12  }
0xfa: {  	v9 =	vand.u32 $0xFFFF0000, v17;
	v5 =	vadd.f32 v5, v7;
	v7 =	vsub.f32 $2.000000000e+00, v18  }
0xfb: {  	v4 =	vadd.f32 v9, v4;
	v3 =	vsub.f32 $2.000000000e+00, v3  }
0xfc: {  	v5 =	vsub.f32 $0.0e+00, v5;
	v7 =	vmul.f32 v13, v7  }
0xfd: {  	v4 =	vsub.f32 $0.0e+00, v4;
	v3 =	vmul.f32 v19, v3  }
0xfe: {  	v5 =	vmul.f32 $1.442695020e+00, v5;
	v9 =	vmul.f32 v7, v14  }
0xff: {  	v4 =	vmul.f32 $1.442695020e+00, v4;
	v13 =	vpop (erf);
	v12 =	vmul.f32 v3, v12  }
0x100: {  	(erf) = vpow2.f32 v5;
	v5 =	vadd.f32 $1.000000000e+00, v13;
	v13 =	vpop (erf);
	v9 =	vsub.f32 $2.000000000e+00, v9  }
0x101: {  	v0 =	vshll.u32 v0, $0x10;
	(erf) = vpow2.f32 v4;
	v4 =	vadd.f32 $1.000000000e+00, v13  }
0x102: {  	v13 =	vpop (erf);
	v12 =	vsub.f32 $2.000000000e+00, v12;
	v14 =	vsub.s32 $0x7EF311C3, v5;
	v7 =	vmul.f32 v9, v7  }
0x103: {  	v13 =	vadd.f32 $1.000000000e+00, v13;
	v16 =	vpop (erf);
	v17 =	vmul.f32 v14, v5;
	v18 =	vsub.s32 $0x7EF311C3, v4  }
0x104: {  	v16 =	vadd.f32 $1.000000000e+00, v16;
	v9 =	vmul.f32 v18, v4;
	v3 =	vmul.f32 v12, v3  }
0x105: {  	v0 =	vmul.f32 v0, v7;
	v19 =	vsub.s32 $0x7EF311C3, v13;
	v17 =	vsub.f32 $2.000000000e+00, v17  }
0x106: {  	v20 =	vmul.f32 v19, v13;
	v21 =	vsub.s32 $0x7EF311C3, v16;
	v9 =	vsub.f32 $2.000000000e+00, v9  }
0x107: {  	v2 =	vshll.u32 v2, $0x10;
	v12 =	vmul.f32 v21, v16;
	v7 =	vmul.f32 v14, v17  }
0x108: {  	v2 =	vmul.f32 v2, v3;
	v14 =	vsub.f32 $2.000000000e+00, v20;
	v3 =	vmul.f32 v18, v9  }
0x109: {  	v9 =	vsub.f32 $2.000000000e+00, v12;
	v5 =	vmul.f32 v7, v5  }
0x10a: {  	v14 =	vmul.f32 v19, v14;
	v4 =	vmul.f32 v3, v4  }
0x10b: {  	[tilespmem:s6+$0xFFFFFFD0] =	vst v2;
	v2 =	vshll.u32 v6, $0x10;
	v12 =	vpop (erf);
	v9 =	vmul.f32 v21, v9;
	v5 =	vsub.f32 $2.000000000e+00, v5  }
0x10c: {  	v12 =	vadd.f32 $1.000000000e+00, v12;
	v17 =	vpop (erf);
	v13 =	vmul.f32 v14, v13;
	v4 =	vsub.f32 $2.000000000e+00, v4  }
0x10d: {  	[tilespmem:s6+$0xFFFFFF90] =	vst v0;
	v17 =	vadd.f32 $1.000000000e+00, v17;
	v16 =	vmul.f32 v9, v16;
	v0 =	vmul.f32 v5, v7  }
0x10e: {  	v7 =	vshll.u32 v8, $0x10;
	v5 =	vsub.f32 $2.000000000e+00, v13;
	v3 =	vmul.f32 v4, v3  }
0x10f: {  	v6 =	vld [tilespmem:s28+$0xFFFFFFA0];
	v18 =	vsub.s32 $0x7EF311C3, v12;
	v4 =	vsub.f32 $2.000000000e+00, v16;
	v0 =	vmul.f32 v2, v0  }
0x110: {  	v8 =	vld [tilespmem:s12+$0xFFFFFFA0];
	v19 =	vsub.s32 $0x7EF311C3, v17;
	v2 =	vmul.f32 v5, v14;
	v3 =	vmul.f32 v7, v3  }
0x111: {  	s7 =	simm.s32 $0x7980;
	v5 =	vld [tilespmem:s28+$0xFFFFFFE0];
	v7 =	vshll.u32 v10, $0x10;
	v4 =	vmul.f32 v4, v9;
	v9 =	vmul.f32 v18, v12  }
0x112: {  	v10 =	vmul.f32 v19, v17;
	[tilespmem:s7+$0x0] =	vst v0;
	v0 =	vshll.u32 v11, $0x10;
	v2 =	vmul.f32 v7, v2;
	v7 =	vld [tilespmem:s12+$0xFFFFFFE0]  }
0x113: {  	[tilespmem:s7+$0x40] =	vst v3;
	v3 =	vld [tilespmem:s16+$0xFFFFFFA0];
	v0 =	vmul.f32 v0, v4;
	v4 =	vsub.f32 $2.000000000e+00, v9  }
0x114: {  	v9 =	vld [tilespmem:s8+$0x10];
	[tilespmem:s6+$0x20] =	vst v2;
	v2 =	vsub.f32 $2.000000000e+00, v10  }
0x115: {  	v14 =	vand.u32 $0xFFFF0000, v6;
	v16 =	vld [tilespmem:s2+$0x10];
	v4 =	vmul.f32 v18, v4  }
0x116: {  	v8 =	vadd.f32 v14, v8;
	v14 =	vld [tilespmem:s11+$0x10];
	v10 =	vmul.f32 v19, v2  }
0x117: {  	[tilespmem:s6+$0x60] =	vst v0;
	v18 =	vld [tilespmem:s11+$0x50];
	v12 =	vmul.f32 v4, v12  }
0x118: {  	v13 =	vshll.u32 v15, $0x10;
	v0 =	vld [tilespmem:s28+$0x70];
	v15 =	vmul.f32 v10, v17  }
0x119: {  	v11 =	vld [tilespmem:s12+$0x70];
	v17 =	vand.u32 $0xFFFF0000, v5;
	v12 =	vsub.f32 $2.000000000e+00, v12  }
0x11a: {  	v2 =	vld [tilespmem:s16+$0x30];
	v7 =	vadd.f32 v17, v7;
	v17 =	vshll.u32 v3, $0x10;
	v15 =	vsub.f32 $2.000000000e+00, v15  }
0x11b: {  	v3 =	vand.u32 $0xFFFF0000, v3;
	v8 =	vadd.f32 v17, v8;
	v4 =	vmul.f32 v12, v4;
	v12 =	vld [tilespmem:s2+$0x50]  }
0x11c: {  	v1 =	vshll.u32 v1, $0x10;
	v3 =	vadd.f32 v3, v7;
	v7 =	vmul.f32 v15, v10  }
0x11d: {  	v8 =	vsub.f32 $0.0e+00, v8;
	v10 =	vand.u32 $0xFFFF0000, v0;
	v4 =	vmul.f32 v13, v4  }
0x11e: {  	v10 =	vadd.f32 v10, v11;
	v1 =	vmul.f32 v1, v7;
	v7 =	vand.u32 $0xFFFF0000, v14  }
0x11f: {  	v11 =	vand.u32 $0xFFFF0000, v2;
	[tilespmem:s7+$0xFFFFFF80] =	vst v4;
	v4 =	vand.u32 $0xFFFF0000, v18;
	v7 =	vadd.f32 v7, v16  }
0x120: {  	v10 =	vadd.f32 v11, v10;
	[tilespmem:s7+$0xFFFFFFC0] =	vst v1;
	v1 =	vshll.u32 v9, $0x10;
	v4 =	vadd.f32 v4, v12  }
0x121: {  	v3 =	vsub.f32 $0.0e+00, v3;
	v9 =	vand.u32 $0xFFFF0000, v9;
	v11 =	vld [tilespmem:s11+$0xFFFFFF90];
	v1 =	vadd.f32 v1, v7  }
0x122: {  	v7 =	vmul.f32 $1.442695020e+00, v8;
	v8 =	vsub.f32 $0.0e+00, v10;
	v10 =	vld [tilespmem:s11+$0xFFFFFFD0];
	v4 =	vadd.f32 v9, v4  }
0x123: {  	v3 =	vmul.f32 $1.442695020e+00, v3;
	v9 =	vld [tilespmem:s2+$0xFFFFFF90];
	v1 =	vsub.f32 $0.0e+00, v1  }
0x124: {  	(erf) = vpow2.f32 v7;
	v7 =	vmul.f32 $1.442695020e+00, v8;
	v8 =	vld [tilespmem:s2+$0xFFFFFFD0];
	v4 =	vsub.f32 $0.0e+00, v4  }
0x125: {  	(erf) = vpow2.f32 v3;
	v3 =	vld [tilespmem:s8+$0xFFFFFF90];
	v1 =	vmul.f32 $1.442695020e+00, v1  }
0x126: {  	(erf) = vpow2.f32 v7;
	v4 =	vmul.f32 $1.442695020e+00, v4  }
0x127: {  	(erf) = vpow2.f32 v1  }
0x128: {  	v1 =	vand.u32 $0xFFFF0000, v11;
	(erf) = vpow2.f32 v4;
	v4 =	vand.u32 $0xFFFF0000, v10  }
0x129: {  	v1 =	vadd.f32 v1, v9;
	v4 =	vadd.f32 v4, v8  }
0x12a: {  	v7 =	vshll.u32 v3, $0x10  }
0x12b: {  	v3 =	vand.u32 $0xFFFF0000, v3;
	v1 =	vadd.f32 v7, v1  }
0x12c: {  	v3 =	vadd.f32 v3, v4  }
0x12d: {  	v1 =	vsub.f32 $0.0e+00, v1;
	v4 =	vpop (erf)  }
0x12e: {  	v3 =	vsub.f32 $0.0e+00, v3;
	v7 =	vpop (erf)  }
0x12f: {  	v1 =	vmul.f32 $1.442695020e+00, v1;
	v8 =	vpop (erf)  }
0x130: {  	v4 =	vadd.f32 $1.000000000e+00, v4;
	v3 =	vmul.f32 $1.442695020e+00, v3;
	v9 =	vpop (erf)  }
0x131: {  	v7 =	vadd.f32 $1.000000000e+00, v7;
	(erf) = vpow2.f32 v1;
	v1 =	vadd.f32 $1.000000000e+00, v9;
	v9 =	vpop (erf)  }
0x132: {  	v12 =	vsub.s32 $0x7EF311C3, v4;
	(erf) = vpow2.f32 v3;
	v3 =	vadd.f32 $1.000000000e+00, v9  }
0x133: {  	v13 =	vmul.f32 v12, v4;
	v15 =	vsub.s32 $0x7EF311C3, v1  }
0x134: {  	v9 =	vsub.s32 $0x7EF311C3, v7;
	v17 =	vmul.f32 v15, v1;
	v19 =	vsub.s32 $0x7EF311C3, v3  }
0x135: {  	v6 =	vshll.u32 v6, $0x10;
	v16 =	vmul.f32 v9, v7;
	v20 =	vmul.f32 v19, v3  }
0x136: {  	v5 =	vshll.u32 v5, $0x10;
	v13 =	vsub.f32 $2.000000000e+00, v13;
	v17 =	vsub.f32 $2.000000000e+00, v17  }
0x137: {  	v14 =	vshll.u32 v14, $0x10;
	v16 =	vsub.f32 $2.000000000e+00, v16;
	v20 =	vsub.f32 $2.000000000e+00, v20  }
0x138: {  	v8 =	vadd.f32 $1.000000000e+00, v8;
	v12 =	vmul.f32 v12, v13;
	v13 =	vmul.f32 v15, v17  }
0x139: {  	v18 =	vshll.u32 v18, $0x10;
	v9 =	vmul.f32 v9, v16;
	v16 =	vmul.f32 v19, v20  }
0x13a: {  	v4 =	vmul.f32 v12, v4;
	v15 =	vsub.s32 $0x7EF311C3, v8;
	v19 =	vpop (erf);
	v1 =	vmul.f32 v13, v1  }
0x13b: {  	v17 =	vmul.f32 v15, v8;
	v19 =	vadd.f32 $1.000000000e+00, v19;
	v3 =	vmul.f32 v16, v3  }
0x13c: {  	s0 =	simm.s32 $0x5280;
	v7 =	vmul.f32 v9, v7;
	v4 =	vsub.f32 $2.000000000e+00, v4;
	v20 =	vpop (erf);
	v1 =	vsub.f32 $2.000000000e+00, v1  }
0x13d: {  	v26 =	vld [tilespmem:s0+$0x0];
	v20 =	vadd.f32 $1.000000000e+00, v20;
	v21 =	vsub.s32 $0x7EF311C3, v19;
	v3 =	vsub.f32 $2.000000000e+00, v3  }
0x13e: {  	s15 =	simm.s32 $0x280;
	v22 =	vld [tilespmem:s12+$0x30];
	v17 =	vsub.f32 $2.000000000e+00, v17;
	v24 =	vmul.f32 v21, v19;
	v13 =	vmul.f32 v1, v13  }
0x13f: {  	v12 =	vmul.f32 v4, v12;
	v4 =	vld [tilespmem:s15+$0x40];
	v23 =	vsub.s32 $0x7EF311C3, v20;
	v3 =	vmul.f32 v3, v16  }
0x140: {  	s1 =	simm.s32 $0x2A80;
	v1 =	vld [tilespmem:s28+$0x30];
	v25 =	vmul.f32 v23, v20;
	v13 =	vmul.f32 v14, v13;
	v14 =	vsub.f32 $2.000000000e+00, v24  }
0x141: {  	v7 =	vsub.f32 $2.000000000e+00, v7;
	v15 =	vmul.f32 v15, v17;
	v16 =	vld [tilespmem:s1+$0x0];
	v18 =	vmul.f32 v18, v3  }
0x142: {  	v24 =	vsub.f32 $2.000000000e+00, v25;
	v25 =	vld [tilespmem:s1+$0x40];
	[tilespmem:s7+$0x10] =	vst v13;
	v13 =	vshll.u32 v2, $0x10;
	v2 =	vmul.f32 v21, v14  }
0x143: {  	v0 =	vshll.u32 v0, $0x10;
	v7 =	vmul.f32 v7, v9;
	v8 =	vmul.f32 v15, v8;
	v3 =	vld [tilespmem:s15+$0x0];
	[tilespmem:s7+$0x50] =	vst v18  }
0x144: {  	v11 =	vshll.u32 v11, $0x10;
	v14 =	vmul.f32 v23, v24;
	v9 =	vld [tilespmem:s8+$0x20];
	v17 =	vmul.f32 v2, v19  }
0x145: {  	v12 =	vmul.f32 v6, v12;
	v5 =	vmul.f32 v5, v7;
	v7 =	vsub.f32 $2.000000000e+00, v8;
	v19 =	vld [tilespmem:s2+$0x20]  }
0x146: {  	v8 =	vld [tilespmem:s11+$0x20];
	v18 =	vmul.f32 v14, v20;
	v20 =	vand.u32 $0xFFFF0000, v1;
	v17 =	vsub.f32 $2.000000000e+00, v17  }
0x147: {  	v21 =	vand.u32 $0xFFFF0000, v4;
	v7 =	vmul.f32 v7, v15;
	v6 =	vld [tilespmem:s11+$0x60];
	v15 =	vadd.f32 v20, v22  }
0x148: {  	v20 =	vld [tilespmem:s2+$0x60];
	v21 =	vadd.f32 v21, v25;
	v17 =	vmul.f32 v17, v2;
	v2 =	vand.u32 $0xFFFF0000, v3  }
0x149: {  	v23 =	vand.u32 $0xFFFF0000, v26;
	v18 =	vsub.f32 $2.000000000e+00, v18;
	v16 =	vadd.f32 v2, v16  }
0x14a: {  	v10 =	vshll.u32 v10, $0x10;
	v22 =	vshll.u32 v26, $0x10;
	v25 =	vld [tilespmem:s1+$0xFFFFFF80];
	v21 =	vadd.f32 v23, v21  }
0x14b: {  	v14 =	vmul.f32 v18, v14;
	v18 =	vld [tilespmem:s15+$0xFFFFFF80];
	v24 =	vand.u32 $0xFFFF0000, v8;
	v16 =	vadd.f32 v22, v16  }
0x14c: {  	v13 =	vadd.f32 v13, v15;
	v2 =	vld [tilespmem:s15+$0xFFFFFFC0];
	v19 =	vadd.f32 v24, v19;
	v22 =	vand.u32 $0xFFFF0000, v6  }
0x14d: {  	v23 =	vshll.u32 v9, $0x10;
	v24 =	vld [tilespmem:s1+$0xFFFFFFC0];
	v20 =	vadd.f32 v22, v20;
	v16 =	vsub.f32 $0.0e+00, v16  }
0x14e: {  	v9 =	vand.u32 $0xFFFF0000, v9;
	v21 =	vsub.f32 $0.0e+00, v21;
	v22 =	vld [tilespmem:s0+$0xFFFFFF80];
	v19 =	vadd.f32 v23, v19  }
0x14f: {  	[tilespmem:s6+$0xFFFFFFA0] =	vst v12;
	v11 =	vmul.f32 v11, v17;
	v9 =	vadd.f32 v9, v20;
	v16 =	vmul.f32 $1.442695020e+00, v16  }
0x150: {  	[tilespmem:s6+$0xFFFFFFE0] =	vst v5;
	v21 =	vmul.f32 $1.442695020e+00, v21;
	v23 =	vand.u32 $0xFFFF0000, v18;
	v19 =	vsub.f32 $0.0e+00, v19  }
0x151: {  	v5 =	vld [tilespmem:s28+$0xFFFFFFF0];
	v12 =	vand.u32 $0xFFFF0000, v2;
	v9 =	vsub.f32 $0.0e+00, v9;
	(erf) = vpow2.f32 v16  }
0x152: {  	v20 =	vadd.f32 v23, v25;
	v23 =	vld [tilespmem:s28+$0xFFFFFFB0];
	v16 =	vmul.f32 $1.442695020e+00, v19;
	(erf) = vpow2.f32 v21  }
0x153: {  	v12 =	vadd.f32 v12, v24;
	v19 =	vshll.u32 v22, $0x10;
	v9 =	vmul.f32 $1.442695020e+00, v9;
	v21 =	vld [tilespmem:s12+$0xFFFFFFB0]  }
0x154: {  	v22 =	vand.u32 $0xFFFF0000, v22;
	v19 =	vadd.f32 v19, v20;
	(erf) = vpow2.f32 v16;
	v16 =	vld [tilespmem:s16+$0xFFFFFFB0]  }
0x155: {  	v10 =	vmul.f32 v10, v14;
	v12 =	vadd.f32 v22, v12;
	(erf) = vpow2.f32 v9;
	v9 =	vld [tilespmem:s12+$0xFFFFFFF0]  }
0x156: {  	v7 =	vmul.f32 v0, v7;
	[tilespmem:s7+$0xFFFFFF90] =	vst v11;
	v17 =	vsub.f32 $0.0e+00, v19  }
0x157: {  	[tilespmem:s7+$0xFFFFFFD0] =	vst v10;
	v10 =	vsub.f32 $0.0e+00, v13;
	v11 =	vsub.f32 $0.0e+00, v12;
	v12 =	vand.u32 $0xFFFF0000, v5  }
0x158: {  	v13 =	vshll.u32 v18, $0x10;
	v14 =	vand.u32 $0xFFFF0000, v23;
	v15 =	vmul.f32 $1.442695020e+00, v17  }
0x159: {  	v10 =	vmul.f32 $1.442695020e+00, v10;
	v17 =	vmul.f32 $1.442695020e+00, v11;
	v14 =	vadd.f32 v14, v21  }
0x15a: {  	v19 =	vshll.u32 v16, $0x10;
	(erf) = vpow2.f32 v15;
	v9 =	vadd.f32 v12, v9;
	v12 =	vpop (erf)  }
0x15b: {  	v18 =	vld [tilespmem:s11+$0xFFFFFFA0];
	v15 =	vand.u32 $0xFFFF0000, v16;
	(erf) = vpow2.f32 v17;
	v12 =	vadd.f32 $1.000000000e+00, v12;
	v16 =	vpop (erf)  }
0x15c: {  	v0 =	vshll.u32 v23, $0x10;
	v11 =	vld [tilespmem:s11+$0xFFFFFFE0];
	(erf) = vpow2.f32 v10;
	v10 =	vadd.f32 $1.000000000e+00, v16  }
0x15d: {  	v14 =	vadd.f32 v19, v14;
	v9 =	vadd.f32 v15, v9;
	v15 =	vld [tilespmem:s2+$0xFFFFFFA0];
	v16 =	vpop (erf);
	v19 =	vsub.s32 $0x7EF311C3, v12  }
0x15e: {  	v17 =	vld [tilespmem:s2+$0xFFFFFFE0];
	v16 =	vadd.f32 $1.000000000e+00, v16;
	v21 =	vpop (erf);
	v22 =	vmul.f32 v19, v12;
	v23 =	vsub.s32 $0x7EF311C3, v10  }
0x15f: {  	v21 =	vadd.f32 $1.000000000e+00, v21;
	v24 =	vmul.f32 v23, v10  }
0x160: {  	v20 =	vand.u32 $0xFFFF0000, v18;
	v26 =	vsub.s32 $0x7EF311C3, v16;
	v22 =	vsub.f32 $2.000000000e+00, v22  }
0x161: {  	v27 =	vmul.f32 v26, v16;
	v28 =	vsub.s32 $0x7EF311C3, v21;
	v24 =	vsub.f32 $2.000000000e+00, v24  }
0x162: {  	v25 =	vand.u32 $0xFFFF0000, v11;
	v15 =	vadd.f32 v20, v15;
	v20 =	vmul.f32 v28, v21  }
0x163: {  	v17 =	vadd.f32 v25, v17;
	v19 =	vmul.f32 v19, v22;
	v25 =	vsub.f32 $2.000000000e+00, v27  }
0x164: {  	v3 =	vshll.u32 v3, $0x10;
	v23 =	vmul.f32 v23, v24;
	v20 =	vsub.f32 $2.000000000e+00, v20;
	v22 =	vpop (erf)  }
0x165: {  	v12 =	vmul.f32 v19, v12;
	v25 =	vmul.f32 v26, v25;
	v22 =	vadd.f32 $1.000000000e+00, v22;
	v24 =	vpop (erf)  }
0x166: {  	v10 =	vmul.f32 v23, v10;
	v20 =	vmul.f32 v28, v20;
	v24 =	vadd.f32 $1.000000000e+00, v24  }
0x167: {  	v12 =	vsub.f32 $2.000000000e+00, v12;
	v16 =	vmul.f32 v25, v16;
	v26 =	vsub.s32 $0x7EF311C3, v22  }
0x168: {  	v10 =	vsub.f32 $2.000000000e+00, v10;
	v21 =	vmul.f32 v20, v21;
	v27 =	vsub.s32 $0x7EF311C3, v24  }
0x169: {  	v57 =	vmul.f32 v26, v22;
	v12 =	vmul.f32 v12, v19;
	v16 =	vsub.f32 $2.000000000e+00, v16  }
0x16a: {  	v29 =	vld [tilespmem:s8+$0xFFFFFFA0];
	v30 =	vmul.f32 v27, v24;
	v10 =	vmul.f32 v10, v23;
	v19 =	vsub.f32 $2.000000000e+00, v21  }
0x16b: {  	v4 =	vshll.u32 v4, $0x10;
	v3 =	vmul.f32 v3, v12;
	v12 =	vmul.f32 v16, v25  }
0x16c: {  	v8 =	vshll.u32 v8, $0x10;
	s12 =	simm.s32 $0x7A80;
	v4 =	vmul.f32 v4, v10;
	v10 =	vmul.f32 v19, v20  }
0x16d: {  	v16 =	vsub.f32 $2.000000000e+00, v57;
	[tilespmem:s12+$0x0] =	vst v3;
	v3 =	vshll.u32 v6, $0x10;
	v6 =	vmul.f32 v8, v12  }
0x16e: {  	v8 =	vsub.f32 $2.000000000e+00, v30;
	[tilespmem:s12+$0x40] =	vst v4;
	v3 =	vmul.f32 v3, v10  }
0x16f: {  	v12 =	vand.u32 $0xFFFF0000, v29;
	v4 =	vshll.u32 v29, $0x10;
	v10 =	vmul.f32 v26, v16;
	[tilespmem:s7+$0x20] =	vst v6  }
0x170: {  	v4 =	vadd.f32 v4, v15;
	v6 =	vsub.f32 $0.0e+00, v14;
	v8 =	vmul.f32 v27, v8;
	[tilespmem:s7+$0x60] =	vst v3  }
0x171: {  	v15 =	vadd.f32 v12, v17;
	v3 =	vsub.f32 $0.0e+00, v9;
	v9 =	vmul.f32 v10, v22;
	v12 =	vld [tilespmem:s11+$0x70]  }
0x172: {  	v4 =	vsub.f32 $0.0e+00, v4;
	v6 =	vmul.f32 $1.442695020e+00, v6;
	v16 =	vmul.f32 v8, v24;
	v17 =	vld [tilespmem:s2+$0x70]  }
0x173: {  	v15 =	vsub.f32 $0.0e+00, v15;
	v19 =	vld [tilespmem:s8+$0x30];
	v3 =	vmul.f32 $1.442695020e+00, v3;
	v9 =	vsub.f32 $2.000000000e+00, v9  }
0x174: {  	v4 =	vmul.f32 $1.442695020e+00, v4;
	(erf) = vpow2.f32 v6;
	v6 =	vsub.f32 $2.000000000e+00, v16;
	v16 =	vld [tilespmem:s1+$0x10]  }
0x175: {  	(erf) = vpow2.f32 v3;
	v3 =	vmul.f32 v9, v10;
	v9 =	vld [tilespmem:s15+$0x10]  }
0x176: {  	v2 =	vshll.u32 v2, $0x10;
	v15 =	vmul.f32 $1.442695020e+00, v15;
	v10 =	vld [tilespmem:s15+$0x50];
	v6 =	vmul.f32 v6, v8  }
0x177: {  	v20 =	vpop (erf);
	(erf) = vpow2.f32 v4;
	v8 =	vand.u32 $0xFFFF0000, v12;
	v3 =	vmul.f32 v13, v3;
	v13 =	vld [tilespmem:s1+$0x50]  }
0x178: {  	v14 =	vld [tilespmem:s0+$0x10];
	v8 =	vadd.f32 v8, v17;
	v6 =	vmul.f32 v2, v6  }
0x179: {  	v4 =	vadd.f32 $1.000000000e+00, v20;
	(erf) = vpow2.f32 v15;
	v15 =	vand.u32 $0xFFFF0000, v19;
	[tilespmem:s12+$0xFFFFFF80] =	vst v3  }
0x17a: {  	v2 =	vshll.u32 v5, $0x10;
	v3 =	vadd.f32 v15, v8;
	[tilespmem:s12+$0xFFFFFFC0] =	vst v6;
	v5 =	vand.u32 $0xFFFF0000, v9  }
0x17b: {  	v15 =	vshll.u32 v18, $0x10;
	v6 =	vand.u32 $0xFFFF0000, v10;
	v18 =	vld [tilespmem:s15+$0xFFFFFF90];
	v5 =	vadd.f32 v5, v16  }
0x17c: {  	v17 =	vsub.s32 $0x7EF311C3, v4;
	v16 =	vld [tilespmem:s15+$0xFFFFFFD0];
	v3 =	vsub.f32 $0.0e+00, v3;
	v6 =	vadd.f32 v6, v13  }
0x17d: {  	v20 =	vshll.u32 v14, $0x10;
	v14 =	vand.u32 $0xFFFF0000, v14;
	v8 =	vmul.f32 v17, v4;
	v21 =	vld [tilespmem:s1+$0xFFFFFF90]  }
0x17e: {  	v24 =	vld [tilespmem:s1+$0xFFFFFFD0];
	v13 =	vpop (erf);
	v20 =	vadd.f32 v20, v5;
	v3 =	vmul.f32 $1.442695020e+00, v3;
	v6 =	vadd.f32 v14, v6  }
0x17f: {  	v22 =	vsub.f32 $2.000000000e+00, v8;
	v23 =	vpop (erf);
	v5 =	vadd.f32 $1.000000000e+00, v13;
	v13 =	vld [tilespmem:s0+$0xFFFFFF90]  }
0x180: {  	v8 =	vshll.u32 v19, $0x10;
	v14 =	vpop (erf);
	v20 =	vsub.f32 $0.0e+00, v20;
	(erf) = vpow2.f32 v3  }
0x181: {  	v14 =	vadd.f32 $1.000000000e+00, v14;
	v3 =	vsub.f32 $0.0e+00, v6;
	v19 =	vand.u32 $0xFFFF0000, v18  }
0x182: {  	v25 =	vand.u32 $0xFFFF0000, v16;
	v20 =	vmul.f32 $1.442695020e+00, v20;
	v19 =	vadd.f32 v19, v21;
	v6 =	vpop (erf)  }
0x183: {  	v3 =	vmul.f32 $1.442695020e+00, v3;
	v21 =	vadd.f32 $1.000000000e+00, v6;
	v6 =	vadd.f32 v25, v24  }
0x184: {  	(erf) = vpow2.f32 v20;
	v24 =	vshll.u32 v13, $0x10;
	v13 =	vand.u32 $0xFFFF0000, v13  }
0x185: {  	(erf) = vpow2.f32 v3;
	v19 =	vadd.f32 v24, v19;
	v13 =	vadd.f32 v13, v6  }
0x186: {  	v20 =	vsub.s32 $0x7EF311C3, v14  }
0x187: {  	v3 =	vmul.f32 v17, v22;
	v17 =	vsub.f32 $0.0e+00, v19;
	v19 =	vsub.f32 $0.0e+00, v13  }
0x188: {  	v25 =	vmul.f32 v20, v14;
	v24 =	vsub.s32 $0x7EF311C3, v21  }
0x189: {  	v6 =	vadd.f32 $1.000000000e+00, v23;
	v26 =	vmul.f32 v24, v21;
	v19 =	vmul.f32 $1.442695020e+00, v19  }
0x18a: {  	v13 =	vshll.u32 v18, $0x10;
	v18 =	vsub.f32 $2.000000000e+00, v25;
	v17 =	vmul.f32 $1.442695020e+00, v17;
	v23 =	vpop (erf)  }
0x18b: {  	v22 =	vsub.f32 $2.000000000e+00, v26;
	v23 =	vadd.f32 $1.000000000e+00, v23  }
0x18c: {  	v27 =	vsub.s32 $0x7EF311C3, v6;
	v18 =	vmul.f32 v20, v18;
	(erf) = vpow2.f32 v17  }
0x18d: {  	v20 =	vmul.f32 v24, v22;
	(erf) = vpow2.f32 v19;
	v17 =	vsub.s32 $0x7EF311C3, v23;
	v19 =	vpop (erf)  }
0x18e: {  	v25 =	vsub.s32 $0x7EF311C3, v5;
	v58 =	vmul.f32 v27, v6;
	v24 =	vmul.f32 v17, v23;
	v26 =	vpop (erf)  }
0x18f: {  	v14 =	vmul.f32 v18, v14;
	v21 =	vmul.f32 v20, v21;
	v26 =	vadd.f32 $1.000000000e+00, v26  }
0x190: {  	v22 =	vmul.f32 v25, v5;
	v19 =	vadd.f32 $1.000000000e+00, v19;
	v24 =	vsub.f32 $2.000000000e+00, v24  }
0x191: {  	v14 =	vsub.f32 $2.000000000e+00, v14;
	v21 =	vsub.f32 $2.000000000e+00, v21;
	v31 =	vsub.s32 $0x7EF311C3, v26  }
0x192: {  	v59 =	vsub.s32 $0x7EF311C3, v19;
	v24 =	vmul.f32 v17, v24;
	v17 =	vmul.f32 v31, v26  }
0x193: {  	v14 =	vmul.f32 v14, v18;
	v60 =	vmul.f32 v59, v19  }
0x194: {  	v20 =	vmul.f32 v21, v20;
	v21 =	vmul.f32 v24, v23;
	v23 =	vsub.f32 $2.000000000e+00, v17  }
0x195: {  	v11 =	vshll.u32 v11, $0x10;
	v18 =	vsub.f32 $2.000000000e+00, v22;
	v22 =	vsub.f32 $2.000000000e+00, v60  }
0x196: {  	v12 =	vshll.u32 v12, $0x10;
	v14 =	vmul.f32 v15, v14;
	v15 =	vsub.f32 $2.000000000e+00, v58  }
0x197: {  	v61 =	vmul.f32 v59, v22;
	v22 =	vmul.f32 v11, v20;
	v21 =	vsub.f32 $2.000000000e+00, v21;
	v17 =	vpop (erf)  }
0x198: {  	[tilespmem:s6+$0x70] =	vst v7;
	v11 =	vmul.f32 v25, v18;
	v20 =	vmul.f32 v31, v23;
	v17 =	vadd.f32 $1.000000000e+00, v17;
	v23 =	vpop (erf)  }
0x199: {  	[tilespmem:s7+$0xFFFFFFA0] =	vst v14;
	v19 =	vmul.f32 v61, v19;
	v18 =	vadd.f32 $1.000000000e+00, v23;
	v23 =	vmul.f32 v21, v24  }
0x19a: {  	v7 =	vld [tilespmem:s11+$0x30];
	v15 =	vmul.f32 v27, v15;
	[tilespmem:s7+$0xFFFFFFE0] =	vst v22;
	v25 =	vmul.f32 v20, v26;
	v21 =	vsub.s32 $0x7EF311C3, v17  }
0x19b: {  	p1 =	por @!p2 $0x1, $0x1;
	v14 =	vld [tilespmem:s11+$0xFFFFFFB0];
	v62 =	vsub.f32 $2.000000000e+00, v19;
	v24 =	vmul.f32 v21, v17;
	v63 =	vmul.f32 v12, v23  }
0x19c: {  	s10 =	simm.s32 $0x4;
	p1 =	por @p3 $0x0, $0x0;
	s19 =	simm.s32 $0x5380;
	v26 =	vsub.f32 $2.000000000e+00, v25;
	v22 =	vsub.s32 $0x7EF311C3, v18;
	v12 =	vshll.u32 v16, $0x10;
	v16 =	vld [tilespmem:s11+$0xFFFFFFF0]  }
0x19d: {  	v1 =	vshll.u32 v1, $0x10;
	s28 =	simm.s32 $0x2A80;
	s16 =	simm.s32 $0x280;
	v19 =	vld [tilespmem:s2+$0x30];
	v25 =	vmul.f32 v62, v61;
	s11 =	simm.s32 $0x7A80;
	v23 =	vmul.f32 v22, v18;
	[tilespmem:s7+$0x70] =	vst v63  }
.LBB2_3:
0x19e: {  	v27 =	vld [tilespmem:s19+$0x0];
	v24 =	vsub.f32 $2.000000000e+00, v24;
	v9 =	vshll.u32 v9, $0x10;
	v20 =	vmul.f32 v26, v20;
	s1 =	sadd.s32 $0x100, s1  }
0x19f: {  	v23 =	vsub.f32 $2.000000000e+00, v23;
	v10 =	vshll.u32 v10, $0x10;
	v26 =	vld [tilespmem:s1+$0x0];
	v25 =	vmul.f32 v9, v25  }
0x1a0: {  	s15 =	sadd.s32 $0x100, s15;
	v28 =	vld [tilespmem:s1+$0x40];
	v21 =	vmul.f32 v21, v24;
	v20 =	vmul.f32 v10, v20;
	v24 =	vand.u32 $0xFFFF0000, v14  }
0x1a1: {  	v5 =	vmul.f32 v11, v5;
	v22 =	vmul.f32 v22, v23;
	v23 =	vand.u32 $0xFFFF0000, v16;
	v9 =	vld [tilespmem:s15+$0x0];
	[tilespmem:s12+$0x10] =	vst v25  }
0x1a2: {  	v6 =	vmul.f32 v15, v6;
	v10 =	vld [tilespmem:s15+$0x40];
	v17 =	vmul.f32 v21, v17;
	[tilespmem:s12+$0x50] =	vst v20;
	v20 =	vand.u32 $0xFFFF0000, v7  }
0x1a3: {  	v18 =	vmul.f32 v22, v18;
	v25 =	vld [tilespmem:s0+$0x20];
	v19 =	vadd.f32 v20, v19;
	v20 =	vmul.f32 v3, v4  }
0x1a4: {  	v30 =	vsub.f32 $2.000000000e+00, v5;
	v4 =	vsub.f32 $2.000000000e+00, v17;
	v29 =	vld [tilespmem:s28+$0x20];
	v17 =	vshll.u32 v14, $0x10  }
0x1a5: {  	v5 =	vshll.u32 v16, $0x10;
	v18 =	vsub.f32 $2.000000000e+00, v18;
	v14 =	vld [tilespmem:s16+$0x20];
	v8 =	vadd.f32 v8, v19  }
0x1a6: {  	v6 =	vsub.f32 $2.000000000e+00, v6;
	v19 =	vsub.f32 $2.000000000e+00, v20;
	v16 =	vmul.f32 v4, v21;
	v4 =	vld [tilespmem:s16+$0x60]  }
0x1a7: {  	v11 =	vmul.f32 v30, v11;
	v18 =	vmul.f32 v18, v22;
	v20 =	vld [tilespmem:s28+$0x60];
	v21 =	vsub.f32 $0.0e+00, v8  }
0x1a8: {  	v6 =	vmul.f32 v6, v15;
	v22 =	vand.u32 $0xFFFF0000, v9;
	v8 =	vld [tilespmem:s15+$0xFFFFFFC0];
	v13 =	vmul.f32 v13, v16  }
0x1a9: {  	v30 =	vshll.u32 v27, $0x10;
	v22 =	vadd.f32 v22, v26;
	v16 =	vand.u32 $0xFFFF0000, v10;
	v15 =	vld [tilespmem:s15+$0xFFFFFF80]  }
0x1aa: {  	v27 =	vand.u32 $0xFFFF0000, v27;
	v16 =	vadd.f32 v16, v28;
	v26 =	vld [tilespmem:s1+$0xFFFFFF80];
	[tilespmem:s12+$0xFFFFFF90] =	vst v13;
	v13 =	vand.u32 $0xFFFF0000, v14  }
0x1ab: {  	v22 =	vadd.f32 v30, v22;
	v28 =	vld [tilespmem:s1+$0xFFFFFFC0];
	v30 =	vand.u32 $0xFFFF0000, v4;
	v13 =	vadd.f32 v13, v29  }
0x1ac: {  	v16 =	vadd.f32 v27, v16;
	v27 =	vshll.u32 v25, $0x10;
	v29 =	vld [tilespmem:s19+$0xFFFFFF80];
	v20 =	vadd.f32 v30, v20  }
0x1ad: {  	v22 =	vsub.f32 $0.0e+00, v22;
	v25 =	vand.u32 $0xFFFF0000, v25;
	v13 =	vadd.f32 v27, v13;
	v27 =	vld [tilespmem:s2+$0xFFFFFFB0]  }
0x1ae: {  	s10 =	sadd.s32 $0x2, s10;
	v16 =	vsub.f32 $0.0e+00, v16;
	v30 =	vand.u32 $0xFFFF0000, v15;
	v20 =	vadd.f32 v25, v20;
	v25 =	vld [tilespmem:s2+$0xFFFFFFF0];
	s2 =	smov.u32 s28;
	s28 =	smov.u32 s1  }
0x1af: {  	p3 =	slt.u32 s10, $0x26;
	v31 =	vand.u32 $0xFFFF0000, v8;
	v22 =	vmul.f32 $1.442695020e+00, v22;
	v13 =	vsub.f32 $0.0e+00, v13;
	v32 =	vld [tilespmem:s8+$0xFFFFFFB0];
	s8 =	smov.u32 s0;
	s0 =	smov.u32 s19  }
0x1b0: {  	v26 =	vadd.f32 v30, v26;
	v16 =	vmul.f32 $1.442695020e+00, v16;
	v20 =	vsub.f32 $0.0e+00, v20  }
0x1b1: {  	v28 =	vadd.f32 v31, v28;
	(erf) = vpow2.f32 v22;
	v13 =	vmul.f32 $1.442695020e+00, v13  }
0x1b2: {  	v22 =	vshll.u32 v29, $0x10;
	(erf) = vpow2.f32 v16;
	v16 =	vmul.f32 $1.442695020e+00, v20  }
0x1b3: {  	v20 =	vand.u32 $0xFFFF0000, v29;
	v22 =	vadd.f32 v22, v26;
	(erf) = vpow2.f32 v13  }
0x1b4: {  	v13 =	vshll.u32 v15, $0x10;
	v15 =	vadd.f32 v20, v28;
	(erf) = vpow2.f32 v16  }
0x1b5: {  	v12 =	vmul.f32 v12, v18;
	v8 =	vshll.u32 v8, $0x10;
	v16 =	vsub.f32 $0.0e+00, v22  }
0x1b6: {  	v20 =	vadd.f32 v24, v27;
	v18 =	vshll.u32 v32, $0x10;
	v15 =	vsub.f32 $0.0e+00, v15  }
0x1b7: {  	v22 =	vadd.f32 v23, v25;
	v16 =	vmul.f32 $1.442695020e+00, v16;
	[tilespmem:s12+$0xFFFFFFD0] =	vst v12;
	v12 =	vand.u32 $0xFFFF0000, v32  }
0x1b8: {  	v18 =	vadd.f32 v18, v20;
	v20 =	vmul.f32 $1.442695020e+00, v21;
	v24 =	vmul.f32 $1.442695020e+00, v15;
	v23 =	vld [tilespmem:s16+$0xFFFFFFA0]  }
0x1b9: {  	v3 =	vmul.f32 v19, v3;
	v21 =	vadd.f32 v12, v22;
	(erf) = vpow2.f32 v16;
	v16 =	vld [tilespmem:s16+$0xFFFFFFE0]  }
0x1ba: {  	v18 =	vsub.f32 $0.0e+00, v18;
	v12 =	vshll.u32 v7, $0x10;
	(erf) = vpow2.f32 v24;
	v15 =	vpop (erf);
	v19 =	vld [tilespmem:s2+$0xFFFFFFA0]  }
0x1bb: {  	v21 =	vsub.f32 $0.0e+00, v21;
	v7 =	vadd.f32 $1.000000000e+00, v15;
	v15 =	vpop (erf);
	v22 =	vld [tilespmem:s2+$0xFFFFFFE0];
	(erf) = vpow2.f32 v20  }
0x1bc: {  	v29 =	vmul.f32 v0, v11;
	v18 =	vmul.f32 $1.442695020e+00, v18;
	v15 =	vadd.f32 $1.000000000e+00, v15;
	v20 =	vld [tilespmem:s8+$0xFFFFFFA0];
	v24 =	vpop (erf)  }
0x1bd: {  	v11 =	vsub.s32 $0x7EF311C3, v7;
	v25 =	vand.u32 $0xFFFF0000, v23;
	v24 =	vadd.f32 $1.000000000e+00, v24;
	v26 =	vpop (erf)  }
0x1be: {  	v0 =	vmovc v17;
	v27 =	vmul.f32 v11, v7;
	v28 =	vsub.s32 $0x7EF311C3, v15;
	v26 =	vadd.f32 $1.000000000e+00, v26;
	[tilespmem:s6+$0xFFFFFFB0] =	vst v29  }
0x1bf: {  	v29 =	vand.u32 $0xFFFF0000, v16;
	v17 =	vmul.f32 v28, v15;
	v30 =	vsub.s32 $0x7EF311C3, v24  }
0x1c0: {  	v33 =	vsub.f32 $2.000000000e+00, v27;
	v31 =	vmul.f32 v30, v24;
	v32 =	vsub.s32 $0x7EF311C3, v26  }
0x1c1: {  	v19 =	vadd.f32 v25, v19;
	v17 =	vsub.f32 $2.000000000e+00, v17;
	v25 =	vmul.f32 v32, v26  }
0x1c2: {  	v22 =	vadd.f32 v29, v22;
	v11 =	vmul.f32 v11, v33;
	v27 =	vpop (erf);
	v29 =	vsub.f32 $2.000000000e+00, v31  }
0x1c3: {  	v27 =	vadd.f32 $1.000000000e+00, v27;
	v17 =	vmul.f32 v28, v17;
	v28 =	vpop (erf);
	v25 =	vsub.f32 $2.000000000e+00, v25  }
0x1c4: {  	v28 =	vadd.f32 $1.000000000e+00, v28;
	v7 =	vmul.f32 v11, v7;
	v29 =	vmul.f32 v30, v29;
	v30 =	vpop (erf)  }
0x1c5: {  	v31 =	vsub.s32 $0x7EF311C3, v27;
	v15 =	vmul.f32 v17, v15;
	v25 =	vmul.f32 v32, v25  }
0x1c6: {  	v32 =	vsub.s32 $0x7EF311C3, v28;
	v7 =	vsub.f32 $2.000000000e+00, v7;
	v24 =	vmul.f32 v29, v24  }
0x1c7: {  	v33 =	vmul.f32 v31, v27;
	v15 =	vsub.f32 $2.000000000e+00, v15;
	v26 =	vmul.f32 v25, v26  }
0x1c8: {  	v34 =	vmul.f32 v32, v28;
	v7 =	vmul.f32 v7, v11;
	v11 =	vsub.f32 $2.000000000e+00, v24  }
0x1c9: {  	v9 =	vshll.u32 v9, $0x10;
	v15 =	vmul.f32 v15, v17;
	v17 =	vsub.f32 $2.000000000e+00, v26  }
0x1ca: {  	v10 =	vshll.u32 v10, $0x10;
	v7 =	vmul.f32 v9, v7;
	v9 =	vmul.f32 v11, v29  }
0x1cb: {  	s12 =	sadd.s32 $0x100, s12;
	v11 =	vshll.u32 v14, $0x10;
	v10 =	vmul.f32 v10, v15;
	v14 =	vmul.f32 v17, v25  }
0x1cc: {  	v4 =	vshll.u32 v4, $0x10;
	v15 =	vsub.f32 $2.000000000e+00, v33;
	[tilespmem:s12+$0x0] =	vst v7;
	v7 =	vmul.f32 v11, v9  }
0x1cd: {  	v9 =	vsub.f32 $2.000000000e+00, v34;
	[tilespmem:s12+$0x40] =	vst v10;
	v10 =	vshll.u32 v20, $0x10;
	v4 =	vmul.f32 v4, v14  }
0x1ce: {  	v15 =	vmul.f32 v31, v15;
	v14 =	vand.u32 $0xFFFF0000, v20;
	v10 =	vadd.f32 v10, v19;
	[tilespmem:s11+$0x20] =	vst v7  }
0x1cf: {  	v11 =	vshll.u32 v23, $0x10;
	v17 =	vmul.f32 v32, v9;
	v9 =	vadd.f32 v14, v22;
	v19 =	vld [tilespmem:s19+$0x10];
	[tilespmem:s11+$0x60] =	vst v4  }
0x1d0: {  	v14 =	vshll.u32 v16, $0x10;
	v4 =	vmul.f32 v15, v27;
	v10 =	vsub.f32 $0.0e+00, v10;
	v7 =	vld [tilespmem:s16+$0x70]  }
0x1d1: {  	v21 =	vmul.f32 $1.442695020e+00, v21;
	v16 =	vmul.f32 v17, v28;
	v9 =	vsub.f32 $0.0e+00, v9;
	v20 =	vld [tilespmem:s2+$0x70]  }
0x1d2: {  	v4 =	vsub.f32 $2.000000000e+00, v4;
	v10 =	vmul.f32 $1.442695020e+00, v10;
	v22 =	vld [tilespmem:s8+$0x30];
	(erf) = vpow2.f32 v18  }
0x1d3: {  	v16 =	vsub.f32 $2.000000000e+00, v16;
	v23 =	vmul.f32 $1.442695020e+00, v9;
	v18 =	vld [tilespmem:s1+$0x10];
	(erf) = vpow2.f32 v21  }
0x1d4: {  	v15 =	vmul.f32 v4, v15;
	v4 =	vadd.f32 $1.000000000e+00, v30;
	v9 =	vld [tilespmem:s15+$0x10];
	(erf) = vpow2.f32 v10  }
0x1d5: {  	v16 =	vmul.f32 v16, v17;
	v10 =	vld [tilespmem:s15+$0x50];
	v17 =	vand.u32 $0xFFFF0000, v7;
	(erf) = vpow2.f32 v23  }
0x1d6: {  	v13 =	vmul.f32 v13, v15;
	v15 =	vld [tilespmem:s1+$0x50];
	v17 =	vadd.f32 v17, v20;
	v20 =	vsub.s32 $0x7EF311C3, v4  }
0x1d7: {  	v16 =	vmul.f32 v8, v16;
	v8 =	vshll.u32 v22, $0x10;
	v21 =	vand.u32 $0xFFFF0000, v22  }
0x1d8: {  	v6 =	vmul.f32 v2, v6;
	[tilespmem:s12+$0xFFFFFF80] =	vst v13;
	v13 =	vadd.f32 v21, v17;
	v21 =	vmul.f32 v20, v4  }
0x1d9: {  	v2 =	vmovc v5;
	v3 =	vmul.f32 v1, v3;
	v1 =	vmov v12;
	[tilespmem:s12+$0xFFFFFFC0] =	vst v16;
	v16 =	vand.u32 $0xFFFF0000, v9  }
0x1da: {  	v12 =	vld [tilespmem:s15+$0xFFFFFF90];
	v5 =	vand.u32 $0xFFFF0000, v10;
	v16 =	vadd.f32 v16, v18;
	v13 =	vsub.f32 $0.0e+00, v13;
	[tilespmem:s6+$0xFFFFFFF0] =	vst v6  }
0x1db: {  	v22 =	vshll.u32 v19, $0x10;
	v6 =	vld [tilespmem:s15+$0xFFFFFFD0];
	v5 =	vadd.f32 v5, v15;
	v15 =	vsub.f32 $2.000000000e+00, v21;
	v17 =	vpop (erf);
	[tilespmem:s6+$0x30] =	vst v3;
	s6 =	smov.u32 s7;
	s7 =	smov.u32 s11;
	s11 =	smov.u32 s12  }
0x1dc: {  	v3 =	vand.u32 $0xFFFF0000, v19;
	v21 =	vld [tilespmem:s1+$0xFFFFFF90];
	v16 =	vadd.f32 v22, v16;
	v13 =	vmul.f32 $1.442695020e+00, v13;
	v18 =	vpop (erf)  }
0x1dd: {  	v19 =	vld [tilespmem:s1+$0xFFFFFFD0];
	v22 =	vadd.f32 v3, v5;
	v23 =	vpop (erf);
	v5 =	vadd.f32 $1.000000000e+00, v17;
	v3 =	vmul.f32 v20, v15  }
0x1de: {  	v15 =	vld [tilespmem:s19+$0xFFFFFF90];
	v16 =	vsub.f32 $0.0e+00, v16;
	v17 =	vadd.f32 $1.000000000e+00, v23;
	v20 =	vpop (erf);
	(erf) = vpow2.f32 v13  }
0x1df: {  	v13 =	vshll.u32 v12, $0x10;
	v23 =	vand.u32 $0xFFFF0000, v12;
	v22 =	vsub.f32 $0.0e+00, v22  }
0x1e0: {  	v12 =	vshll.u32 v6, $0x10;
	v6 =	vand.u32 $0xFFFF0000, v6;
	v16 =	vmul.f32 $1.442695020e+00, v16  }
0x1e1: {  	v20 =	vadd.f32 $1.000000000e+00, v20;
	v21 =	vadd.f32 v23, v21;
	v22 =	vmul.f32 $1.442695020e+00, v22  }
0x1e2: {  	v6 =	vadd.f32 v6, v19;
	(erf) = vpow2.f32 v16;
	v16 =	vsub.s32 $0x7EF311C3, v17  }
0x1e3: {  	v19 =	vshll.u32 v15, $0x10;
	v15 =	vand.u32 $0xFFFF0000, v15;
	(erf) = vpow2.f32 v22  }
0x1e4: {  	v19 =	vadd.f32 v19, v21;
	v15 =	vadd.f32 v15, v6;
	v21 =	vsub.s32 $0x7EF311C3, v20  }
0x1e5: {  	v22 =	vmul.f32 v16, v17;
	v6 =	vadd.f32 $1.000000000e+00, v18;
	v23 =	vmul.f32 v21, v20  }
0x1e6: {  	v18 =	vsub.f32 $0.0e+00, v19;
	v15 =	vsub.f32 $0.0e+00, v15;
	v19 =	vsub.s32 $0x7EF311C3, v5  }
0x1e7: {  	v22 =	vsub.f32 $2.000000000e+00, v22;
	v27 =	vsub.s32 $0x7EF311C3, v6;
	v23 =	vsub.f32 $2.000000000e+00, v23;
	v24 =	vpop (erf)  }
0x1e8: {  	v18 =	vmul.f32 $1.442695020e+00, v18;
	v25 =	vmul.f32 $1.442695020e+00, v15;
	v24 =	vadd.f32 $1.000000000e+00, v24  }
0x1e9: {  	v16 =	vmul.f32 v16, v22;
	v21 =	vmul.f32 v21, v23  }
0x1ea: {  	v22 =	vmul.f32 v19, v5;
	(erf) = vpow2.f32 v18;
	v18 =	vsub.s32 $0x7EF311C3, v24  }
0x1eb: {  	(erf) = vpow2.f32 v25;
	v15 =	vpop (erf);
	v23 =	vmul.f32 v18, v24  }
0x1ec: {  	v17 =	vmul.f32 v16, v17;
	v20 =	vmul.f32 v21, v20;
	v15 =	vadd.f32 $1.000000000e+00, v15;
	v25 =	vpop (erf)  }
0x1ed: {  	v26 =	vmul.f32 v27, v6;
	v25 =	vadd.f32 $1.000000000e+00, v25;
	v23 =	vsub.f32 $2.000000000e+00, v23  }
0x1ee: {  	v17 =	vsub.f32 $2.000000000e+00, v17;
	v20 =	vsub.f32 $2.000000000e+00, v20;
	v28 =	vsub.s32 $0x7EF311C3, v15  }
0x1ef: {  	v29 =	vmul.f32 v28, v15;
	v30 =	vsub.s32 $0x7EF311C3, v25;
	v23 =	vmul.f32 v18, v23  }
0x1f0: {  	v22 =	vsub.f32 $2.000000000e+00, v22;
	v31 =	vmul.f32 v17, v16;
	v18 =	vmul.f32 v30, v25  }
0x1f1: {  	v20 =	vmul.f32 v20, v21;
	v17 =	vsub.f32 $2.000000000e+00, v29;
	v21 =	vmul.f32 v23, v24  }
0x1f2: {  	v11 =	vmul.f32 v11, v31;
	v29 =	vsub.f32 $2.000000000e+00, v26;
	v18 =	vsub.f32 $2.000000000e+00, v18  }
0x1f3: {  	v14 =	vmul.f32 v14, v20;
	v28 =	vmul.f32 v28, v17;
	v16 =	vpop (erf);
	v21 =	vsub.f32 $2.000000000e+00, v21  }
0x1f4: {  	v17 =	vadd.f32 $1.000000000e+00, v16;
	v20 =	vmul.f32 v30, v18;
	v16 =	vpop (erf);
	[tilespmem:s7+$0xFFFFFFA0] =	vst v11;
	v11 =	vmul.f32 v19, v22  }
.Ltmp0:
0x1f5: {  	v18 =	vadd.f32 $1.000000000e+00, v16;
	v15 =	vmul.f32 v28, v15;
	[tilespmem:s7+$0xFFFFFFE0] =	vst v14;
	v19 =	vmul.f32 v21, v23;
	(pc) =	sbr.rel @p3 .LBB2_3-.Ltmp0, $4  }
0x1f6: {  	v7 =	vshll.u32 v7, $0x10;
	v21 =	vsub.s32 $0x7EF311C3, v17;
	v25 =	vmul.f32 v20, v25;
	v14 =	vld [tilespmem:s16+$0xFFFFFFB0]  }
0x1f7: {  	v22 =	vsub.s32 $0x7EF311C3, v18;
	v15 =	vsub.f32 $2.000000000e+00, v15;
	v16 =	vld [tilespmem:s16+$0xFFFFFFF0];
	v30 =	vmul.f32 v7, v19  }
0x1f8: {  	v24 =	vmul.f32 v21, v17;
	v23 =	vmul.f32 v22, v18;
	v26 =	vsub.f32 $2.000000000e+00, v25;
	v19 =	vld [tilespmem:s2+$0x30]  }
0x1f9: {  	s19 =	sadd.s32 $0x100, s19;
	v25 =	vmul.f32 v15, v28;
	v7 =	vld [tilespmem:s16+$0x30];
	[tilespmem:s7+$0x70] =	vst v30;
	v15 =	vmul.f32 v27, v29;
	s16 =	smov.u32 s15  }
0x1fa: {  	v9 =	vshll.u32 v9, $0x10;
	v20 =	vmul.f32 v26, v20  }
0x1fb: {  	v10 =	vshll.u32 v10, $0x10;
	v9 =	vmul.f32 v9, v25  }
0x1fc: {  	v24 =	vsub.f32 $2.000000000e+00, v24;
	v10 =	vmul.f32 v10, v20  }
0x1fd: {  	v20 =	vsub.f32 $2.000000000e+00, v23;
	[tilespmem:s12+$0x10] =	vst v9  }
0x1fe: {  	v9 =	vmul.f32 v21, v24;
	[tilespmem:s12+$0x50] =	vst v10  }
0x1ff: {  	v10 =	vmul.f32 v22, v20;
	v20 =	vld [tilespmem:s0+$0x20]  }
0x200: {  	v17 =	vmul.f32 v9, v17;
	v21 =	vld [tilespmem:s28+$0x20]  }
0x201: {  	v22 =	vld [tilespmem:s16+$0x20];
	v18 =	vmul.f32 v10, v18  }
0x202: {  	v23 =	vld [tilespmem:s16+$0x60];
	v17 =	vsub.f32 $2.000000000e+00, v17  }
0x203: {  	v24 =	vld [tilespmem:s28+$0x60];
	v18 =	vsub.f32 $2.000000000e+00, v18  }
0x204: {  	v9 =	vmul.f32 v17, v9  }
0x205: {  	v10 =	vmul.f32 v18, v10  }
0x206: {  	v9 =	vmul.f32 v13, v9;
	v13 =	vand.u32 $0xFFFF0000, v22  }
0x207: {  	v17 =	vand.u32 $0xFFFF0000, v23;
	v18 =	vld [tilespmem:s2+$0xFFFFFFB0];
	v13 =	vadd.f32 v13, v21;
	v10 =	vmul.f32 v12, v10  }
0x208: {  	v12 =	vadd.f32 v17, v24;
	v17 =	vld [tilespmem:s2+$0xFFFFFFF0];
	[tilespmem:s12+$0xFFFFFF90] =	vst v9;
	v9 =	vshll.u32 v20, $0x10  }
0x209: {  	v20 =	vand.u32 $0xFFFF0000, v20;
	v9 =	vadd.f32 v9, v13;
	v13 =	vld [tilespmem:s8+$0xFFFFFFB0];
	[tilespmem:s12+$0xFFFFFFD0] =	vst v10  }
0x20a: {  	v10 =	vand.u32 $0xFFFF0000, v7;
	v12 =	vadd.f32 v20, v12;
	v20 =	vld [tilespmem:s16+$0xFFFFFFA0]  }
0x20b: {  	v10 =	vadd.f32 v10, v19;
	v19 =	vld [tilespmem:s16+$0xFFFFFFE0];
	v9 =	vsub.f32 $0.0e+00, v9  }
0x20c: {  	v21 =	vld [tilespmem:s28+$0xFFFFFFA0];
	v12 =	vsub.f32 $0.0e+00, v12  }
0x20d: {  	v25 =	vld [tilespmem:s0+$0xFFFFFFA0];
	v9 =	vmul.f32 $1.442695020e+00, v9  }
0x20e: {  	v8 =	vadd.f32 v8, v10;
	v10 =	vld [tilespmem:s28+$0xFFFFFFE0];
	v12 =	vmul.f32 $1.442695020e+00, v12  }
0x20f: {  	v26 =	vand.u32 $0xFFFF0000, v16;
	v24 =	vand.u32 $0xFFFF0000, v14;
	(erf) = vpow2.f32 v9  }
0x210: {  	v17 =	vadd.f32 v26, v17;
	(erf) = vpow2.f32 v12;
	v12 =	vadd.f32 v24, v18  }
0x211: {  	v8 =	vsub.f32 $0.0e+00, v8;
	v9 =	vshll.u32 v13, $0x10;
	v18 =	vand.u32 $0xFFFF0000, v20  }
0x212: {  	v18 =	vadd.f32 v18, v21;
	v9 =	vadd.f32 v9, v12;
	v12 =	vand.u32 $0xFFFF0000, v19  }
0x213: {  	v13 =	vand.u32 $0xFFFF0000, v13;
	v10 =	vadd.f32 v12, v10;
	v12 =	vshll.u32 v25, $0x10  }
0x214: {  	v13 =	vadd.f32 v13, v17;
	v17 =	vand.u32 $0xFFFF0000, v25;
	v12 =	vadd.f32 v12, v18  }
0x215: {  	v8 =	vmul.f32 $1.442695020e+00, v8;
	v9 =	vsub.f32 $0.0e+00, v9;
	v10 =	vadd.f32 v17, v10  }
0x216: {  	v13 =	vsub.f32 $0.0e+00, v13;
	v12 =	vsub.f32 $0.0e+00, v12  }
0x217: {  	(erf) = vpow2.f32 v8;
	v9 =	vmul.f32 $1.442695020e+00, v9;
	v8 =	vsub.f32 $0.0e+00, v10  }
0x218: {  	v10 =	vmul.f32 $1.442695020e+00, v13;
	v12 =	vmul.f32 $1.442695020e+00, v12  }
0x219: {  	(erf) = vpow2.f32 v9;
	v8 =	vmul.f32 $1.442695020e+00, v8  }
0x21a: {  	(erf) = vpow2.f32 v10  }
0x21b: {  	(erf) = vpow2.f32 v12  }
0x21c: {  	(erf) = vpow2.f32 v8  }
0x21d: {  	v8 =	vpop (erf)  }
0x21e: {  	v8 =	vadd.f32 $1.000000000e+00, v8;
	v9 =	vpop (erf)  }
0x21f: {  	v9 =	vadd.f32 $1.000000000e+00, v9  }
0x220: {  	v10 =	vsub.s32 $0x7EF311C3, v8  }
0x221: {  	v12 =	vpop (erf);
	v13 =	vmul.f32 v10, v8;
	v17 =	vsub.s32 $0x7EF311C3, v9  }
0x222: {  	v18 =	vpop (erf);
	v21 =	vmul.f32 v17, v9  }
0x223: {  	v24 =	vpop (erf);
	v13 =	vsub.f32 $2.000000000e+00, v13  }
0x224: {  	v25 =	vpop (erf);
	v21 =	vsub.f32 $2.000000000e+00, v21  }
0x225: {  	v25 =	vadd.f32 $1.000000000e+00, v25;
	v26 =	vpop (erf);
	v10 =	vmul.f32 v10, v13  }
0x226: {  	v13 =	vadd.f32 $1.000000000e+00, v26;
	v17 =	vmul.f32 v17, v21  }
0x227: {  	v21 =	vsub.s32 $0x7EF311C3, v25;
	v8 =	vmul.f32 v10, v8  }
0x228: {  	v26 =	vsub.s32 $0x7EF311C3, v13;
	v27 =	vmul.f32 v21, v25;
	v9 =	vmul.f32 v17, v9  }
0x229: {  	v28 =	vmul.f32 v26, v13;
	v8 =	vsub.f32 $2.000000000e+00, v8  }
0x22a: {  	v27 =	vsub.f32 $2.000000000e+00, v27;
	v9 =	vsub.f32 $2.000000000e+00, v9  }
0x22b: {  	v28 =	vsub.f32 $2.000000000e+00, v28;
	v8 =	vmul.f32 v8, v10  }
0x22c: {  	v10 =	vmul.f32 v21, v27;
	v21 =	vshll.u32 v22, $0x10;
	v9 =	vmul.f32 v9, v17  }
0x22d: {  	v22 =	vshll.u32 v23, $0x10;
	v17 =	vmul.f32 v26, v28;
	v8 =	vmul.f32 v21, v8  }
0x22e: {  	v21 =	vmul.f32 v10, v25;
	v9 =	vmul.f32 v22, v9  }
0x22f: {  	v13 =	vmul.f32 v17, v13;
	[tilespmem:s11+$0x20] =	vst v8  }
0x230: {  	v8 =	vsub.f32 $2.000000000e+00, v21;
	[tilespmem:s11+$0x60] =	vst v9  }
0x231: {  	v9 =	vsub.f32 $2.000000000e+00, v13;
	v13 =	vld [tilespmem:s16+$0x70]  }
0x232: {  	v8 =	vmul.f32 v8, v10;
	v10 =	vshll.u32 v20, $0x10;
	v20 =	vld [tilespmem:s28+$0x70]  }
0x233: {  	v9 =	vmul.f32 v9, v17;
	v17 =	vshll.u32 v19, $0x10;
	v19 =	vld [tilespmem:s0+$0x30]  }
0x234: {  	v8 =	vmul.f32 v10, v8  }
0x235: {  	v9 =	vmul.f32 v17, v9  }
0x236: {  	[tilespmem:s11+$0xFFFFFFA0] =	vst v8;
	v8 =	vand.u32 $0xFFFF0000, v13  }
0x237: {  	[tilespmem:s11+$0xFFFFFFE0] =	vst v9;
	v8 =	vadd.f32 v8, v20  }
0x238: {  	v9 =	vld [tilespmem:s16+$0xFFFFFFB0];
	v10 =	vand.u32 $0xFFFF0000, v19  }
0x239: {  	v17 =	vld [tilespmem:s16+$0xFFFFFFF0];
	v8 =	vadd.f32 v10, v8  }
0x23a: {  	v20 =	vld [tilespmem:s16+$0x30]  }
0x23b: {  	v21 =	vld [tilespmem:s28+$0xFFFFFFB0];
	v8 =	vsub.f32 $0.0e+00, v8  }
0x23c: {  	v10 =	vld [tilespmem:s28+$0x30]  }
0x23d: {  	v22 =	vld [tilespmem:s28+$0xFFFFFFF0];
	v8 =	vmul.f32 $1.442695020e+00, v8  }
0x23e: {  	v23 =	vld [tilespmem:s0+$0xFFFFFFB0]  }
0x23f: {  	v5 =	vmul.f32 v11, v5;
	(erf) = vpow2.f32 v8  }
0x240: {  	v6 =	vmul.f32 v15, v6;
	v8 =	vand.u32 $0xFFFF0000, v20  }
0x241: {  	v5 =	vsub.f32 $2.000000000e+00, v5;
	v25 =	vand.u32 $0xFFFF0000, v9;
	v8 =	vadd.f32 v8, v10  }
0x242: {  	v21 =	vadd.f32 v25, v21;
	v10 =	vshll.u32 v19, $0x10;
	v19 =	vand.u32 $0xFFFF0000, v17  }
0x243: {  	v19 =	vadd.f32 v19, v22;
	v8 =	vadd.f32 v10, v8;
	v10 =	vshll.u32 v23, $0x10  }
0x244: {  	v6 =	vsub.f32 $2.000000000e+00, v6;
	v22 =	vand.u32 $0xFFFF0000, v23;
	v10 =	vadd.f32 v10, v21  }
0x245: {  	v4 =	vmul.f32 v3, v4;
	v19 =	vadd.f32 v22, v19;
	v8 =	vsub.f32 $0.0e+00, v8  }
0x246: {  	v5 =	vmul.f32 v5, v11;
	v11 =	vadd.f32 $1.000000000e+00, v12;
	v10 =	vsub.f32 $0.0e+00, v10  }
0x247: {  	v6 =	vmul.f32 v6, v15;
	v19 =	vsub.f32 $0.0e+00, v19;
	v8 =	vmul.f32 $1.442695020e+00, v8  }
0x248: {  	v0 =	vmul.f32 v0, v5;
	v15 =	vsub.s32 $0x7EF311C3, v11;
	v10 =	vmul.f32 $1.442695020e+00, v10;
	v21 =	vpop (erf)  }
0x249: {  	(erf) = vpow2.f32 v8;
	v8 =	vmul.f32 $1.442695020e+00, v19;
	v19 =	vadd.f32 $1.000000000e+00, v21  }
0x24a: {  	v5 =	vmul.f32 v15, v11;
	(erf) = vpow2.f32 v10  }
0x24b: {  	v4 =	vsub.f32 $2.000000000e+00, v4;
	(erf) = vpow2.f32 v8;
	v8 =	vsub.s32 $0x7EF311C3, v19  }
0x24c: {  	v5 =	vsub.f32 $2.000000000e+00, v5;
	v12 =	vmul.f32 v8, v19  }
0x24d: {  	v3 =	vmul.f32 v4, v3;
	v10 =	vshll.u32 v16, $0x10;
	v16 =	vadd.f32 $1.000000000e+00, v24  }
0x24e: {  	v4 =	vadd.f32 $1.000000000e+00, v18;
	v5 =	vmul.f32 v15, v5;
	v12 =	vsub.f32 $2.000000000e+00, v12  }
0x24f: {  	v2 =	vmul.f32 v2, v6;
	v21 =	vsub.s32 $0x7EF311C3, v16  }
0x250: {  	v18 =	vsub.s32 $0x7EF311C3, v4;
	v11 =	vmul.f32 v5, v11;
	v6 =	vmul.f32 v21, v16  }
0x251: {  	v22 =	vmul.f32 v18, v4;
	v8 =	vmul.f32 v8, v12  }
0x252: {  	v1 =	vmul.f32 v1, v3;
	v12 =	vpop (erf)  }
0x253: {  	[tilespmem:s6+$0xFFFFFFB0] =	vst v0;
	v0 =	vsub.f32 $2.000000000e+00, v11;
	v22 =	vsub.f32 $2.000000000e+00, v22;
	v19 =	vmul.f32 v8, v19;
	v23 =	vpop (erf)  }
0x254: {  	v7 =	vshll.u32 v7, $0x10;
	v3 =	vsub.f32 $2.000000000e+00, v6;
	v6 =	vpop (erf);
	v23 =	vadd.f32 $1.000000000e+00, v23  }
0x255: {  	v0 =	vmul.f32 v0, v5;
	v15 =	vsub.f32 $2.000000000e+00, v19;
	v6 =	vadd.f32 $1.000000000e+00, v6  }
0x256: {  	v18 =	vmul.f32 v18, v22;
	v12 =	vadd.f32 $1.000000000e+00, v12;
	v19 =	vsub.s32 $0x7EF311C3, v23  }
0x257: {  	v8 =	vmul.f32 v15, v8;
	v15 =	vsub.s32 $0x7EF311C3, v6;
	v22 =	vmul.f32 v19, v23  }
0x258: {  	v13 =	vshll.u32 v13, $0x10;
	v24 =	vsub.s32 $0x7EF311C3, v12;
	v25 =	vmul.f32 v15, v6  }
0x259: {  	v3 =	vmul.f32 v21, v3;
	v21 =	vmul.f32 v24, v12;
	v22 =	vsub.f32 $2.000000000e+00, v22  }
0x25a: {  	v4 =	vmul.f32 v18, v4;
	v8 =	vmul.f32 v13, v8;
	v13 =	vsub.f32 $2.000000000e+00, v25  }
0x25b: {  	v16 =	vmul.f32 v3, v16;
	v21 =	vsub.f32 $2.000000000e+00, v21;
	v19 =	vmul.f32 v19, v22  }
0x25c: {  	v0 =	vmul.f32 v7, v0;
	v4 =	vsub.f32 $2.000000000e+00, v4;
	v13 =	vmul.f32 v15, v13  }
0x25d: {  	v15 =	vsub.f32 $2.000000000e+00, v16;
	v16 =	vmul.f32 v24, v21;
	v21 =	vmul.f32 v19, v23  }
0x25e: {  	v14 =	vshll.u32 v14, $0x10;
	v4 =	vmul.f32 v4, v18;
	v6 =	vmul.f32 v13, v6  }
0x25f: {  	[tilespmem:s6+$0xFFFFFFF0] =	vst v2;
	v2 =	vmul.f32 v15, v3;
	v3 =	vmul.f32 v16, v12;
	v11 =	vsub.f32 $2.000000000e+00, v21  }
0x260: {  	[tilespmem:s6+$0x30] =	vst v1;
	v1 =	vmul.f32 v14, v4;
	v4 =	vsub.f32 $2.000000000e+00, v6  }
0x261: {  	[tilespmem:s7+$0x30] =	vst v0;
	v2 =	vmul.f32 v10, v2;
	v3 =	vsub.f32 $2.000000000e+00, v3;
	v5 =	vmul.f32 v11, v19  }
0x262: {  	[tilespmem:s7+$0xFFFFFFB0] =	vst v1;
	v6 =	vshll.u32 v9, $0x10;
	v1 =	vmul.f32 v4, v13  }
0x263: {  	v4 =	vshll.u32 v17, $0x10;
	[tilespmem:s7+$0xFFFFFFF0] =	vst v2;
	v2 =	vmul.f32 v3, v16;
	v3 =	vmul.f32 v6, v5  }
0x264: {  	[tilespmem:s11+$0x70] =	vst v8;
	v5 =	vshll.u32 v20, $0x10;
	v0 =	vmul.f32 v4, v1  }
0x265: {  	s10 =	sshll.u32 s3, $0x8;
	v1 =	vmul.f32 v5, v2;
	[tilespmem:s11+$0xFFFFFFB0] =	vst v3  }
0x266: {  	s0 =	sand.u32 $0x100, s10;
	[tilespmem:s11+$0xFFFFFFF0] =	vst v0  }
0x267: {  	s1 =	simm.s32 $0x7800;
	s0 =	sor.u32 $0xA200, s0;
	[tilespmem:s11+$0x30] =	vst v1  }
0x268: {  	[spmem:s17] =	stream.indirect.scatter.add.f32 [tilespmem:s1], [sflag:$0x7], $0x80, s0, s13, $0xb8;
	[tilespmem:$0x1DC80] =	vst v63  }
0x269: {  	s0 =	simm.s32 @!p1 $0x9  }
0x26a: {  	_ =	swait.ge @!p1 [sflag:s0], $0x28  }
0x26b: {  	[sflag:s0] =	ssyncset.done @!p1 $0x0  }
0x26c: {  	[sflag:s0] =	ssyncadd.s32 @!p1 $0xFFFFFFD8  }
0x26d: {  	s1 =	sadd.s32 @!p1 $0x2, s5;
	_ =	swait.ge @!p1 [sflag:s0], $0x28  }
0x26e: {  	s2 =	sshll.u32 @!p1 s1, $0x7;
	[sflag:s0] =	ssyncset.done @!p1 $0x0  }
0x26f: {  	s7 =	simm.s32 @!p1 $0x0;
	s2 =	sand.u32 @!p1 $0x100, s2;
	[sflag:s0] =	ssyncadd.s32 @!p1 $0xFFFFFFD8  }
0x270: {  	s6 =	sor.u32 @!p1 $0xA000, s2;
	s0 =	simm.s32 @!p1 $0x28;
	s8 =	rddreg [dreg:$0x0]  }
0x271: {  	[tilespmem:s7], [sflag:$0x1] =	stream.indirect.gather @!p1 [hbm4b:s8+s0], $0x80, s6, s0, $0xb8;
	[tilespmem:$0x1DC80] =	vst v63  }
0x272: {  	s1 =	smul.u32 @!p1 $0x28, s1;
	s2 =	sor.u32 @!p1 $0xA200, s2;
	s6 =	simm.s32 @!p1 $0x2800  }
0x273: {  	[tilespmem:s6], [sflag:$0x3] =	stream.indirect.gather @!p1 [hbm4b:s22+s0], $0x80, s2, s0, $0xb8;
	[tilespmem:$0x1DC80] =	vst v63  }
0x274: {  	s0 =	sadd.s32 @!p1 s21, s1  }
0x275: {  	s0 =	sshll.u32 @!p1 s0, $0x4  }
0x276: {  	s1 =	simm.s32 @!p1 $0x5000;
	s0 =	sadd.s32 @!p1 s23, s0  }
0x277: {  	[tilespmem:s1], [sflag:$0x5] =	stream.linear.gather @!p1 [hbm4b:s0+s7], $0x1400, $0x38;
	[tilespmem:$0x1DC80] =	vst v63  }
0x278: {  	_ =	swait.ge [sflag:s29], $0x1400  }
0x279: {  	[sflag:s29] =	ssyncset.done $0x0  }
0x27a: {  	[sflag:s29] =	ssyncadd.s32 $0xFFFFEC00  }
0x27b: {  	_ =	swait.ge [sflag:s30], $0x1400  }
0x27c: {  	[sflag:s30] =	ssyncset.done $0x0  }
0x27d: {  	[sflag:s30] =	ssyncadd.s32 $0xFFFFEC00  }
0x27e: {  	s0 =	sadd.s32 @!p1 $0x3, s5;
	_ =	swait.ge [sflag:s31], $0x1400  }
0x27f: {  	s1 =	smul.u32 @!p1 $0x28, s0;
	[sflag:s31] =	ssyncset.done $0x0  }
0x280: {  	s2 =	simm.s32 @!p2 $0x8;
	[sflag:s31] =	ssyncadd.s32 $0xFFFFEC00  }
0x281: {  	s0 =	sshll.u32 @!p1 s0, $0x7;
	s1 =	sadd.s32 @!p1 s21, s1;
	_ =	swait.ge @!p2 [sflag:s2], $0x1400  }
0x282: {  	s0 =	sand.u32 @!p1 $0x180, s0;
	s1 =	sshrl.u32 @!p1 s1, $0x3;
	[sflag:s2] =	ssyncset.done @!p2 $0x0  }
0x283: {  	s5 =	sadd.s32 @!p1 s24, s1;
	[sflag:s2] =	ssyncadd.s32 @!p2 $0xFFFFEC00;
	s2 =	sor.u32 @!p1 $0xA000, s0  }
0x284: {  	[tilespmem:s2], [sflag:$0xA] =	stream.linear.gather @!p1 [hbm4b:s5+s7], $0x28, $0x38;
	[tilespmem:$0x1DC80] =	vst v63  }
0x285: {  	s15 =	simm.s32 $0x6480;
	s1 =	sadd.s32 @!p1 s25, s1;
	s0 =	sor.u32 @!p1 $0xA200, s0  }
0x286: {  	[tilespmem:s0], [sflag:$0xA] =	stream.linear.gather @!p1 [hbm4b:s1+s7], $0x28, $0x38;
	[tilespmem:$0x1DC80] =	vst v63  }
0x287: {  	s11 =	simm.s32 $0x3C80;
	v0 =	vld [tilespmem:s15+$0x0]  }
0x288: {  	s19 =	simm.s32 $0x1480;
	v1 =	vld [tilespmem:s11+$0x0]  }
0x289: {  	v2 =	vld [tilespmem:s19+$0x0]  }
0x28a: {  	v3 =	vld [tilespmem:s19+$0x40]  }
0x28b: {  	v4 =	vld [tilespmem:s11+$0x40];
	_ =	sdelay $0x2  }
0x28c: {  	v5 =	vand.u32 $0xFFFF0000, v2  }
0x28d: {  	v6 =	vand.u32 $0xFFFF0000, v3;
	v1 =	vadd.f32 v5, v1  }
0x28e: {  	v5 =	vshll.u32 v0, $0x10;
	v4 =	vadd.f32 v6, v4  }
0x28f: {  	v0 =	vand.u32 $0xFFFF0000, v0;
	v1 =	vadd.f32 v5, v1  }
0x290: {  	v0 =	vadd.f32 v0, v4  }
0x291: {  	v1 =	vsub.f32 $0.0e+00, v1  }
0x292: {  	v0 =	vsub.f32 $0.0e+00, v0  }
0x293: {  	v1 =	vmul.f32 $1.442695020e+00, v1  }
0x294: {  	v0 =	vmul.f32 $1.442695020e+00, v0  }
0x295: {  	(erf) = vpow2.f32 v1  }
0x296: {  	(erf) = vpow2.f32 v0;
	_ =	sdelay $0x5  }
0x297: {  	v8 =	vld [tilespmem:s15+$0xFFFFFF80]  }
0x298: {  	v4 =	vld [tilespmem:s11+$0xFFFFFF80]  }
0x299: {  	v1 =	vld [tilespmem:s19+$0xFFFFFF80];
	v5 =	vpop (erf)  }
0x29a: {  	v0 =	vld [tilespmem:s19+$0xFFFFFFC0];
	v5 =	vadd.f32 $1.000000000e+00, v5;
	v7 =	vpop (erf)  }
0x29b: {  	v6 =	vld [tilespmem:s11+$0xFFFFFFC0];
	v7 =	vadd.f32 $1.000000000e+00, v7  }
0x29c: {  	v9 =	vsub.s32 $0x7EF311C3, v5  }
0x29d: {  	v10 =	vmul.f32 v9, v5;
	v11 =	vsub.s32 $0x7EF311C3, v7  }
0x29e: {  	v12 =	vand.u32 $0xFFFF0000, v1;
	v13 =	vmul.f32 v11, v7  }
0x29f: {  	v14 =	vand.u32 $0xFFFF0000, v0;
	v4 =	vadd.f32 v12, v4;
	v10 =	vsub.f32 $2.000000000e+00, v10  }
0x2a0: {  	v12 =	vshll.u32 v8, $0x10;
	v6 =	vadd.f32 v14, v6;
	v13 =	vsub.f32 $2.000000000e+00, v13  }
0x2a1: {  	v8 =	vand.u32 $0xFFFF0000, v8;
	v4 =	vadd.f32 v12, v4;
	v9 =	vmul.f32 v9, v10  }
0x2a2: {  	v6 =	vadd.f32 v8, v6;
	v8 =	vmul.f32 v11, v13  }
0x2a3: {  	v4 =	vsub.f32 $0.0e+00, v4;
	v5 =	vmul.f32 v9, v5  }
0x2a4: {  	v6 =	vsub.f32 $0.0e+00, v6;
	v7 =	vmul.f32 v8, v7  }
0x2a5: {  	v4 =	vmul.f32 $1.442695020e+00, v4;
	v5 =	vsub.f32 $2.000000000e+00, v5  }
0x2a6: {  	v6 =	vmul.f32 $1.442695020e+00, v6;
	v7 =	vsub.f32 $2.000000000e+00, v7  }
0x2a7: {  	(erf) = vpow2.f32 v4;
	v4 =	vmul.f32 v5, v9  }
0x2a8: {  	v2 =	vshll.u32 v2, $0x10;
	(erf) = vpow2.f32 v6;
	v5 =	vmul.f32 v7, v8  }
0x2a9: {  	v3 =	vshll.u32 v3, $0x10;
	v2 =	vmul.f32 v2, v4  }
0x2aa: {  	s5 =	simm.s32 $0x8C80;
	v3 =	vmul.f32 v3, v5  }
0x2ab: {  	[tilespmem:s5+$0x0] =	vst v2  }
0x2ac: {  	[tilespmem:s5+$0x40] =	vst v3  }
0x2ad: {  	v2 =	vld [tilespmem:s15+$0x10]  }
0x2ae: {  	v3 =	vld [tilespmem:s11+$0x10]  }
0x2af: {  	v4 =	vld [tilespmem:s19+$0x10]  }
0x2b0: {  	v5 =	vpop (erf);
	v6 =	vld [tilespmem:s19+$0x50]  }
0x2b1: {  	v5 =	vadd.f32 $1.000000000e+00, v5;
	v7 =	vpop (erf);
	v8 =	vld [tilespmem:s11+$0x50]  }
0x2b2: {  	v7 =	vadd.f32 $1.000000000e+00, v7  }
0x2b3: {  	v9 =	vsub.s32 $0x7EF311C3, v5  }
0x2b4: {  	v10 =	vsub.s32 $0x7EF311C3, v7;
	v11 =	vmul.f32 v9, v5;
	v12 =	vand.u32 $0xFFFF0000, v4  }
0x2b5: {  	v13 =	vmul.f32 v10, v7;
	v14 =	vand.u32 $0xFFFF0000, v6;
	v3 =	vadd.f32 v12, v3  }
0x2b6: {  	v11 =	vsub.f32 $2.000000000e+00, v11;
	v12 =	vshll.u32 v2, $0x10;
	v8 =	vadd.f32 v14, v8  }
0x2b7: {  	v13 =	vsub.f32 $2.000000000e+00, v13;
	v2 =	vand.u32 $0xFFFF0000, v2;
	v3 =	vadd.f32 v12, v3  }
0x2b8: {  	v9 =	vmul.f32 v9, v11;
	v2 =	vadd.f32 v2, v8  }
0x2b9: {  	v8 =	vmul.f32 v10, v13;
	v3 =	vsub.f32 $0.0e+00, v3  }
0x2ba: {  	v5 =	vmul.f32 v9, v5;
	v2 =	vsub.f32 $0.0e+00, v2  }
0x2bb: {  	v7 =	vmul.f32 v8, v7;
	v3 =	vmul.f32 $1.442695020e+00, v3  }
0x2bc: {  	v5 =	vsub.f32 $2.000000000e+00, v5;
	v2 =	vmul.f32 $1.442695020e+00, v2  }
0x2bd: {  	v7 =	vsub.f32 $2.000000000e+00, v7;
	(erf) = vpow2.f32 v3  }
0x2be: {  	v3 =	vmul.f32 v5, v9;
	(erf) = vpow2.f32 v2  }
0x2bf: {  	v1 =	vshll.u32 v1, $0x10;
	v2 =	vmul.f32 v7, v8  }
0x2c0: {  	v0 =	vshll.u32 v0, $0x10;
	v1 =	vmul.f32 v1, v3  }
0x2c1: {  	v0 =	vmul.f32 v0, v2  }
0x2c2: {  	[tilespmem:s5+$0xFFFFFF80] =	vst v1  }
0x2c3: {  	[tilespmem:s5+$0xFFFFFFC0] =	vst v0  }
0x2c4: {  	v0 =	vld [tilespmem:s19+$0xFFFFFF90]  }
0x2c5: {  	v2 =	vld [tilespmem:s19+$0xFFFFFFD0]  }
0x2c6: {  	v1 =	vld [tilespmem:s11+$0xFFFFFF90];
	v3 =	vpop (erf)  }
0x2c7: {  	v5 =	vld [tilespmem:s11+$0xFFFFFFD0];
	v3 =	vadd.f32 $1.000000000e+00, v3;
	v7 =	vpop (erf)  }
0x2c8: {  	v8 =	vld [tilespmem:s15+$0xFFFFFF90];
	v7 =	vadd.f32 $1.000000000e+00, v7  }
0x2c9: {  	v9 =	vsub.s32 $0x7EF311C3, v3  }
0x2ca: {  	v10 =	vmul.f32 v9, v3;
	v11 =	vsub.s32 $0x7EF311C3, v7  }
0x2cb: {  	v12 =	vand.u32 $0xFFFF0000, v0;
	v13 =	vmul.f32 v11, v7  }
0x2cc: {  	v14 =	vand.u32 $0xFFFF0000, v2;
	v1 =	vadd.f32 v12, v1;
	v10 =	vsub.f32 $2.000000000e+00, v10  }
0x2cd: {  	v5 =	vadd.f32 v14, v5;
	v12 =	vshll.u32 v8, $0x10;
	v13 =	vsub.f32 $2.000000000e+00, v13  }
0x2ce: {  	v8 =	vand.u32 $0xFFFF0000, v8;
	v1 =	vadd.f32 v12, v1;
	v9 =	vmul.f32 v9, v10  }
0x2cf: {  	v5 =	vadd.f32 v8, v5;
	v8 =	vmul.f32 v11, v13  }
0x2d0: {  	v1 =	vsub.f32 $0.0e+00, v1;
	v3 =	vmul.f32 v9, v3  }
0x2d1: {  	v5 =	vsub.f32 $0.0e+00, v5;
	v7 =	vmul.f32 v8, v7  }
0x2d2: {  	v1 =	vmul.f32 $1.442695020e+00, v1;
	v3 =	vsub.f32 $2.000000000e+00, v3  }
0x2d3: {  	v5 =	vmul.f32 $1.442695020e+00, v5;
	v7 =	vsub.f32 $2.000000000e+00, v7  }
0x2d4: {  	s7 =	simm.s32 $0x6580;
	(erf) = vpow2.f32 v1;
	v1 =	vmul.f32 v3, v9  }
0x2d5: {  	s2 =	simm.s32 $0x3D80;
	v4 =	vshll.u32 v4, $0x10;
	(erf) = vpow2.f32 v5;
	v3 =	vld [tilespmem:s7+$0x0];
	v5 =	vmul.f32 v7, v8  }
0x2d6: {  	s28 =	simm.s32 $0x1580;
	v6 =	vshll.u32 v6, $0x10;
	v7 =	vld [tilespmem:s2+$0x0];
	v1 =	vmul.f32 v4, v1  }
0x2d7: {  	v8 =	vld [tilespmem:s28+$0x40];
	v5 =	vmul.f32 v6, v5  }
0x2d8: {  	v4 =	vld [tilespmem:s2+$0x40];
	[tilespmem:s5+$0x10] =	vst v1  }
0x2d9: {  	v6 =	vld [tilespmem:s28+$0x0];
	[tilespmem:s5+$0x50] =	vst v5  }
0x2da: {  	v5 =	vld [tilespmem:s15+$0x20]  }
0x2db: {  	v9 =	vld [tilespmem:s11+$0x20]  }
0x2dc: {  	v10 =	vld [tilespmem:s19+$0x20]  }
0x2dd: {  	v11 =	vld [tilespmem:s19+$0x60]  }
0x2de: {  	v1 =	vpop (erf);
	v13 =	vld [tilespmem:s11+$0x60]  }
0x2df: {  	v16 =	vshll.u32 v3, $0x10;
	v14 =	vadd.f32 $1.000000000e+00, v1;
	v1 =	vand.u32 $0xFFFF0000, v6  }
0x2e0: {  	v3 =	vand.u32 $0xFFFF0000, v3;
	v15 =	vand.u32 $0xFFFF0000, v8;
	v12 =	vpop (erf);
	v7 =	vadd.f32 v1, v7  }
0x2e1: {  	v4 =	vadd.f32 v15, v4;
	v12 =	vadd.f32 $1.000000000e+00, v12;
	v15 =	vand.u32 $0xFFFF0000, v10  }
0x2e2: {  	v1 =	vld [tilespmem:s28+$0xFFFFFFC0];
	v7 =	vadd.f32 v16, v7;
	v16 =	vand.u32 $0xFFFF0000, v11;
	v9 =	vadd.f32 v15, v9  }
0x2e3: {  	v3 =	vadd.f32 v3, v4;
	v4 =	vshll.u32 v5, $0x10;
	v15 =	vld [tilespmem:s28+$0xFFFFFF80];
	v13 =	vadd.f32 v16, v13  }
0x2e4: {  	v5 =	vand.u32 $0xFFFF0000, v5;
	v16 =	vld [tilespmem:s2+$0xFFFFFF80];
	v7 =	vsub.f32 $0.0e+00, v7;
	v4 =	vadd.f32 v4, v9  }
0x2e5: {  	v19 =	vsub.s32 $0x7EF311C3, v12;
	v3 =	vsub.f32 $0.0e+00, v3;
	v9 =	vld [tilespmem:s2+$0xFFFFFFC0];
	v5 =	vadd.f32 v5, v13  }
0x2e6: {  	v17 =	vld [tilespmem:s7+$0xFFFFFF80];
	v13 =	vsub.s32 $0x7EF311C3, v14;
	v7 =	vmul.f32 $1.442695020e+00, v7;
	v4 =	vsub.f32 $0.0e+00, v4  }
0x2e7: {  	v3 =	vmul.f32 $1.442695020e+00, v3;
	v18 =	vmul.f32 v13, v14;
	v5 =	vsub.f32 $0.0e+00, v5  }
0x2e8: {  	(erf) = vpow2.f32 v7;
	v7 =	vand.u32 $0xFFFF0000, v15;
	v4 =	vmul.f32 $1.442695020e+00, v4  }
0x2e9: {  	(erf) = vpow2.f32 v3;
	v3 =	vmul.f32 $1.442695020e+00, v5;
	v5 =	vand.u32 $0xFFFF0000, v1  }
0x2ea: {  	v7 =	vadd.f32 v7, v16;
	(erf) = vpow2.f32 v4;
	v4 =	vadd.f32 v5, v9  }
0x2eb: {  	v5 =	vshll.u32 v17, $0x10;
	(erf) = vpow2.f32 v3;
	v3 =	vmul.f32 v19, v12  }
0x2ec: {  	v9 =	vand.u32 $0xFFFF0000, v17;
	v5 =	vadd.f32 v5, v7;
	v7 =	vsub.f32 $2.000000000e+00, v18  }
0x2ed: {  	v4 =	vadd.f32 v9, v4;
	v3 =	vsub.f32 $2.000000000e+00, v3  }
0x2ee: {  	v5 =	vsub.f32 $0.0e+00, v5;
	v7 =	vmul.f32 v13, v7  }
0x2ef: {  	v4 =	vsub.f32 $0.0e+00, v4;
	v3 =	vmul.f32 v19, v3  }
0x2f0: {  	v5 =	vmul.f32 $1.442695020e+00, v5;
	v9 =	vmul.f32 v7, v14  }
0x2f1: {  	v4 =	vmul.f32 $1.442695020e+00, v4;
	v13 =	vpop (erf);
	v12 =	vmul.f32 v3, v12  }
0x2f2: {  	(erf) = vpow2.f32 v5;
	v5 =	vadd.f32 $1.000000000e+00, v13;
	v13 =	vpop (erf);
	v9 =	vsub.f32 $2.000000000e+00, v9  }
0x2f3: {  	v0 =	vshll.u32 v0, $0x10;
	(erf) = vpow2.f32 v4;
	v4 =	vadd.f32 $1.000000000e+00, v13  }
0x2f4: {  	v13 =	vpop (erf);
	v12 =	vsub.f32 $2.000000000e+00, v12;
	v14 =	vsub.s32 $0x7EF311C3, v5;
	v7 =	vmul.f32 v9, v7  }
0x2f5: {  	v13 =	vadd.f32 $1.000000000e+00, v13;
	v16 =	vpop (erf);
	v17 =	vmul.f32 v14, v5;
	v18 =	vsub.s32 $0x7EF311C3, v4  }
0x2f6: {  	v16 =	vadd.f32 $1.000000000e+00, v16;
	v9 =	vmul.f32 v18, v4;
	v3 =	vmul.f32 v12, v3  }
0x2f7: {  	v0 =	vmul.f32 v0, v7;
	v19 =	vsub.s32 $0x7EF311C3, v13;
	v17 =	vsub.f32 $2.000000000e+00, v17  }
0x2f8: {  	v20 =	vmul.f32 v19, v13;
	v21 =	vsub.s32 $0x7EF311C3, v16;
	v9 =	vsub.f32 $2.000000000e+00, v9  }
0x2f9: {  	v2 =	vshll.u32 v2, $0x10;
	v12 =	vmul.f32 v21, v16;
	v7 =	vmul.f32 v14, v17  }
0x2fa: {  	v2 =	vmul.f32 v2, v3;
	v14 =	vsub.f32 $2.000000000e+00, v20;
	v3 =	vmul.f32 v18, v9  }
0x2fb: {  	v9 =	vsub.f32 $2.000000000e+00, v12;
	v5 =	vmul.f32 v7, v5  }
0x2fc: {  	v14 =	vmul.f32 v19, v14;
	v4 =	vmul.f32 v3, v4  }
0x2fd: {  	[tilespmem:s5+$0xFFFFFFD0] =	vst v2;
	v2 =	vshll.u32 v6, $0x10;
	v12 =	vpop (erf);
	v9 =	vmul.f32 v21, v9;
	v5 =	vsub.f32 $2.000000000e+00, v5  }
0x2fe: {  	v12 =	vadd.f32 $1.000000000e+00, v12;
	v17 =	vpop (erf);
	v13 =	vmul.f32 v14, v13;
	v4 =	vsub.f32 $2.000000000e+00, v4  }
0x2ff: {  	[tilespmem:s5+$0xFFFFFF90] =	vst v0;
	v17 =	vadd.f32 $1.000000000e+00, v17;
	v16 =	vmul.f32 v9, v16;
	v0 =	vmul.f32 v5, v7  }
0x300: {  	v7 =	vshll.u32 v8, $0x10;
	v5 =	vsub.f32 $2.000000000e+00, v13;
	v3 =	vmul.f32 v4, v3  }
0x301: {  	v6 =	vld [tilespmem:s19+$0xFFFFFFA0];
	v18 =	vsub.s32 $0x7EF311C3, v12;
	v4 =	vsub.f32 $2.000000000e+00, v16;
	v0 =	vmul.f32 v2, v0  }
0x302: {  	v8 =	vld [tilespmem:s11+$0xFFFFFFA0];
	v19 =	vsub.s32 $0x7EF311C3, v17;
	v2 =	vmul.f32 v5, v14;
	v3 =	vmul.f32 v7, v3  }
0x303: {  	s6 =	simm.s32 $0x8D80;
	v5 =	vld [tilespmem:s19+$0xFFFFFFE0];
	v7 =	vshll.u32 v10, $0x10;
	v4 =	vmul.f32 v4, v9;
	v9 =	vmul.f32 v18, v12  }
0x304: {  	v10 =	vmul.f32 v19, v17;
	[tilespmem:s6+$0x0] =	vst v0;
	v0 =	vshll.u32 v11, $0x10;
	v2 =	vmul.f32 v7, v2;
	v7 =	vld [tilespmem:s11+$0xFFFFFFE0]  }
0x305: {  	[tilespmem:s6+$0x40] =	vst v3;
	v3 =	vld [tilespmem:s15+$0xFFFFFFA0];
	v0 =	vmul.f32 v0, v4;
	v4 =	vsub.f32 $2.000000000e+00, v9  }
0x306: {  	v9 =	vld [tilespmem:s7+$0x10];
	[tilespmem:s5+$0x20] =	vst v2;
	v2 =	vsub.f32 $2.000000000e+00, v10  }
0x307: {  	v14 =	vand.u32 $0xFFFF0000, v6;
	v16 =	vld [tilespmem:s2+$0x10];
	v4 =	vmul.f32 v18, v4  }
0x308: {  	v8 =	vadd.f32 v14, v8;
	v14 =	vld [tilespmem:s28+$0x10];
	v10 =	vmul.f32 v19, v2  }
0x309: {  	[tilespmem:s5+$0x60] =	vst v0;
	v18 =	vld [tilespmem:s28+$0x50];
	v12 =	vmul.f32 v4, v12  }
0x30a: {  	v13 =	vshll.u32 v15, $0x10;
	v0 =	vld [tilespmem:s19+$0x70];
	v15 =	vmul.f32 v10, v17  }
0x30b: {  	v11 =	vld [tilespmem:s11+$0x70];
	v17 =	vand.u32 $0xFFFF0000, v5;
	v12 =	vsub.f32 $2.000000000e+00, v12  }
0x30c: {  	v2 =	vld [tilespmem:s15+$0x30];
	v7 =	vadd.f32 v17, v7;
	v17 =	vshll.u32 v3, $0x10;
	v15 =	vsub.f32 $2.000000000e+00, v15  }
0x30d: {  	v3 =	vand.u32 $0xFFFF0000, v3;
	v8 =	vadd.f32 v17, v8;
	v4 =	vmul.f32 v12, v4;
	v12 =	vld [tilespmem:s2+$0x50]  }
0x30e: {  	v1 =	vshll.u32 v1, $0x10;
	v3 =	vadd.f32 v3, v7;
	v7 =	vmul.f32 v15, v10  }
0x30f: {  	v8 =	vsub.f32 $0.0e+00, v8;
	v10 =	vand.u32 $0xFFFF0000, v0;
	v4 =	vmul.f32 v13, v4  }
0x310: {  	v10 =	vadd.f32 v10, v11;
	v1 =	vmul.f32 v1, v7;
	v7 =	vand.u32 $0xFFFF0000, v14  }
0x311: {  	v11 =	vand.u32 $0xFFFF0000, v2;
	[tilespmem:s6+$0xFFFFFF80] =	vst v4;
	v4 =	vand.u32 $0xFFFF0000, v18;
	v7 =	vadd.f32 v7, v16  }
0x312: {  	v10 =	vadd.f32 v11, v10;
	[tilespmem:s6+$0xFFFFFFC0] =	vst v1;
	v1 =	vshll.u32 v9, $0x10;
	v4 =	vadd.f32 v4, v12  }
0x313: {  	v3 =	vsub.f32 $0.0e+00, v3;
	v9 =	vand.u32 $0xFFFF0000, v9;
	v11 =	vld [tilespmem:s28+$0xFFFFFF90];
	v1 =	vadd.f32 v1, v7  }
0x314: {  	v7 =	vmul.f32 $1.442695020e+00, v8;
	v8 =	vsub.f32 $0.0e+00, v10;
	v10 =	vld [tilespmem:s28+$0xFFFFFFD0];
	v4 =	vadd.f32 v9, v4  }
0x315: {  	v3 =	vmul.f32 $1.442695020e+00, v3;
	v9 =	vld [tilespmem:s2+$0xFFFFFF90];
	v1 =	vsub.f32 $0.0e+00, v1  }
0x316: {  	(erf) = vpow2.f32 v7;
	v7 =	vmul.f32 $1.442695020e+00, v8;
	v8 =	vld [tilespmem:s2+$0xFFFFFFD0];
	v4 =	vsub.f32 $0.0e+00, v4  }
0x317: {  	(erf) = vpow2.f32 v3;
	v3 =	vld [tilespmem:s7+$0xFFFFFF90];
	v1 =	vmul.f32 $1.442695020e+00, v1  }
0x318: {  	(erf) = vpow2.f32 v7;
	v4 =	vmul.f32 $1.442695020e+00, v4  }
0x319: {  	(erf) = vpow2.f32 v1  }
0x31a: {  	v1 =	vand.u32 $0xFFFF0000, v11;
	(erf) = vpow2.f32 v4;
	v4 =	vand.u32 $0xFFFF0000, v10  }
0x31b: {  	v1 =	vadd.f32 v1, v9;
	v4 =	vadd.f32 v4, v8  }
0x31c: {  	v7 =	vshll.u32 v3, $0x10  }
0x31d: {  	v3 =	vand.u32 $0xFFFF0000, v3;
	v1 =	vadd.f32 v7, v1  }
0x31e: {  	v3 =	vadd.f32 v3, v4  }
0x31f: {  	v1 =	vsub.f32 $0.0e+00, v1;
	v4 =	vpop (erf)  }
0x320: {  	v3 =	vsub.f32 $0.0e+00, v3;
	v7 =	vpop (erf)  }
0x321: {  	v1 =	vmul.f32 $1.442695020e+00, v1;
	v8 =	vpop (erf)  }
0x322: {  	v4 =	vadd.f32 $1.000000000e+00, v4;
	v3 =	vmul.f32 $1.442695020e+00, v3;
	v9 =	vpop (erf)  }
0x323: {  	v7 =	vadd.f32 $1.000000000e+00, v7;
	(erf) = vpow2.f32 v1;
	v1 =	vadd.f32 $1.000000000e+00, v9;
	v9 =	vpop (erf)  }
0x324: {  	v12 =	vsub.s32 $0x7EF311C3, v4;
	(erf) = vpow2.f32 v3;
	v3 =	vadd.f32 $1.000000000e+00, v9  }
0x325: {  	v13 =	vmul.f32 v12, v4;
	v15 =	vsub.s32 $0x7EF311C3, v1  }
0x326: {  	v9 =	vsub.s32 $0x7EF311C3, v7;
	v17 =	vmul.f32 v15, v1;
	v19 =	vsub.s32 $0x7EF311C3, v3  }
0x327: {  	v6 =	vshll.u32 v6, $0x10;
	v16 =	vmul.f32 v9, v7;
	v20 =	vmul.f32 v19, v3  }
0x328: {  	v5 =	vshll.u32 v5, $0x10;
	v13 =	vsub.f32 $2.000000000e+00, v13;
	v17 =	vsub.f32 $2.000000000e+00, v17  }
0x329: {  	v14 =	vshll.u32 v14, $0x10;
	v16 =	vsub.f32 $2.000000000e+00, v16;
	v20 =	vsub.f32 $2.000000000e+00, v20  }
0x32a: {  	v8 =	vadd.f32 $1.000000000e+00, v8;
	v12 =	vmul.f32 v12, v13;
	v13 =	vmul.f32 v15, v17  }
0x32b: {  	v18 =	vshll.u32 v18, $0x10;
	v9 =	vmul.f32 v9, v16;
	v16 =	vmul.f32 v19, v20  }
0x32c: {  	v4 =	vmul.f32 v12, v4;
	v15 =	vsub.s32 $0x7EF311C3, v8;
	v19 =	vpop (erf);
	v1 =	vmul.f32 v13, v1  }
0x32d: {  	v17 =	vmul.f32 v15, v8;
	v19 =	vadd.f32 $1.000000000e+00, v19;
	v3 =	vmul.f32 v16, v3  }
0x32e: {  	s0 =	simm.s32 $0x6680;
	v7 =	vmul.f32 v9, v7;
	v4 =	vsub.f32 $2.000000000e+00, v4;
	v20 =	vpop (erf);
	v1 =	vsub.f32 $2.000000000e+00, v1  }
0x32f: {  	v26 =	vld [tilespmem:s0+$0x0];
	v20 =	vadd.f32 $1.000000000e+00, v20;
	v21 =	vsub.s32 $0x7EF311C3, v19;
	v3 =	vsub.f32 $2.000000000e+00, v3  }
0x330: {  	s8 =	simm.s32 $0x1680;
	v22 =	vld [tilespmem:s11+$0x30];
	v17 =	vsub.f32 $2.000000000e+00, v17;
	v24 =	vmul.f32 v21, v19;
	v13 =	vmul.f32 v1, v13  }
0x331: {  	v12 =	vmul.f32 v4, v12;
	v4 =	vld [tilespmem:s8+$0x40];
	v23 =	vsub.s32 $0x7EF311C3, v20;
	v3 =	vmul.f32 v3, v16  }
0x332: {  	s1 =	simm.s32 $0x3E80;
	v1 =	vld [tilespmem:s19+$0x30];
	v25 =	vmul.f32 v23, v20;
	v13 =	vmul.f32 v14, v13;
	v14 =	vsub.f32 $2.000000000e+00, v24  }
0x333: {  	v7 =	vsub.f32 $2.000000000e+00, v7;
	v15 =	vmul.f32 v15, v17;
	v16 =	vld [tilespmem:s1+$0x0];
	v18 =	vmul.f32 v18, v3  }
0x334: {  	v24 =	vsub.f32 $2.000000000e+00, v25;
	v25 =	vld [tilespmem:s1+$0x40];
	[tilespmem:s6+$0x10] =	vst v13;
	v13 =	vshll.u32 v2, $0x10;
	v2 =	vmul.f32 v21, v14  }
0x335: {  	v0 =	vshll.u32 v0, $0x10;
	v7 =	vmul.f32 v7, v9;
	v8 =	vmul.f32 v15, v8;
	v3 =	vld [tilespmem:s8+$0x0];
	[tilespmem:s6+$0x50] =	vst v18  }
0x336: {  	v11 =	vshll.u32 v11, $0x10;
	v14 =	vmul.f32 v23, v24;
	v9 =	vld [tilespmem:s7+$0x20];
	v17 =	vmul.f32 v2, v19  }
0x337: {  	v12 =	vmul.f32 v6, v12;
	v5 =	vmul.f32 v5, v7;
	v7 =	vsub.f32 $2.000000000e+00, v8;
	v19 =	vld [tilespmem:s2+$0x20]  }
0x338: {  	v8 =	vld [tilespmem:s28+$0x20];
	v18 =	vmul.f32 v14, v20;
	v20 =	vand.u32 $0xFFFF0000, v1;
	v17 =	vsub.f32 $2.000000000e+00, v17  }
0x339: {  	v21 =	vand.u32 $0xFFFF0000, v4;
	v7 =	vmul.f32 v7, v15;
	v6 =	vld [tilespmem:s28+$0x60];
	v15 =	vadd.f32 v20, v22  }
0x33a: {  	v20 =	vld [tilespmem:s2+$0x60];
	v21 =	vadd.f32 v21, v25;
	v17 =	vmul.f32 v17, v2;
	v2 =	vand.u32 $0xFFFF0000, v3  }
0x33b: {  	v23 =	vand.u32 $0xFFFF0000, v26;
	v18 =	vsub.f32 $2.000000000e+00, v18;
	v16 =	vadd.f32 v2, v16  }
0x33c: {  	v10 =	vshll.u32 v10, $0x10;
	v22 =	vshll.u32 v26, $0x10;
	v25 =	vld [tilespmem:s1+$0xFFFFFF80];
	v21 =	vadd.f32 v23, v21  }
0x33d: {  	v14 =	vmul.f32 v18, v14;
	v18 =	vld [tilespmem:s8+$0xFFFFFF80];
	v24 =	vand.u32 $0xFFFF0000, v8;
	v16 =	vadd.f32 v22, v16  }
0x33e: {  	v13 =	vadd.f32 v13, v15;
	v2 =	vld [tilespmem:s8+$0xFFFFFFC0];
	v19 =	vadd.f32 v24, v19;
	v22 =	vand.u32 $0xFFFF0000, v6  }
0x33f: {  	v23 =	vshll.u32 v9, $0x10;
	v24 =	vld [tilespmem:s1+$0xFFFFFFC0];
	v20 =	vadd.f32 v22, v20;
	v16 =	vsub.f32 $0.0e+00, v16  }
0x340: {  	v9 =	vand.u32 $0xFFFF0000, v9;
	v21 =	vsub.f32 $0.0e+00, v21;
	v22 =	vld [tilespmem:s0+$0xFFFFFF80];
	v19 =	vadd.f32 v23, v19  }
0x341: {  	[tilespmem:s5+$0xFFFFFFA0] =	vst v12;
	v11 =	vmul.f32 v11, v17;
	v9 =	vadd.f32 v9, v20;
	v16 =	vmul.f32 $1.442695020e+00, v16  }
0x342: {  	[tilespmem:s5+$0xFFFFFFE0] =	vst v5;
	v21 =	vmul.f32 $1.442695020e+00, v21;
	v23 =	vand.u32 $0xFFFF0000, v18;
	v19 =	vsub.f32 $0.0e+00, v19  }
0x343: {  	v5 =	vld [tilespmem:s19+$0xFFFFFFF0];
	v12 =	vand.u32 $0xFFFF0000, v2;
	v9 =	vsub.f32 $0.0e+00, v9;
	(erf) = vpow2.f32 v16  }
0x344: {  	v20 =	vadd.f32 v23, v25;
	v23 =	vld [tilespmem:s19+$0xFFFFFFB0];
	v16 =	vmul.f32 $1.442695020e+00, v19;
	(erf) = vpow2.f32 v21  }
0x345: {  	v12 =	vadd.f32 v12, v24;
	v19 =	vshll.u32 v22, $0x10;
	v9 =	vmul.f32 $1.442695020e+00, v9;
	v21 =	vld [tilespmem:s11+$0xFFFFFFB0]  }
0x346: {  	v22 =	vand.u32 $0xFFFF0000, v22;
	v19 =	vadd.f32 v19, v20;
	(erf) = vpow2.f32 v16;
	v16 =	vld [tilespmem:s15+$0xFFFFFFB0]  }
0x347: {  	v10 =	vmul.f32 v10, v14;
	v12 =	vadd.f32 v22, v12;
	(erf) = vpow2.f32 v9;
	v9 =	vld [tilespmem:s11+$0xFFFFFFF0]  }
0x348: {  	v7 =	vmul.f32 v0, v7;
	[tilespmem:s6+$0xFFFFFF90] =	vst v11;
	v17 =	vsub.f32 $0.0e+00, v19  }
0x349: {  	[tilespmem:s6+$0xFFFFFFD0] =	vst v10;
	v10 =	vsub.f32 $0.0e+00, v13;
	v11 =	vsub.f32 $0.0e+00, v12;
	v12 =	vand.u32 $0xFFFF0000, v5  }
0x34a: {  	v13 =	vshll.u32 v18, $0x10;
	v14 =	vand.u32 $0xFFFF0000, v23;
	v15 =	vmul.f32 $1.442695020e+00, v17  }
0x34b: {  	v10 =	vmul.f32 $1.442695020e+00, v10;
	v17 =	vmul.f32 $1.442695020e+00, v11;
	v14 =	vadd.f32 v14, v21  }
0x34c: {  	v19 =	vshll.u32 v16, $0x10;
	(erf) = vpow2.f32 v15;
	v9 =	vadd.f32 v12, v9;
	v12 =	vpop (erf)  }
0x34d: {  	v18 =	vld [tilespmem:s28+$0xFFFFFFA0];
	v15 =	vand.u32 $0xFFFF0000, v16;
	(erf) = vpow2.f32 v17;
	v12 =	vadd.f32 $1.000000000e+00, v12;
	v16 =	vpop (erf)  }
0x34e: {  	v0 =	vshll.u32 v23, $0x10;
	v11 =	vld [tilespmem:s28+$0xFFFFFFE0];
	(erf) = vpow2.f32 v10;
	v10 =	vadd.f32 $1.000000000e+00, v16  }
0x34f: {  	v14 =	vadd.f32 v19, v14;
	v9 =	vadd.f32 v15, v9;
	v15 =	vld [tilespmem:s2+$0xFFFFFFA0];
	v16 =	vpop (erf);
	v19 =	vsub.s32 $0x7EF311C3, v12  }
0x350: {  	v17 =	vld [tilespmem:s2+$0xFFFFFFE0];
	v16 =	vadd.f32 $1.000000000e+00, v16;
	v21 =	vpop (erf);
	v22 =	vmul.f32 v19, v12;
	v23 =	vsub.s32 $0x7EF311C3, v10  }
0x351: {  	v21 =	vadd.f32 $1.000000000e+00, v21;
	v24 =	vmul.f32 v23, v10  }
0x352: {  	v20 =	vand.u32 $0xFFFF0000, v18;
	v26 =	vsub.s32 $0x7EF311C3, v16;
	v22 =	vsub.f32 $2.000000000e+00, v22  }
0x353: {  	v27 =	vmul.f32 v26, v16;
	v56 =	vsub.s32 $0x7EF311C3, v21;
	v24 =	vsub.f32 $2.000000000e+00, v24  }
0x354: {  	v25 =	vand.u32 $0xFFFF0000, v11;
	v15 =	vadd.f32 v20, v15;
	v20 =	vmul.f32 v56, v21  }
0x355: {  	v17 =	vadd.f32 v25, v17;
	v19 =	vmul.f32 v19, v22;
	v25 =	vsub.f32 $2.000000000e+00, v27  }
0x356: {  	v3 =	vshll.u32 v3, $0x10;
	v23 =	vmul.f32 v23, v24;
	v20 =	vsub.f32 $2.000000000e+00, v20;
	v22 =	vpop (erf)  }
0x357: {  	v12 =	vmul.f32 v19, v12;
	v25 =	vmul.f32 v26, v25;
	v22 =	vadd.f32 $1.000000000e+00, v22;
	v24 =	vpop (erf)  }
0x358: {  	v10 =	vmul.f32 v23, v10;
	v20 =	vmul.f32 v56, v20;
	v24 =	vadd.f32 $1.000000000e+00, v24  }
0x359: {  	v12 =	vsub.f32 $2.000000000e+00, v12;
	v16 =	vmul.f32 v25, v16;
	v26 =	vsub.s32 $0x7EF311C3, v22  }
0x35a: {  	v10 =	vsub.f32 $2.000000000e+00, v10;
	v21 =	vmul.f32 v20, v21;
	v27 =	vsub.s32 $0x7EF311C3, v24  }
0x35b: {  	v57 =	vmul.f32 v26, v22;
	v12 =	vmul.f32 v12, v19;
	v16 =	vsub.f32 $2.000000000e+00, v16  }
0x35c: {  	v29 =	vld [tilespmem:s7+$0xFFFFFFA0];
	v30 =	vmul.f32 v27, v24;
	v10 =	vmul.f32 v10, v23;
	v19 =	vsub.f32 $2.000000000e+00, v21  }
0x35d: {  	v4 =	vshll.u32 v4, $0x10;
	v3 =	vmul.f32 v3, v12;
	v12 =	vmul.f32 v16, v25  }
0x35e: {  	s12 =	simm.s32 $0x8E80;
	v8 =	vshll.u32 v8, $0x10;
	v4 =	vmul.f32 v4, v10;
	v10 =	vmul.f32 v19, v20  }
0x35f: {  	v16 =	vsub.f32 $2.000000000e+00, v57;
	[tilespmem:s12+$0x0] =	vst v3;
	v3 =	vshll.u32 v6, $0x10;
	v6 =	vmul.f32 v8, v12  }
0x360: {  	v8 =	vsub.f32 $2.000000000e+00, v30;
	[tilespmem:s12+$0x40] =	vst v4;
	v3 =	vmul.f32 v3, v10  }
0x361: {  	v12 =	vand.u32 $0xFFFF0000, v29;
	v4 =	vshll.u32 v29, $0x10;
	v10 =	vmul.f32 v26, v16;
	[tilespmem:s6+$0x20] =	vst v6  }
0x362: {  	v4 =	vadd.f32 v4, v15;
	v6 =	vsub.f32 $0.0e+00, v14;
	v8 =	vmul.f32 v27, v8;
	[tilespmem:s6+$0x60] =	vst v3  }
0x363: {  	v15 =	vadd.f32 v12, v17;
	v3 =	vsub.f32 $0.0e+00, v9;
	v9 =	vmul.f32 v10, v22;
	v12 =	vld [tilespmem:s28+$0x70]  }
0x364: {  	v4 =	vsub.f32 $0.0e+00, v4;
	v6 =	vmul.f32 $1.442695020e+00, v6;
	v16 =	vmul.f32 v8, v24;
	v17 =	vld [tilespmem:s2+$0x70]  }
0x365: {  	v15 =	vsub.f32 $0.0e+00, v15;
	v19 =	vld [tilespmem:s7+$0x30];
	v3 =	vmul.f32 $1.442695020e+00, v3;
	v9 =	vsub.f32 $2.000000000e+00, v9  }
0x366: {  	v4 =	vmul.f32 $1.442695020e+00, v4;
	(erf) = vpow2.f32 v6;
	v6 =	vsub.f32 $2.000000000e+00, v16;
	v16 =	vld [tilespmem:s1+$0x10]  }
0x367: {  	(erf) = vpow2.f32 v3;
	v3 =	vmul.f32 v9, v10;
	v9 =	vld [tilespmem:s8+$0x10]  }
0x368: {  	v2 =	vshll.u32 v2, $0x10;
	v15 =	vmul.f32 $1.442695020e+00, v15;
	v10 =	vld [tilespmem:s8+$0x50];
	v6 =	vmul.f32 v6, v8  }
0x369: {  	v20 =	vpop (erf);
	(erf) = vpow2.f32 v4;
	v8 =	vand.u32 $0xFFFF0000, v12;
	v3 =	vmul.f32 v13, v3;
	v13 =	vld [tilespmem:s1+$0x50]  }
0x36a: {  	v14 =	vld [tilespmem:s0+$0x10];
	v8 =	vadd.f32 v8, v17;
	v6 =	vmul.f32 v2, v6  }
0x36b: {  	v4 =	vadd.f32 $1.000000000e+00, v20;
	(erf) = vpow2.f32 v15;
	v15 =	vand.u32 $0xFFFF0000, v19;
	[tilespmem:s12+$0xFFFFFF80] =	vst v3  }
0x36c: {  	v2 =	vshll.u32 v5, $0x10;
	v3 =	vadd.f32 v15, v8;
	[tilespmem:s12+$0xFFFFFFC0] =	vst v6;
	v5 =	vand.u32 $0xFFFF0000, v9  }
0x36d: {  	v15 =	vshll.u32 v18, $0x10;
	v6 =	vand.u32 $0xFFFF0000, v10;
	v18 =	vld [tilespmem:s8+$0xFFFFFF90];
	v5 =	vadd.f32 v5, v16  }
0x36e: {  	v17 =	vsub.s32 $0x7EF311C3, v4;
	v16 =	vld [tilespmem:s8+$0xFFFFFFD0];
	v3 =	vsub.f32 $0.0e+00, v3;
	v6 =	vadd.f32 v6, v13  }
0x36f: {  	v20 =	vshll.u32 v14, $0x10;
	v14 =	vand.u32 $0xFFFF0000, v14;
	v8 =	vmul.f32 v17, v4;
	v21 =	vld [tilespmem:s1+$0xFFFFFF90]  }
0x370: {  	v24 =	vld [tilespmem:s1+$0xFFFFFFD0];
	v13 =	vpop (erf);
	v20 =	vadd.f32 v20, v5;
	v3 =	vmul.f32 $1.442695020e+00, v3;
	v6 =	vadd.f32 v14, v6  }
0x371: {  	v22 =	vsub.f32 $2.000000000e+00, v8;
	v23 =	vpop (erf);
	v5 =	vadd.f32 $1.000000000e+00, v13;
	v13 =	vld [tilespmem:s0+$0xFFFFFF90]  }
0x372: {  	v8 =	vshll.u32 v19, $0x10;
	v14 =	vpop (erf);
	v20 =	vsub.f32 $0.0e+00, v20;
	(erf) = vpow2.f32 v3  }
0x373: {  	v14 =	vadd.f32 $1.000000000e+00, v14;
	v3 =	vsub.f32 $0.0e+00, v6;
	v19 =	vand.u32 $0xFFFF0000, v18  }
0x374: {  	v25 =	vand.u32 $0xFFFF0000, v16;
	v20 =	vmul.f32 $1.442695020e+00, v20;
	v19 =	vadd.f32 v19, v21;
	v6 =	vpop (erf)  }
0x375: {  	v3 =	vmul.f32 $1.442695020e+00, v3;
	v21 =	vadd.f32 $1.000000000e+00, v6;
	v6 =	vadd.f32 v25, v24  }
0x376: {  	(erf) = vpow2.f32 v20;
	v24 =	vshll.u32 v13, $0x10;
	v13 =	vand.u32 $0xFFFF0000, v13  }
0x377: {  	(erf) = vpow2.f32 v3;
	v19 =	vadd.f32 v24, v19;
	v13 =	vadd.f32 v13, v6  }
0x378: {  	v20 =	vsub.s32 $0x7EF311C3, v14  }
0x379: {  	v3 =	vmul.f32 v17, v22;
	v17 =	vsub.f32 $0.0e+00, v19;
	v19 =	vsub.f32 $0.0e+00, v13  }
0x37a: {  	v25 =	vmul.f32 v20, v14;
	v24 =	vsub.s32 $0x7EF311C3, v21  }
0x37b: {  	v6 =	vadd.f32 $1.000000000e+00, v23;
	v26 =	vmul.f32 v24, v21;
	v19 =	vmul.f32 $1.442695020e+00, v19  }
0x37c: {  	v13 =	vshll.u32 v18, $0x10;
	v18 =	vsub.f32 $2.000000000e+00, v25;
	v17 =	vmul.f32 $1.442695020e+00, v17;
	v23 =	vpop (erf)  }
0x37d: {  	v22 =	vsub.f32 $2.000000000e+00, v26;
	v23 =	vadd.f32 $1.000000000e+00, v23  }
0x37e: {  	v27 =	vsub.s32 $0x7EF311C3, v6;
	v18 =	vmul.f32 v20, v18;
	(erf) = vpow2.f32 v17  }
0x37f: {  	v20 =	vmul.f32 v24, v22;
	(erf) = vpow2.f32 v19;
	v17 =	vsub.s32 $0x7EF311C3, v23;
	v19 =	vpop (erf)  }
0x380: {  	v25 =	vsub.s32 $0x7EF311C3, v5;
	v58 =	vmul.f32 v27, v6;
	v24 =	vmul.f32 v17, v23;
	v26 =	vpop (erf)  }
0x381: {  	v14 =	vmul.f32 v18, v14;
	v21 =	vmul.f32 v20, v21;
	v26 =	vadd.f32 $1.000000000e+00, v26  }
0x382: {  	v22 =	vmul.f32 v25, v5;
	v19 =	vadd.f32 $1.000000000e+00, v19;
	v24 =	vsub.f32 $2.000000000e+00, v24  }
0x383: {  	v14 =	vsub.f32 $2.000000000e+00, v14;
	v21 =	vsub.f32 $2.000000000e+00, v21;
	v31 =	vsub.s32 $0x7EF311C3, v26  }
0x384: {  	v59 =	vsub.s32 $0x7EF311C3, v19;
	v24 =	vmul.f32 v17, v24;
	v17 =	vmul.f32 v31, v26  }
0x385: {  	v14 =	vmul.f32 v14, v18;
	v60 =	vmul.f32 v59, v19  }
0x386: {  	v20 =	vmul.f32 v21, v20;
	v21 =	vmul.f32 v24, v23;
	v23 =	vsub.f32 $2.000000000e+00, v17  }
0x387: {  	v11 =	vshll.u32 v11, $0x10;
	v18 =	vsub.f32 $2.000000000e+00, v22;
	v22 =	vsub.f32 $2.000000000e+00, v60  }
0x388: {  	v12 =	vshll.u32 v12, $0x10;
	v14 =	vmul.f32 v15, v14;
	v15 =	vsub.f32 $2.000000000e+00, v58  }
0x389: {  	v61 =	vmul.f32 v59, v22;
	v22 =	vmul.f32 v11, v20;
	v21 =	vsub.f32 $2.000000000e+00, v21;
	v17 =	vpop (erf)  }
0x38a: {  	[tilespmem:s5+$0x70] =	vst v7;
	v11 =	vmul.f32 v25, v18;
	v20 =	vmul.f32 v31, v23;
	v17 =	vadd.f32 $1.000000000e+00, v17;
	v23 =	vpop (erf)  }
0x38b: {  	[tilespmem:s6+$0xFFFFFFA0] =	vst v14;
	v19 =	vmul.f32 v61, v19;
	v18 =	vadd.f32 $1.000000000e+00, v23;
	v23 =	vmul.f32 v21, v24  }
0x38c: {  	v7 =	vld [tilespmem:s28+$0x30];
	v15 =	vmul.f32 v27, v15;
	[tilespmem:s6+$0xFFFFFFE0] =	vst v22;
	v25 =	vmul.f32 v20, v26;
	v21 =	vsub.s32 $0x7EF311C3, v17  }
0x38d: {  	v14 =	vld [tilespmem:s28+$0xFFFFFFB0];
	v62 =	vsub.f32 $2.000000000e+00, v19;
	v24 =	vmul.f32 v21, v17;
	v63 =	vmul.f32 v12, v23  }
0x38e: {  	s10 =	simm.s32 $0x4;
	s16 =	simm.s32 $0x1680;
	v26 =	vsub.f32 $2.000000000e+00, v25;
	v22 =	vsub.s32 $0x7EF311C3, v18;
	v12 =	vshll.u32 v16, $0x10;
	v16 =	vld [tilespmem:s28+$0xFFFFFFF0]  }
0x38f: {  	v1 =	vshll.u32 v1, $0x10;
	s19 =	simm.s32 $0x6780;
	s15 =	simm.s32 $0x3E80;
	s11 =	simm.s32 $0x8E80;
	v19 =	vld [tilespmem:s2+$0x30];
	v25 =	vmul.f32 v62, v61;
	v23 =	vmul.f32 v22, v18;
	[tilespmem:s6+$0x70] =	vst v63  }
.LBB2_5:
0x390: {  	v27 =	vld [tilespmem:s19+$0x0];
	v24 =	vsub.f32 $2.000000000e+00, v24;
	v9 =	vshll.u32 v9, $0x10;
	v20 =	vmul.f32 v26, v20;
	s1 =	sadd.s32 $0x100, s1  }
0x391: {  	v23 =	vsub.f32 $2.000000000e+00, v23;
	v10 =	vshll.u32 v10, $0x10;
	v26 =	vld [tilespmem:s1+$0x0];
	v25 =	vmul.f32 v9, v25  }
0x392: {  	s8 =	sadd.s32 $0x100, s8;
	v28 =	vld [tilespmem:s1+$0x40];
	v21 =	vmul.f32 v21, v24;
	v20 =	vmul.f32 v10, v20;
	v24 =	vand.u32 $0xFFFF0000, v14  }
0x393: {  	v5 =	vmul.f32 v11, v5;
	v22 =	vmul.f32 v22, v23;
	v23 =	vand.u32 $0xFFFF0000, v16;
	v9 =	vld [tilespmem:s8+$0x0];
	[tilespmem:s12+$0x10] =	vst v25  }
0x394: {  	v6 =	vmul.f32 v15, v6;
	v10 =	vld [tilespmem:s8+$0x40];
	v17 =	vmul.f32 v21, v17;
	[tilespmem:s12+$0x50] =	vst v20;
	v20 =	vand.u32 $0xFFFF0000, v7  }
0x395: {  	v18 =	vmul.f32 v22, v18;
	v25 =	vld [tilespmem:s0+$0x20];
	v19 =	vadd.f32 v20, v19;
	v20 =	vmul.f32 v3, v4  }
0x396: {  	v30 =	vsub.f32 $2.000000000e+00, v5;
	v4 =	vsub.f32 $2.000000000e+00, v17;
	v29 =	vld [tilespmem:s15+$0x20];
	v17 =	vshll.u32 v14, $0x10  }
0x397: {  	v5 =	vshll.u32 v16, $0x10;
	v18 =	vsub.f32 $2.000000000e+00, v18;
	v14 =	vld [tilespmem:s16+$0x20];
	v8 =	vadd.f32 v8, v19  }
0x398: {  	v6 =	vsub.f32 $2.000000000e+00, v6;
	v19 =	vsub.f32 $2.000000000e+00, v20;
	v16 =	vmul.f32 v4, v21;
	v4 =	vld [tilespmem:s16+$0x60]  }
0x399: {  	v11 =	vmul.f32 v30, v11;
	v18 =	vmul.f32 v18, v22;
	v20 =	vld [tilespmem:s15+$0x60];
	v21 =	vsub.f32 $0.0e+00, v8  }
0x39a: {  	v6 =	vmul.f32 v6, v15;
	v22 =	vand.u32 $0xFFFF0000, v9;
	v8 =	vld [tilespmem:s8+$0xFFFFFFC0];
	v13 =	vmul.f32 v13, v16  }
0x39b: {  	v30 =	vshll.u32 v27, $0x10;
	v22 =	vadd.f32 v22, v26;
	v16 =	vand.u32 $0xFFFF0000, v10;
	v15 =	vld [tilespmem:s8+$0xFFFFFF80]  }
0x39c: {  	v27 =	vand.u32 $0xFFFF0000, v27;
	v16 =	vadd.f32 v16, v28;
	v26 =	vld [tilespmem:s1+$0xFFFFFF80];
	[tilespmem:s12+$0xFFFFFF90] =	vst v13;
	v13 =	vand.u32 $0xFFFF0000, v14  }
0x39d: {  	v22 =	vadd.f32 v30, v22;
	v28 =	vld [tilespmem:s1+$0xFFFFFFC0];
	v30 =	vand.u32 $0xFFFF0000, v4;
	v13 =	vadd.f32 v13, v29  }
0x39e: {  	v16 =	vadd.f32 v27, v16;
	v27 =	vshll.u32 v25, $0x10;
	v29 =	vld [tilespmem:s19+$0xFFFFFF80];
	v20 =	vadd.f32 v30, v20  }
0x39f: {  	v22 =	vsub.f32 $0.0e+00, v22;
	v25 =	vand.u32 $0xFFFF0000, v25;
	v13 =	vadd.f32 v27, v13;
	v27 =	vld [tilespmem:s2+$0xFFFFFFB0]  }
0x3a0: {  	s10 =	sadd.s32 $0x2, s10;
	v16 =	vsub.f32 $0.0e+00, v16;
	v30 =	vand.u32 $0xFFFF0000, v15;
	v20 =	vadd.f32 v25, v20;
	v25 =	vld [tilespmem:s2+$0xFFFFFFF0];
	s2 =	smov.u32 s15;
	s15 =	smov.u32 s1  }
0x3a1: {  	p2 =	slt.u32 s10, $0x26;
	v31 =	vand.u32 $0xFFFF0000, v8;
	v22 =	vmul.f32 $1.442695020e+00, v22;
	v13 =	vsub.f32 $0.0e+00, v13;
	v32 =	vld [tilespmem:s7+$0xFFFFFFB0];
	s7 =	smov.u32 s0;
	s0 =	smov.u32 s19  }
0x3a2: {  	v26 =	vadd.f32 v30, v26;
	v16 =	vmul.f32 $1.442695020e+00, v16;
	v20 =	vsub.f32 $0.0e+00, v20  }
0x3a3: {  	v28 =	vadd.f32 v31, v28;
	(erf) = vpow2.f32 v22;
	v13 =	vmul.f32 $1.442695020e+00, v13  }
0x3a4: {  	v22 =	vshll.u32 v29, $0x10;
	(erf) = vpow2.f32 v16;
	v16 =	vmul.f32 $1.442695020e+00, v20  }
0x3a5: {  	v20 =	vand.u32 $0xFFFF0000, v29;
	v22 =	vadd.f32 v22, v26;
	(erf) = vpow2.f32 v13  }
0x3a6: {  	v13 =	vshll.u32 v15, $0x10;
	v15 =	vadd.f32 v20, v28;
	(erf) = vpow2.f32 v16  }
0x3a7: {  	v12 =	vmul.f32 v12, v18;
	v8 =	vshll.u32 v8, $0x10;
	v16 =	vsub.f32 $0.0e+00, v22  }
0x3a8: {  	v20 =	vadd.f32 v24, v27;
	v18 =	vshll.u32 v32, $0x10;
	v15 =	vsub.f32 $0.0e+00, v15  }
0x3a9: {  	v22 =	vadd.f32 v23, v25;
	v16 =	vmul.f32 $1.442695020e+00, v16;
	[tilespmem:s12+$0xFFFFFFD0] =	vst v12;
	v12 =	vand.u32 $0xFFFF0000, v32  }
0x3aa: {  	v18 =	vadd.f32 v18, v20;
	v20 =	vmul.f32 $1.442695020e+00, v21;
	v24 =	vmul.f32 $1.442695020e+00, v15;
	v23 =	vld [tilespmem:s16+$0xFFFFFFA0]  }
0x3ab: {  	v3 =	vmul.f32 v19, v3;
	v21 =	vadd.f32 v12, v22;
	(erf) = vpow2.f32 v16;
	v16 =	vld [tilespmem:s16+$0xFFFFFFE0]  }
0x3ac: {  	v18 =	vsub.f32 $0.0e+00, v18;
	v12 =	vshll.u32 v7, $0x10;
	(erf) = vpow2.f32 v24;
	v15 =	vpop (erf);
	v19 =	vld [tilespmem:s2+$0xFFFFFFA0]  }
0x3ad: {  	v21 =	vsub.f32 $0.0e+00, v21;
	v7 =	vadd.f32 $1.000000000e+00, v15;
	v15 =	vpop (erf);
	v22 =	vld [tilespmem:s2+$0xFFFFFFE0];
	(erf) = vpow2.f32 v20  }
0x3ae: {  	v29 =	vmul.f32 v0, v11;
	v18 =	vmul.f32 $1.442695020e+00, v18;
	v15 =	vadd.f32 $1.000000000e+00, v15;
	v20 =	vld [tilespmem:s7+$0xFFFFFFA0];
	v24 =	vpop (erf)  }
0x3af: {  	v11 =	vsub.s32 $0x7EF311C3, v7;
	v25 =	vand.u32 $0xFFFF0000, v23;
	v24 =	vadd.f32 $1.000000000e+00, v24;
	v26 =	vpop (erf)  }
0x3b0: {  	v0 =	vmovc v17;
	v27 =	vmul.f32 v11, v7;
	v28 =	vsub.s32 $0x7EF311C3, v15;
	v26 =	vadd.f32 $1.000000000e+00, v26;
	[tilespmem:s5+$0xFFFFFFB0] =	vst v29  }
0x3b1: {  	v29 =	vand.u32 $0xFFFF0000, v16;
	v17 =	vmul.f32 v28, v15;
	v30 =	vsub.s32 $0x7EF311C3, v24  }
0x3b2: {  	v33 =	vsub.f32 $2.000000000e+00, v27;
	v31 =	vmul.f32 v30, v24;
	v32 =	vsub.s32 $0x7EF311C3, v26  }
0x3b3: {  	v19 =	vadd.f32 v25, v19;
	v17 =	vsub.f32 $2.000000000e+00, v17;
	v25 =	vmul.f32 v32, v26  }
0x3b4: {  	v22 =	vadd.f32 v29, v22;
	v11 =	vmul.f32 v11, v33;
	v27 =	vpop (erf);
	v29 =	vsub.f32 $2.000000000e+00, v31  }
0x3b5: {  	v27 =	vadd.f32 $1.000000000e+00, v27;
	v17 =	vmul.f32 v28, v17;
	v28 =	vpop (erf);
	v25 =	vsub.f32 $2.000000000e+00, v25  }
0x3b6: {  	v28 =	vadd.f32 $1.000000000e+00, v28;
	v7 =	vmul.f32 v11, v7;
	v29 =	vmul.f32 v30, v29;
	v30 =	vpop (erf)  }
0x3b7: {  	v31 =	vsub.s32 $0x7EF311C3, v27;
	v15 =	vmul.f32 v17, v15;
	v25 =	vmul.f32 v32, v25  }
0x3b8: {  	v32 =	vsub.s32 $0x7EF311C3, v28;
	v7 =	vsub.f32 $2.000000000e+00, v7;
	v24 =	vmul.f32 v29, v24  }
0x3b9: {  	v33 =	vmul.f32 v31, v27;
	v15 =	vsub.f32 $2.000000000e+00, v15;
	v26 =	vmul.f32 v25, v26  }
0x3ba: {  	v34 =	vmul.f32 v32, v28;
	v7 =	vmul.f32 v7, v11;
	v11 =	vsub.f32 $2.000000000e+00, v24  }
0x3bb: {  	v9 =	vshll.u32 v9, $0x10;
	v15 =	vmul.f32 v15, v17;
	v17 =	vsub.f32 $2.000000000e+00, v26  }
0x3bc: {  	v10 =	vshll.u32 v10, $0x10;
	v7 =	vmul.f32 v9, v7;
	v9 =	vmul.f32 v11, v29  }
0x3bd: {  	s12 =	sadd.s32 $0x100, s12;
	v11 =	vshll.u32 v14, $0x10;
	v10 =	vmul.f32 v10, v15;
	v14 =	vmul.f32 v17, v25  }
0x3be: {  	v4 =	vshll.u32 v4, $0x10;
	v15 =	vsub.f32 $2.000000000e+00, v33;
	[tilespmem:s12+$0x0] =	vst v7;
	v7 =	vmul.f32 v11, v9  }
0x3bf: {  	v9 =	vsub.f32 $2.000000000e+00, v34;
	[tilespmem:s12+$0x40] =	vst v10;
	v10 =	vshll.u32 v20, $0x10;
	v4 =	vmul.f32 v4, v14  }
0x3c0: {  	v15 =	vmul.f32 v31, v15;
	v14 =	vand.u32 $0xFFFF0000, v20;
	v10 =	vadd.f32 v10, v19;
	[tilespmem:s11+$0x20] =	vst v7  }
0x3c1: {  	v11 =	vshll.u32 v23, $0x10;
	v17 =	vmul.f32 v32, v9;
	v9 =	vadd.f32 v14, v22;
	v19 =	vld [tilespmem:s19+$0x10];
	[tilespmem:s11+$0x60] =	vst v4  }
0x3c2: {  	v14 =	vshll.u32 v16, $0x10;
	v4 =	vmul.f32 v15, v27;
	v10 =	vsub.f32 $0.0e+00, v10;
	v7 =	vld [tilespmem:s16+$0x70]  }
0x3c3: {  	v21 =	vmul.f32 $1.442695020e+00, v21;
	v16 =	vmul.f32 v17, v28;
	v9 =	vsub.f32 $0.0e+00, v9;
	v20 =	vld [tilespmem:s2+$0x70]  }
0x3c4: {  	v4 =	vsub.f32 $2.000000000e+00, v4;
	v10 =	vmul.f32 $1.442695020e+00, v10;
	v22 =	vld [tilespmem:s7+$0x30];
	(erf) = vpow2.f32 v18  }
0x3c5: {  	v16 =	vsub.f32 $2.000000000e+00, v16;
	v23 =	vmul.f32 $1.442695020e+00, v9;
	v18 =	vld [tilespmem:s1+$0x10];
	(erf) = vpow2.f32 v21  }
0x3c6: {  	v15 =	vmul.f32 v4, v15;
	v4 =	vadd.f32 $1.000000000e+00, v30;
	v9 =	vld [tilespmem:s8+$0x10];
	(erf) = vpow2.f32 v10  }
0x3c7: {  	v16 =	vmul.f32 v16, v17;
	v10 =	vld [tilespmem:s8+$0x50];
	v17 =	vand.u32 $0xFFFF0000, v7;
	(erf) = vpow2.f32 v23  }
0x3c8: {  	v13 =	vmul.f32 v13, v15;
	v15 =	vld [tilespmem:s1+$0x50];
	v17 =	vadd.f32 v17, v20;
	v20 =	vsub.s32 $0x7EF311C3, v4  }
0x3c9: {  	v16 =	vmul.f32 v8, v16;
	v8 =	vshll.u32 v22, $0x10;
	v21 =	vand.u32 $0xFFFF0000, v22  }
0x3ca: {  	v6 =	vmul.f32 v2, v6;
	[tilespmem:s12+$0xFFFFFF80] =	vst v13;
	v13 =	vadd.f32 v21, v17;
	v21 =	vmul.f32 v20, v4  }
0x3cb: {  	v2 =	vmovc v5;
	v3 =	vmul.f32 v1, v3;
	v1 =	vmov v12;
	[tilespmem:s12+$0xFFFFFFC0] =	vst v16;
	v16 =	vand.u32 $0xFFFF0000, v9  }
0x3cc: {  	v12 =	vld [tilespmem:s8+$0xFFFFFF90];
	v5 =	vand.u32 $0xFFFF0000, v10;
	v16 =	vadd.f32 v16, v18;
	v13 =	vsub.f32 $0.0e+00, v13;
	[tilespmem:s5+$0xFFFFFFF0] =	vst v6  }
0x3cd: {  	v22 =	vshll.u32 v19, $0x10;
	v6 =	vld [tilespmem:s8+$0xFFFFFFD0];
	v5 =	vadd.f32 v5, v15;
	v15 =	vsub.f32 $2.000000000e+00, v21;
	v17 =	vpop (erf);
	[tilespmem:s5+$0x30] =	vst v3;
	s5 =	smov.u32 s6;
	s6 =	smov.u32 s11;
	s11 =	smov.u32 s12  }
0x3ce: {  	v3 =	vand.u32 $0xFFFF0000, v19;
	v21 =	vld [tilespmem:s1+$0xFFFFFF90];
	v16 =	vadd.f32 v22, v16;
	v13 =	vmul.f32 $1.442695020e+00, v13;
	v18 =	vpop (erf)  }
0x3cf: {  	v19 =	vld [tilespmem:s1+$0xFFFFFFD0];
	v22 =	vadd.f32 v3, v5;
	v23 =	vpop (erf);
	v5 =	vadd.f32 $1.000000000e+00, v17;
	v3 =	vmul.f32 v20, v15  }
0x3d0: {  	v15 =	vld [tilespmem:s19+$0xFFFFFF90];
	v16 =	vsub.f32 $0.0e+00, v16;
	v17 =	vadd.f32 $1.000000000e+00, v23;
	v20 =	vpop (erf);
	(erf) = vpow2.f32 v13  }
0x3d1: {  	v13 =	vshll.u32 v12, $0x10;
	v23 =	vand.u32 $0xFFFF0000, v12;
	v22 =	vsub.f32 $0.0e+00, v22  }
0x3d2: {  	v12 =	vshll.u32 v6, $0x10;
	v6 =	vand.u32 $0xFFFF0000, v6;
	v16 =	vmul.f32 $1.442695020e+00, v16  }
0x3d3: {  	v20 =	vadd.f32 $1.000000000e+00, v20;
	v21 =	vadd.f32 v23, v21;
	v22 =	vmul.f32 $1.442695020e+00, v22  }
0x3d4: {  	v6 =	vadd.f32 v6, v19;
	(erf) = vpow2.f32 v16;
	v16 =	vsub.s32 $0x7EF311C3, v17  }
0x3d5: {  	v19 =	vshll.u32 v15, $0x10;
	v15 =	vand.u32 $0xFFFF0000, v15;
	(erf) = vpow2.f32 v22  }
0x3d6: {  	v19 =	vadd.f32 v19, v21;
	v15 =	vadd.f32 v15, v6;
	v21 =	vsub.s32 $0x7EF311C3, v20  }
0x3d7: {  	v22 =	vmul.f32 v16, v17;
	v6 =	vadd.f32 $1.000000000e+00, v18;
	v23 =	vmul.f32 v21, v20  }
0x3d8: {  	v18 =	vsub.f32 $0.0e+00, v19;
	v15 =	vsub.f32 $0.0e+00, v15;
	v19 =	vsub.s32 $0x7EF311C3, v5  }
0x3d9: {  	v22 =	vsub.f32 $2.000000000e+00, v22;
	v27 =	vsub.s32 $0x7EF311C3, v6;
	v23 =	vsub.f32 $2.000000000e+00, v23;
	v24 =	vpop (erf)  }
0x3da: {  	v18 =	vmul.f32 $1.442695020e+00, v18;
	v25 =	vmul.f32 $1.442695020e+00, v15;
	v24 =	vadd.f32 $1.000000000e+00, v24  }
0x3db: {  	v16 =	vmul.f32 v16, v22;
	v21 =	vmul.f32 v21, v23  }
0x3dc: {  	v22 =	vmul.f32 v19, v5;
	(erf) = vpow2.f32 v18;
	v18 =	vsub.s32 $0x7EF311C3, v24  }
0x3dd: {  	(erf) = vpow2.f32 v25;
	v15 =	vpop (erf);
	v23 =	vmul.f32 v18, v24  }
0x3de: {  	v17 =	vmul.f32 v16, v17;
	v20 =	vmul.f32 v21, v20;
	v15 =	vadd.f32 $1.000000000e+00, v15;
	v25 =	vpop (erf)  }
0x3df: {  	v26 =	vmul.f32 v27, v6;
	v25 =	vadd.f32 $1.000000000e+00, v25;
	v23 =	vsub.f32 $2.000000000e+00, v23  }
0x3e0: {  	v17 =	vsub.f32 $2.000000000e+00, v17;
	v20 =	vsub.f32 $2.000000000e+00, v20;
	v28 =	vsub.s32 $0x7EF311C3, v15  }
0x3e1: {  	v29 =	vmul.f32 v28, v15;
	v30 =	vsub.s32 $0x7EF311C3, v25;
	v23 =	vmul.f32 v18, v23  }
0x3e2: {  	v22 =	vsub.f32 $2.000000000e+00, v22;
	v31 =	vmul.f32 v17, v16;
	v18 =	vmul.f32 v30, v25  }
0x3e3: {  	v20 =	vmul.f32 v20, v21;
	v17 =	vsub.f32 $2.000000000e+00, v29;
	v21 =	vmul.f32 v23, v24  }
0x3e4: {  	v11 =	vmul.f32 v11, v31;
	v29 =	vsub.f32 $2.000000000e+00, v26;
	v18 =	vsub.f32 $2.000000000e+00, v18  }
0x3e5: {  	v14 =	vmul.f32 v14, v20;
	v28 =	vmul.f32 v28, v17;
	v16 =	vpop (erf);
	v21 =	vsub.f32 $2.000000000e+00, v21  }
0x3e6: {  	v17 =	vadd.f32 $1.000000000e+00, v16;
	v20 =	vmul.f32 v30, v18;
	v16 =	vpop (erf);
	[tilespmem:s6+$0xFFFFFFA0] =	vst v11;
	v11 =	vmul.f32 v19, v22  }
.Ltmp1:
0x3e7: {  	v18 =	vadd.f32 $1.000000000e+00, v16;
	v15 =	vmul.f32 v28, v15;
	[tilespmem:s6+$0xFFFFFFE0] =	vst v14;
	v19 =	vmul.f32 v21, v23;
	(pc) =	sbr.rel @p2 .LBB2_5-.Ltmp1, $4  }
0x3e8: {  	v7 =	vshll.u32 v7, $0x10;
	v21 =	vsub.s32 $0x7EF311C3, v17;
	v25 =	vmul.f32 v20, v25;
	v14 =	vld [tilespmem:s16+$0xFFFFFFB0]  }
0x3e9: {  	v22 =	vsub.s32 $0x7EF311C3, v18;
	v15 =	vsub.f32 $2.000000000e+00, v15;
	v16 =	vld [tilespmem:s16+$0xFFFFFFF0];
	v30 =	vmul.f32 v7, v19  }
0x3ea: {  	v24 =	vmul.f32 v21, v17;
	v23 =	vmul.f32 v22, v18;
	v26 =	vsub.f32 $2.000000000e+00, v25;
	v19 =	vld [tilespmem:s2+$0x30]  }
0x3eb: {  	s19 =	sadd.s32 $0x100, s19;
	v25 =	vmul.f32 v15, v28;
	v7 =	vld [tilespmem:s16+$0x30];
	[tilespmem:s6+$0x70] =	vst v30;
	v15 =	vmul.f32 v27, v29;
	s16 =	smov.u32 s8  }
0x3ec: {  	v24 =	vsub.f32 $2.000000000e+00, v24  }
0x3ed: {  	v9 =	vshll.u32 v9, $0x10;
	v20 =	vmul.f32 v26, v20;
	v62 =	vsub.f32 $2.000000000e+00, v23  }
0x3ee: {  	v10 =	vshll.u32 v10, $0x10;
	v9 =	vmul.f32 v9, v25;
	v63 =	vmul.f32 v21, v24  }
0x3ef: {  	v10 =	vmul.f32 v10, v20;
	v28 =	vmul.f32 v22, v62  }
0x3f0: {  	[tilespmem:s12+$0x10] =	vst v9;
	v17 =	vmul.f32 v63, v17  }
0x3f1: {  	[tilespmem:s12+$0x50] =	vst v10;
	v18 =	vmul.f32 v28, v18  }
0x3f2: {  	v29 =	vld [tilespmem:s0+$0x20];
	v17 =	vsub.f32 $2.000000000e+00, v17  }
0x3f3: {  	v30 =	vld [tilespmem:s15+$0x20];
	v18 =	vsub.f32 $2.000000000e+00, v18  }
0x3f4: {  	v22 =	vld [tilespmem:s16+$0x20];
	v9 =	vmul.f32 v17, v63  }
0x3f5: {  	v23 =	vld [tilespmem:s16+$0x60];
	v10 =	vmul.f32 v18, v28  }
0x3f6: {  	v31 =	vld [tilespmem:s15+$0x60];
	v9 =	vmul.f32 v13, v9  }
0x3f7: {  	v34 =	vld [tilespmem:s2+$0xFFFFFFB0];
	v10 =	vmul.f32 v12, v10  }
0x3f8: {  	v37 =	vld [tilespmem:s2+$0xFFFFFFF0];
	[tilespmem:s12+$0xFFFFFF90] =	vst v9  }
0x3f9: {  	v38 =	vld [tilespmem:s7+$0xFFFFFFB0];
	v32 =	vand.u32 $0xFFFF0000, v22;
	[tilespmem:s12+$0xFFFFFFD0] =	vst v10  }
0x3fa: {  	v39 =	vand.u32 $0xFFFF0000, v7;
	v33 =	vand.u32 $0xFFFF0000, v23;
	v13 =	vadd.f32 v32, v30;
	v40 =	vld [tilespmem:s16+$0xFFFFFFA0]  }
0x3fb: {  	v35 =	vshll.u32 v29, $0x10;
	v36 =	vadd.f32 v33, v31;
	v10 =	vadd.f32 v39, v19;
	v19 =	vld [tilespmem:s16+$0xFFFFFFE0]  }
0x3fc: {  	v45 =	vand.u32 $0xFFFF0000, v16;
	v20 =	vand.u32 $0xFFFF0000, v29;
	v9 =	vadd.f32 v35, v13;
	v41 =	vld [tilespmem:s15+$0xFFFFFFA0]  }
0x3fd: {  	v43 =	vand.u32 $0xFFFF0000, v14;
	v17 =	vadd.f32 v45, v37;
	v12 =	vadd.f32 v20, v36;
	v42 =	vld [tilespmem:s15+$0xFFFFFFE0]  }
0x3fe: {  	v46 =	vshll.u32 v38, $0x10;
	v44 =	vld [tilespmem:s0+$0xFFFFFFA0];
	v8 =	vadd.f32 v8, v10;
	v9 =	vsub.f32 $0.0e+00, v9  }
0x3ff: {  	v47 =	vadd.f32 v43, v34;
	v13 =	vand.u32 $0xFFFF0000, v38;
	v12 =	vsub.f32 $0.0e+00, v12  }
0x400: {  	v13 =	vadd.f32 v13, v17;
	v8 =	vsub.f32 $0.0e+00, v8;
	v9 =	vmul.f32 $1.442695020e+00, v9  }
0x401: {  	v12 =	vmul.f32 $1.442695020e+00, v12;
	v48 =	vand.u32 $0xFFFF0000, v40;
	v49 =	vand.u32 $0xFFFF0000, v19  }
0x402: {  	(erf) = vpow2.f32 v9;
	v9 =	vadd.f32 v46, v47;
	v18 =	vadd.f32 v48, v41  }
0x403: {  	v50 =	vshll.u32 v44, $0x10;
	v51 =	vand.u32 $0xFFFF0000, v44;
	v10 =	vadd.f32 v49, v42  }
0x404: {  	(erf) = vpow2.f32 v12;
	v9 =	vsub.f32 $0.0e+00, v9;
	v12 =	vadd.f32 v50, v18  }
0x405: {  	v13 =	vsub.f32 $0.0e+00, v13;
	v8 =	vmul.f32 $1.442695020e+00, v8;
	v10 =	vadd.f32 v51, v10  }
0x406: {  	v9 =	vmul.f32 $1.442695020e+00, v9;
	v12 =	vsub.f32 $0.0e+00, v12  }
0x407: {  	v53 =	vmul.f32 $1.442695020e+00, v13;
	(erf) = vpow2.f32 v8;
	v52 =	vsub.f32 $0.0e+00, v10  }
0x408: {  	v12 =	vmul.f32 $1.442695020e+00, v12;
	(erf) = vpow2.f32 v9  }
0x409: {  	v8 =	vmul.f32 $1.442695020e+00, v52;
	(erf) = vpow2.f32 v53  }
0x40a: {  	(erf) = vpow2.f32 v12  }
0x40b: {  	(erf) = vpow2.f32 v8  }
0x40c: {  	v54 =	vpop (erf)  }
0x40d: {  	v55 =	vpop (erf);
	v8 =	vadd.f32 $1.000000000e+00, v54  }
0x40e: {  	v9 =	vadd.f32 $1.000000000e+00, v55  }
0x40f: {  	v56 =	vsub.s32 $0x7EF311C3, v8  }
0x410: {  	v10 =	vpop (erf);
	v57 =	vmul.f32 v56, v8;
	v58 =	vsub.s32 $0x7EF311C3, v9  }
0x411: {  	v59 =	vmul.f32 v58, v9;
	v18 =	vpop (erf)  }
0x412: {  	v13 =	vsub.f32 $2.000000000e+00, v57;
	v24 =	vpop (erf)  }
0x413: {  	v21 =	vsub.f32 $2.000000000e+00, v59;
	v60 =	vpop (erf)  }
0x414: {  	v12 =	vmul.f32 v56, v13;
	v25 =	vadd.f32 $1.000000000e+00, v60;
	v61 =	vpop (erf)  }
0x415: {  	v17 =	vmul.f32 v58, v21;
	v62 =	vadd.f32 $1.000000000e+00, v61  }
0x416: {  	v8 =	vmul.f32 v12, v8;
	v63 =	vsub.s32 $0x7EF311C3, v25  }
0x417: {  	v9 =	vmul.f32 v17, v9;
	v26 =	vsub.s32 $0x7EF311C3, v62;
	v27 =	vmul.f32 v63, v25  }
0x418: {  	v8 =	vsub.f32 $2.000000000e+00, v8;
	v28 =	vmul.f32 v26, v62  }
0x419: {  	v9 =	vsub.f32 $2.000000000e+00, v9;
	v27 =	vsub.f32 $2.000000000e+00, v27  }
0x41a: {  	v8 =	vmul.f32 v8, v12;
	v28 =	vsub.f32 $2.000000000e+00, v28  }
0x41b: {  	v33 =	vshll.u32 v22, $0x10;
	v9 =	vmul.f32 v9, v17;
	v32 =	vmul.f32 v63, v27  }
0x41c: {  	v35 =	vshll.u32 v23, $0x10;
	v8 =	vmul.f32 v33, v8;
	v34 =	vmul.f32 v26, v28  }
0x41d: {  	v9 =	vmul.f32 v35, v9;
	v36 =	vmul.f32 v32, v25  }
0x41e: {  	[tilespmem:s11+$0x20] =	vst v8;
	v13 =	vmul.f32 v34, v62  }
0x41f: {  	[tilespmem:s11+$0x60] =	vst v9;
	v37 =	vsub.f32 $2.000000000e+00, v36  }
0x420: {  	v38 =	vsub.f32 $2.000000000e+00, v13;
	v13 =	vld [tilespmem:s16+$0x70]  }
0x421: {  	v39 =	vshll.u32 v40, $0x10;
	v40 =	vld [tilespmem:s15+$0x70];
	v8 =	vmul.f32 v37, v32  }
0x422: {  	v42 =	vld [tilespmem:s0+$0x30];
	v9 =	vmul.f32 v38, v34  }
0x423: {  	v41 =	vshll.u32 v19, $0x10;
	v8 =	vmul.f32 v39, v8  }
0x424: {  	v9 =	vmul.f32 v41, v9  }
0x425: {  	v45 =	vld [tilespmem:s15+$0x30];
	[tilespmem:s11+$0xFFFFFFA0] =	vst v8;
	v43 =	vand.u32 $0xFFFF0000, v13  }
0x426: {  	v20 =	vld [tilespmem:s16+$0x30];
	[tilespmem:s11+$0xFFFFFFE0] =	vst v9;
	v8 =	vadd.f32 v43, v40  }
0x427: {  	v44 =	vand.u32 $0xFFFF0000, v42;
	v9 =	vld [tilespmem:s16+$0xFFFFFFB0]  }
0x428: {  	v17 =	vld [tilespmem:s16+$0xFFFFFFF0];
	v8 =	vadd.f32 v44, v8  }
0x429: {  	v46 =	vld [tilespmem:s15+$0xFFFFFFB0]  }
0x42a: {  	v47 =	vld [tilespmem:s15+$0xFFFFFFF0];
	v8 =	vsub.f32 $0.0e+00, v8  }
0x42b: {  	v48 =	vld [tilespmem:s0+$0xFFFFFFB0]  }
0x42c: {  	v8 =	vmul.f32 $1.442695020e+00, v8  }
0x42d: {  	v49 =	vand.u32 $0xFFFF0000, v20  }
0x42e: {  	v50 =	vand.u32 $0xFFFF0000, v9;
	(erf) = vpow2.f32 v8;
	v8 =	vadd.f32 v49, v45  }
0x42f: {  	v51 =	vshll.u32 v42, $0x10;
	v52 =	vand.u32 $0xFFFF0000, v17;
	v21 =	vadd.f32 v50, v46  }
0x430: {  	v53 =	vshll.u32 v48, $0x10;
	v19 =	vadd.f32 v52, v47;
	v8 =	vadd.f32 v51, v8  }
0x431: {  	v5 =	vmul.f32 v11, v5;
	v54 =	vand.u32 $0xFFFF0000, v48;
	v12 =	vadd.f32 v53, v21  }
0x432: {  	v4 =	vmul.f32 v3, v4;
	v19 =	vadd.f32 v54, v19;
	v8 =	vsub.f32 $0.0e+00, v8  }
0x433: {  	v6 =	vmul.f32 v15, v6;
	v5 =	vsub.f32 $2.000000000e+00, v5;
	v12 =	vsub.f32 $0.0e+00, v12  }
0x434: {  	v4 =	vsub.f32 $2.000000000e+00, v4;
	v19 =	vsub.f32 $0.0e+00, v19;
	v8 =	vmul.f32 $1.442695020e+00, v8  }
0x435: {  	v6 =	vsub.f32 $2.000000000e+00, v6;
	v5 =	vmul.f32 v5, v11;
	v12 =	vmul.f32 $1.442695020e+00, v12  }
0x436: {  	v10 =	vadd.f32 $1.000000000e+00, v10;
	v56 =	vmul.f32 $1.442695020e+00, v19;
	(erf) = vpow2.f32 v8  }
0x437: {  	v6 =	vmul.f32 v6, v15;
	v63 =	vadd.f32 $1.000000000e+00, v18;
	(erf) = vpow2.f32 v12  }
0x438: {  	v27 =	vsub.s32 $0x7EF311C3, v10;
	v28 =	vadd.f32 $1.000000000e+00, v24;
	v55 =	vpop (erf);
	(erf) = vpow2.f32 v56  }
0x439: {  	v29 =	vmul.f32 v27, v10;
	v18 =	vsub.s32 $0x7EF311C3, v63;
	v58 =	vadd.f32 $1.000000000e+00, v55  }
0x43a: {  	v0 =	vmul.f32 v0, v5;
	v30 =	vsub.s32 $0x7EF311C3, v28;
	v31 =	vmul.f32 v18, v63  }
0x43b: {  	v5 =	vsub.f32 $2.000000000e+00, v29;
	v33 =	vmul.f32 v30, v28;
	v60 =	vsub.s32 $0x7EF311C3, v58  }
0x43c: {  	v62 =	vmul.f32 v4, v3;
	v22 =	vsub.f32 $2.000000000e+00, v31;
	v61 =	vmul.f32 v60, v58  }
0x43d: {  	v2 =	vmul.f32 v2, v6;
	v5 =	vmul.f32 v27, v5;
	v36 =	vsub.f32 $2.000000000e+00, v33  }
0x43e: {  	v1 =	vmul.f32 v1, v62;
	v18 =	vmul.f32 v18, v22;
	v11 =	vsub.f32 $2.000000000e+00, v61  }
0x43f: {  	v59 =	vshll.u32 v16, $0x10;
	v10 =	vmul.f32 v5, v10;
	v3 =	vmul.f32 v30, v36;
	v34 =	vpop (erf)  }
0x440: {  	v4 =	vmul.f32 v18, v63;
	v8 =	vmul.f32 v60, v11;
	v35 =	vpop (erf);
	v11 =	vadd.f32 $1.000000000e+00, v34  }
0x441: {  	v13 =	vshll.u32 v13, $0x10;
	v16 =	vmul.f32 v3, v28;
	v37 =	vpop (erf);
	v23 =	vadd.f32 $1.000000000e+00, v35  }
0x442: {  	v19 =	vmul.f32 v8, v58;
	v6 =	vadd.f32 $1.000000000e+00, v37;
	v42 =	vsub.s32 $0x7EF311C3, v11  }
0x443: {  	v4 =	vsub.f32 $2.000000000e+00, v4;
	v39 =	vsub.s32 $0x7EF311C3, v23;
	v44 =	vmul.f32 v42, v11  }
0x444: {  	v38 =	vsub.f32 $2.000000000e+00, v19;
	v40 =	vsub.s32 $0x7EF311C3, v6;
	v41 =	vmul.f32 v39, v23  }
0x445: {  	v46 =	vsub.f32 $2.000000000e+00, v16;
	v43 =	vmul.f32 v40, v6;
	v21 =	vsub.f32 $2.000000000e+00, v44  }
0x446: {  	v4 =	vmul.f32 v4, v18;
	v8 =	vmul.f32 v38, v8;
	v22 =	vsub.f32 $2.000000000e+00, v41  }
0x447: {  	v50 =	vmul.f32 v46, v3;
	v45 =	vsub.f32 $2.000000000e+00, v43;
	v47 =	vmul.f32 v42, v21  }
0x448: {  	v57 =	vshll.u32 v14, $0x10;
	v8 =	vmul.f32 v13, v8;
	v19 =	vmul.f32 v39, v22  }
0x449: {  	v49 =	vsub.f32 $2.000000000e+00, v10;
	v13 =	vmul.f32 v40, v45;
	v51 =	vmul.f32 v47, v11  }
0x44a: {  	[tilespmem:s5+$0xFFFFFFB0] =	vst v0;
	v53 =	vmul.f32 v57, v4;
	v48 =	vmul.f32 v19, v23  }
0x44b: {  	[tilespmem:s5+$0xFFFFFFF0] =	vst v2;
	v0 =	vmul.f32 v49, v5;
	v6 =	vmul.f32 v13, v6;
	v3 =	vsub.f32 $2.000000000e+00, v51  }
0x44c: {  	v32 =	vshll.u32 v7, $0x10;
	[tilespmem:s5+$0x30] =	vst v1;
	v2 =	vmul.f32 v59, v50;
	v52 =	vsub.f32 $2.000000000e+00, v48  }
0x44d: {  	[tilespmem:s6+$0xFFFFFFB0] =	vst v53;
	v0 =	vmul.f32 v32, v0;
	v54 =	vsub.f32 $2.000000000e+00, v6;
	v59 =	vmul.f32 v3, v47  }
0x44e: {  	[tilespmem:s6+$0xFFFFFFF0] =	vst v2;
	v61 =	vshll.u32 v20, $0x10;
	v55 =	vmul.f32 v52, v19  }
0x44f: {  	[tilespmem:s6+$0x30] =	vst v0;
	v56 =	vshll.u32 v9, $0x10;
	v57 =	vmul.f32 v54, v13;
	v63 =	vmul.f32 v61, v59  }
0x450: {  	v58 =	vshll.u32 v17, $0x10;
	[tilespmem:s11+$0x70] =	vst v8;
	v60 =	vmul.f32 v56, v55  }
0x451: {  	v62 =	vmul.f32 v58, v57;
	[tilespmem:s11+$0x30] =	vst v63  }
0x452: {  	[tilespmem:s11+$0xFFFFFFB0] =	vst v60  }
0x453: {  	s28 =	simm.s32 $0x8C00;
	s3 =	sadd.s32 $0x1, s3;
	s0 =	simm.s32 @p1 $0x7;
	[tilespmem:s11+$0xFFFFFFF0] =	vst v62  }
0x454: {  	[spmem:s17] =	stream.indirect.scatter.add.f32 [tilespmem:s28], [sflag:$0x8], $0x80, s4, s13, $0xb8;
	[tilespmem:$0x1DC80] =	vst v63  }
0x455: {  	p2 =	sne.s32 s3, $0x7D;
	_ =	swait.ge @p1 [sflag:s0], $0x1400  }
.Ltmp2:
0x456: {  	[sflag:s0] =	ssyncset.done @p1 $0x0;
	(pc) =	sbr.rel @p2 .LBB2_2-.Ltmp2, $4  }
0x457: {  	[sflag:s0] =	ssyncadd.s32 @p1 $0xFFFFEC00;
	s0 =	simm.s32 @p1 $0x8  }
0x458: {  	_ =	swait.ge @p1 [sflag:s0], $0x1400  }
0x459: {  	[sflag:s0] =	ssyncset.done @p1 $0x0  }
0x45a: {  	[sflag:s0] =	ssyncadd.s32 @p1 $0xFFFFEC00  }
0x45b: {  	[bflag:$0x0] =	sbarrier.arrive $0xFFFF  }
0x45c: {  	s1 =	sld [smem:$0x7F3]  }
0x45d: {  	s0 =	rddreg [dreg:$0xc]  }
0x45e: {  	s2 =	simm.s32 $0xB;
	s7 =	rddreg [dreg:$0x1b]  }
0x45f: {  	[hbm:s0], [sflag:s7] =	dma.local [spmem:s1], $0x500  }
0x460: {  	_ =	swait.ge [sflag:s2], $0x500  }
0x461: {  	s3 =	sld [smem:$0x7F4]  }
0x462: {  	[sflag:s2] =	ssyncset.done $0x0  }
0x463: {  	s1 =	rddreg [dreg:$0xd];
	[sflag:s2] =	ssyncadd.s32 $0xFFFFFB00  }
0x464: {  	[hbm:s1], [sflag:s7] =	dma.local [spmem:s3], $0x500  }
0x465: {  	_ =	swait.ge [sflag:s2], $0x500  }
0x466: {  	s5 =	sld [smem:$0x7F5]  }
0x467: {  	[sflag:s2] =	ssyncset.done $0x0  }
0x468: {  	s4 =	rddreg [dreg:$0xe];
	[sflag:s2] =	ssyncadd.s32 $0xFFFFFB00  }
0x469: {  	[hbm:s4], [sflag:s7] =	dma.local [spmem:s5], $0x500  }
0x46a: {  	_ =	swait.ge [sflag:s2], $0x500  }
0x46b: {  	s8 =	sld [smem:$0x7F6]  }
0x46c: {  	[sflag:s2] =	ssyncset.done $0x0  }
0x46d: {  	s6 =	rddreg [dreg:$0xf];
	[sflag:s2] =	ssyncadd.s32 $0xFFFFFB00  }
0x46e: {  	[hbm:s6], [sflag:s7] =	dma.local [spmem:s8], $0x500  }
0x46f: {  	_ =	swait.ge [sflag:s2], $0x500  }
0x470: {  	s11 =	sld [smem:$0x7F7]  }
0x471: {  	[sflag:s2] =	ssyncset.done $0x0  }
0x472: {  	s10 =	rddreg [dreg:$0x10];
	[sflag:s2] =	ssyncadd.s32 $0xFFFFFB00  }
0x473: {  	[hbm:s10], [sflag:s7] =	dma.local [spmem:s11], $0x500  }
0x474: {  	_ =	swait.ge [sflag:s2], $0x500  }
0x475: {  	s15 =	sld [smem:$0x7F8]  }
0x476: {  	[sflag:s2] =	ssyncset.done $0x0  }
0x477: {  	s12 =	rddreg [dreg:$0x11];
	[sflag:s2] =	ssyncadd.s32 $0xFFFFFB00  }
0x478: {  	[hbm:s12], [sflag:s7] =	dma.local [spmem:s15], $0x500  }
0x479: {  	_ =	swait.ge [sflag:s2], $0x500  }
0x47a: {  	s19 =	sld [smem:$0x7F9]  }
0x47b: {  	[sflag:s2] =	ssyncset.done $0x0  }
0x47c: {  	s16 =	rddreg [dreg:$0x12];
	[sflag:s2] =	ssyncadd.s32 $0xFFFFFB00  }
0x47d: {  	[hbm:s16], [sflag:s7] =	dma.local [spmem:s19], $0x500  }
0x47e: {  	_ =	swait.ge [sflag:s2], $0x500  }
0x47f: {  	s1 =	sld [smem:$0x7FA]  }
0x480: {  	[sflag:s2] =	ssyncset.done $0x0  }
0x481: {  	s0 =	rddreg [dreg:$0x13];
	[sflag:s2] =	ssyncadd.s32 $0xFFFFFB00  }
0x482: {  	[hbm:s0], [sflag:s7] =	dma.local @!p0 [spmem:s1], $0x500  }
0x483: {  	s0 =	simm.s32 @!p0 $0xB  }
0x484: {  	_ =	swait.ge @!p0 [sflag:s0], $0x500  }
0x485: {  	s3 =	sld [smem:$0x7F2];
	_ =	sdelay $0x2  }
0x486: {  	s28 =	rddreg [dreg:$0x19];
	s3 =	sadd.s32 $0x1, s3  }
0x487: {  	p1 =	sne.s32 s3, s28  }
.Ltmp3:
0x488: {  	_ = 	snop;
	(pc) =	sbr.rel @p1 .LBB2_1-.Ltmp3, $3  }
0x489: {  	_ =	sdelay $0x1  }
0x48a: {  	[sflag:s0] =	ssyncset.done @!p0 $0x0  }
0x48b: {  	[sflag:s0] =	ssyncadd.s32 @!p0 $0xFFFFFB00  }
0x48c: {  	_ =	sfence.sel $0x180000  }
0x48d: {  	[bflag:$0x0] =	sbarrier.arrive $0xFFFF  }
0x48e: {  	_ =	strace $0x90000047  }
0x48f: {  	s0 =	stileid.u32;
	[bflag:$0x2] =	sbarrier.arrive $0xFFFF  }
0x490: {  	p0 =	sne.s32 s0, $0x0;
	s0 =	rddreg [dreg:$0x3]  }
0x491: {  	s0 =	sadd.s32 @!p0 $0x100000, s0  }
0x492: {  	[sflag:s0] =	ssyncadd.tile.s32 @!p0 $0x1;
	_ =	shalt  }
.Lfunc_end2:
_tile_overlayer_lowered:
.L_overlay_start_2:
0x493: {  	(tag) =	ssettag $0x2  }
0x494: {  	s0 =	rddreg [dreg:$0x0];
	s2 =	stileid.u32  }
0x495: {  	s1 =	rddreg [dreg:$0x1];
	p0 =	sne.s32 s2, $0x0  }
0x496: {  	s3 =	rddreg [dreg:$0x2];
	[bflag:$0x3] =	sbarrier.arrive $0xFFFF;
	s2 =	simm.s32 @!p0 $0x1C0B  }
0x497: {  	[timem:s3], [sflag:s2] =	dma.local @!p0 [hbm:s0], s1  }
0x498: {  	s0 =	simm.s32 @!p0 $0xB  }
0x499: {  	_ =	swait.ge @!p0 [sflag:s0], s1  }
0x49a: {  	s1 =	ssub.s32 @!p0 $0x0, s1;
	[sflag:s0] =	ssyncset.done @!p0 $0x0  }
0x49b: {  	[sflag:s0] =	ssyncadd.s32 @!p0 s1  }
0x49c: {  	[bflag:$0x3] =	sbarrier.arrive $0xFFFF  }
0x49d: {  	_ =	shalt  }

</sc_bundles>
